<compile_context>
chip_gen: v7x
topology: tpu7x:2x2x1
jax: 0.10.2.dev20260603
libtpu: 0.0.44.dev20260713+nightly
codegen_flags: <defaults>
</compile_context>

<pallas_src>
import functools

import jax
import jax.numpy as jnp
from jax import lax
from jax.experimental import pallas as pl
from jax.experimental.pallas import tpu as pltpu
from jax.experimental.pallas import tpu_sc as plsc

N_NODES = 10000
NPAD = 10240
N_EDGES = 320000
CHUNK = 128
EROWS = N_EDGES // CHUNK
NWORKERS = 32
ROWS_MAIN = EROWS // NWORKERS
FULL = ROWS_MAIN * NWORKERS
HID = 64

_mesh = plsc.VectorSubcoreMesh(core_axis_name="c", subcore_axis_name="s")
_sc_params = pltpu.CompilerParams(use_tc_tiling_on_sc=False,
                                  needs_layout_passes=False)



def _rsqrt16(x):
    i = lax.bitcast_convert_type(x, jnp.int32)
    i = jnp.int32(0x5F3759DF) - lax.shift_right_arithmetic(i, 1)
    y = lax.bitcast_convert_type(i, jnp.float32)
    for _ in range(3):
        y = y * (1.5 - 0.5 * x * y * y)
    return y


TPC = EROWS // 16
FULL1 = TPC * 16
DROWS = NPAD // NWORKERS


@functools.partial(
    pl.kernel,
    out_type=jax.ShapeDtypeStruct((NPAD, HID), jnp.float32),
    mesh=_mesh,
    compiler_params=_sc_params,
    scratch_types=[
        pltpu.VMEM((TPC, CHUNK), jnp.int32),
        pltpu.VMEM((1, CHUNK), jnp.int32),
        pltpu.VMEM((NPAD // 16,), jnp.float32),
        pltpu.VMEM((CHUNK,), jnp.float32),
        pltpu.VMEM((DROWS,), jnp.float32),
        pltpu.VMEM((DROWS, HID), jnp.float32),
        pltpu.VMEM_SHARED((NPAD,), jnp.float32),
        pltpu.SemaphoreType.DMA,
    ],
)
def _dinv_kernel(edge_hbm, dv_out, dstbuf, xdst, zbuf, ones, degv, dvbuf, dacc,
                 hsem):
    cid = lax.axis_index("c")
    sid = lax.axis_index("s")

    def zfill(i, _):
        zbuf[pl.ds(i * 16, 16)] = jnp.zeros((16,), jnp.float32)
        return 0

    lax.fori_loop(0, (NPAD // 16) // 16, zfill, 0)

    def ofill(i, _):
        ones[pl.ds(i * 16, 16)] = jnp.ones((16,), jnp.float32)
        return 0

    lax.fori_loop(0, CHUNK // 16, ofill, 0)

    seg = NPAD // 16
    pltpu.sync_copy(zbuf, dacc.at[pl.ds(sid * seg, seg)])
    pltpu.sync_copy(edge_hbm.at[1, pl.ds(sid * TPC, TPC)], dstbuf)
    plsc.subcore_barrier()

    def chunk(c, _):
        pltpu.async_copy(ones, dacc.at[dstbuf.at[c]], hsem, add=True)
        return 0

    lax.fori_loop(0, TPC, chunk, 0)

    @pl.when(sid < EROWS - FULL1)
    def _():
        pltpu.sync_copy(edge_hbm.at[1, pl.ds(FULL1 + sid, 1)], xdst)
        pltpu.sync_copy(ones, dacc.at[xdst.at[0]], add=True)

    def hdrain(c, _):
        pltpu.make_async_copy(ones, dacc.at[dstbuf.at[c]], hsem).wait()
        return 0

    lax.fori_loop(0, TPC, hdrain, 0)
    plsc.subcore_barrier()

    row0 = cid * (NPAD // 2) + sid * DROWS
    pltpu.sync_copy(dacc.at[pl.ds(row0, DROWS)], degv)

    def dcomp(i, _):
        v = degv[pl.ds(i * 16, 16)] + 1.0
        degv[pl.ds(i * 16, 16)] = _rsqrt16(v)
        return 0

    lax.fori_loop(0, DROWS // 16, dcomp, 0)

    def brow(r, _):
        v = plsc.load_gather(degv, [jnp.full((16,), r, jnp.int32)])
        for k in range(HID // 16):
            dvbuf[r, pl.ds(k * 16, 16)] = v
        return 0

    lax.fori_loop(0, DROWS, brow, 0)
    pltpu.sync_copy(dvbuf, dv_out.at[pl.ds(row0, DROWS)])


@functools.partial(
    pl.kernel,
    out_type=jax.ShapeDtypeStruct((2, NPAD, HID), jnp.float32),
    mesh=_mesh,
    compiler_params=_sc_params,
    scratch_types=[
        pltpu.VMEM((ROWS_MAIN, CHUNK), jnp.int32),
        pltpu.VMEM((ROWS_MAIN, CHUNK), jnp.int32),
        pltpu.VMEM((1, CHUNK), jnp.int32),
        pltpu.VMEM((1, CHUNK), jnp.int32),
        [pltpu.VMEM((CHUNK, HID), jnp.float32)] * 3,
        [pltpu.SemaphoreType.DMA] * 3,
        [pltpu.SemaphoreType.DMA] * 3,
        pltpu.VMEM_SHARED((NPAD, HID), jnp.float32),
        pltpu.VMEM_SHARED((N_NODES, HID), jnp.float32),
    ],
)
def _scatter_kernel(g_hbm, edge_hbm, out_hbm,
                    srcbuf, dstbuf, xsrc, xdst, rows, gsem, ssem, acc, gsp):
    cid = lax.axis_index("c")
    sid = lax.axis_index("s")
    wid = sid * 2 + cid

    def zrow(r, _):
        def zcol(k, _):
            rows[0][r, pl.ds(k * 16, 16)] = jnp.zeros((16,), jnp.float32)
            return 0
        return lax.fori_loop(0, HID // 16, zcol, 0)

    lax.fori_loop(0, CHUNK, zrow, 0)
    seg = NPAD // 16
    for k in range(seg // CHUNK):
        pltpu.sync_copy(rows[0], acc.at[pl.ds(sid * seg + k * CHUNK, CHUNK)])

    pltpu.sync_copy(edge_hbm.at[0, pl.ds(wid * ROWS_MAIN, ROWS_MAIN)], srcbuf)
    pltpu.sync_copy(edge_hbm.at[1, pl.ds(wid * ROWS_MAIN, ROWS_MAIN)], dstbuf)
    nseg = N_NODES // 16
    pltpu.sync_copy(g_hbm.at[pl.ds(sid * nseg, nseg)], gsp.at[pl.ds(sid * nseg, nseg)])
    plsc.subcore_barrier()

    def fire_g(c, b):
        pltpu.async_copy(gsp.at[srcbuf.at[c]], rows[b], gsem[b])

    def wait_g(c, b):
        pltpu.make_async_copy(gsp.at[srcbuf.at[c]], rows[b], gsem[b]).wait()

    def fire_s(c, b):
        pltpu.async_copy(rows[b], acc.at[dstbuf.at[c]], ssem[b], add=True)

    def wait_s(c, b):
        pltpu.make_async_copy(rows[b], acc.at[dstbuf.at[c]], ssem[b]).wait()

    fire_g(0, 0)
    fire_g(1, 1)

    def body(i, _):
        for j in range(3):
            c = 3 * i + j
            b = j
            bn = (j + 2) % 3
            wait_g(c, b)
            fire_s(c, b)

            @pl.when(c >= 1)
            def _():
                wait_s(c - 1, bn)

            @pl.when(c + 2 < ROWS_MAIN)
            def _():
                fire_g(c + 2, bn)
        return 0

    lax.fori_loop(0, ROWS_MAIN // 3, body, 0)
    wait_s(ROWS_MAIN - 1, (ROWS_MAIN - 1) % 3)

    @pl.when(wid < EROWS - FULL)
    def _():
        pltpu.sync_copy(edge_hbm.at[0, pl.ds(FULL + wid, 1)], xsrc)
        pltpu.sync_copy(edge_hbm.at[1, pl.ds(FULL + wid, 1)], xdst)
        pltpu.async_copy(gsp.at[xsrc.at[0]], rows[0], gsem[0])
        pltpu.make_async_copy(gsp.at[xsrc.at[0]], rows[0], gsem[0]).wait()
        pltpu.sync_copy(rows[0], acc.at[xdst.at[0]], add=True)

    plsc.subcore_barrier()
    pltpu.sync_copy(acc.at[pl.ds(sid * seg, seg)],
                    out_hbm.at[cid, pl.ds(sid * seg, seg)])




RP = 1000
NP2 = N_NODES // 2


def _mm_body(x_ref, w_ref, o_ref):
    o_ref[...] = jnp.dot(x_ref[...], w_ref[...],
                         preferred_element_type=jnp.float32)


def _scale_body(dv_ref, h_ref, o_ref):
    o_ref[...] = dv_ref[...] * h_ref[...]


def _tc2_body(dv_ref, s_ref, g_ref, b_ref, o_ref):
    dv = dv_ref[...]
    s = s_ref[...]
    z = jnp.maximum(dv * (s[0] + s[1] + g_ref[...]) + b_ref[...], 0.0)
    o_ref[...] = dv * z


def _tc3_body(dv_ref, s_ref, g_ref, w_ref, b_ref, o_ref):
    s = s_ref[...]
    t = dv_ref[...] * (s[0] + s[1] + g_ref[...])
    v = jnp.dot(t, w_ref[...],
                preferred_element_type=jnp.float32) + b_ref[...]
    o_ref[...] = v.reshape(2 * RP, 128)


_dv_spec = pl.BlockSpec((RP, 128), lambda i: (i, 0))
_s_spec = pl.BlockSpec((2, RP, 128), lambda i: (0, i, 0))
_g_spec = pl.BlockSpec((RP, 128), lambda i: (i, 0))

_mm = pl.pallas_call(
    _mm_body,
    grid=(NP2 // RP,),
    in_specs=[pl.BlockSpec((RP, 256), lambda i: (i, 0)),
              pl.BlockSpec((256, 128), lambda i: (0, 0))],
    out_specs=pl.BlockSpec((RP, 128), lambda i: (i, 0)),
    out_shape=jax.ShapeDtypeStruct((NP2, 128), jnp.float32),
)

_scale = pl.pallas_call(
    _scale_body,
    grid=(NP2 // RP,),
    in_specs=[_dv_spec, _g_spec],
    out_specs=pl.BlockSpec((RP, 128), lambda i: (i, 0)),
    out_shape=jax.ShapeDtypeStruct((NP2, 128), jnp.float32),
)

_tc2 = pl.pallas_call(
    _tc2_body,
    grid=(NP2 // RP,),
    in_specs=[_dv_spec,
              _s_spec,
              _g_spec,
              pl.BlockSpec((1, 128), lambda i: (0, 0))],
    out_specs=pl.BlockSpec((RP, 128), lambda i: (i, 0)),
    out_shape=jax.ShapeDtypeStruct((NP2, 128), jnp.float32),
)

_tc3 = pl.pallas_call(
    _tc3_body,
    grid=(NP2 // RP,),
    in_specs=[_dv_spec,
              _s_spec,
              _g_spec,
              pl.BlockSpec((128, 256), lambda i: (0, 0)),
              pl.BlockSpec((1, 256), lambda i: (0, 0))],
    out_specs=pl.BlockSpec((2 * RP, 128), lambda i: (i, 0)),
    out_shape=jax.ShapeDtypeStruct((N_NODES, 128), jnp.float32),
)


def _blockdiag2(w):
    r, c = w.shape
    z = jnp.zeros((r, c), w.dtype)
    return jnp.concatenate(
        [jnp.concatenate([w, z], axis=1),
         jnp.concatenate([z, w], axis=1)], axis=0)


def kernel(x, edge_index, W1, b1, W2, b2):
    edge_r = edge_index.astype(jnp.int32).reshape(2, EROWS, CHUNK)

    dvu = _dinv_kernel(edge_r)
    dvp = dvu.reshape(NPAD // 2, 128)

    xp = x.reshape(NP2, 256)
    w1d = _blockdiag2(W1)
    h1p = _mm(xp, w1d)
    g1p = _scale(dvp, h1p)

    s1 = _scatter_kernel(g1p.reshape(N_NODES, HID), edge_r)
    s1p = s1.reshape(2, NPAD // 2, 128)

    b1p = jnp.tile(b1, 2).reshape(1, 128)
    g2p = _tc2(dvp, s1p, g1p, b1p)

    s2 = _scatter_kernel(g2p.reshape(N_NODES, HID), edge_r)
    s2p = s2.reshape(2, NPAD // 2, 128)

    w2d = _blockdiag2(W2)
    b2p = jnp.tile(b2, 2).reshape(1, 256)
    return _tc3(dvp, s2p, g2p, w2d, b2p)

# --- scband reference (transcript-rebuilt; emitter-appended) ---
"""Pipeline reference for scband-gnnmodel-23192823399174 (READ-ONLY COPY).

The authoritative reference and input builder live on the scoring server;
editing this copy changes nothing except your own understanding.
"""

import jax, jax.numpy as jnp
import numpy as np

N_NODES = 10000
N_EDGES = 320000
IN_CH = 128
HID = 64
OUT_CH = 128


def gcn_conv(x, src, dst, W, b, num_nodes):
    # add self loops
    loop = jnp.arange(num_nodes, dtype=src.dtype)
    src_f = jnp.concatenate([src, loop])
    dst_f = jnp.concatenate([dst, loop])
    # symmetric normalization based on in-degree (with self loops)
    deg = jnp.zeros((num_nodes,), dtype=x.dtype).at[dst_f].add(1.0)
    dinv = jnp.where(deg > 0, deg ** -0.5, 0.0)
    norm = dinv[src_f] * dinv[dst_f]
    h = x @ W
    msg = h[src_f] * norm[:, None]
    out = jnp.zeros((num_nodes, W.shape[1]), dtype=x.dtype).at[dst_f].add(msg)
    return out + b


def setup_inputs(seed: int = 0) -> dict:
    key = jax.random.key(seed)
    k1, k2, k3, k4 = jax.random.split(key, 4)
    x = jax.random.normal(k1, (N_NODES, IN_CH), dtype=jnp.float32)
    edge_index = jax.random.randint(k2, (2, N_EDGES), 0, N_NODES, dtype=jnp.int64 if jax.config.read('jax_enable_x64') else jnp.int32)
    W1 = jax.random.normal(k3, (IN_CH, HID), dtype=jnp.float32) * (1.0 / np.sqrt(IN_CH))
    b1 = jnp.zeros((HID,), dtype=jnp.float32)
    W2 = jax.random.normal(k4, (HID, OUT_CH), dtype=jnp.float32) * (1.0 / np.sqrt(HID))
    b2 = jnp.zeros((OUT_CH,), dtype=jnp.float32)
    return {"x": x, "edge_index": edge_index, "W1": W1, "b1": b1, "W2": W2, "b2": b2}


def reference(x, edge_index, W1, b1, W2, b2):
    num_nodes = x.shape[0]
    src, dst = edge_index[0], edge_index[1]
    h = gcn_conv(x, src, dst, W1, b1, num_nodes)
    h = jax.nn.relu(h)
    out = gcn_conv(h, src, dst, W2, b2, num_nodes)
    return out

if __name__ == "__main__":
    import jax
    _d = setup_inputs()
    print(jax.jit(kernel)(*tuple(_d.values())))

</pallas_src>

<mosaic_0001>
#map = affine_map<(d0, d1) -> (0, 0, 0)>
#map1 = affine_map<(d0, d1) -> (0, 0)>
module attributes {stable_mosaic.version = 14 : i64} {
  func.func @_dinv_kernel(%arg0: i32, %arg1: i32, %arg2: memref<2x2500x128xi32, #tpu.memory_space<hbm>>, %arg3: memref<10240x64xf32, #tpu.memory_space<hbm>>, %arg4: memref<156x128xi32, #tpu.memory_space<vmem>>, %arg5: memref<1x128xi32, #tpu.memory_space<vmem>>, %arg6: memref<640xf32, #tpu.memory_space<vmem>>, %arg7: memref<128xf32, #tpu.memory_space<vmem>>, %arg8: memref<320xf32, #tpu.memory_space<vmem>>, %arg9: memref<320x64xf32, #tpu.memory_space<vmem>>, %arg10: memref<10240xf32, #tpu.memory_space<vmem_shared>>, %arg11: memref<!tpu.dma_semaphore, #tpu.memory_space<semaphore_mem>>) attributes {dimension_semantics = [#tpu.dimension_semantics<core_parallel>, #tpu.dimension_semantics<subcore_parallel>], iteration_bounds = array<i64: 2, 16>, scalar_prefetch = 0 : i64, scratch_operands = 8 : i64, tpu.core_type = #tpu.core_type<sc_vector_subcore>, window_params = [{transform_indices = #map}, {transform_indices = #map1}]} {
    %scan3A = arith.constant 0 : i32
    %scan3A_0 = arith.constant 0 : i32
    %scan3A_1 = arith.constant 40 : i32
    %scan3A_2 = arith.addi %scan3A_0, %scan3A_1 : i32
    %scan3A_3 = arith.constant 1 : i32
    %scan3A_4 = scf.for %scan3A_51 = %scan3A_0 to %scan3A_2 step %scan3A_3 iter_args(%scan3A_52 = %scan3A) -> (i32)  : i32 {
      %broadcast_in_dim3A = arith.constant 0.000000e+00 : f32
      %broadcast_in_dim3A_53 = vector.broadcast %broadcast_in_dim3A : f32 to vector<16xf32>
      %mul3A_54 = arith.constant 16 : i32
      %mul3A_55 = arith.muli %scan3A_51, %mul3A_54 : i32
      %swap3A = arith.index_cast %mul3A_55 : i32 to index
      %swap3A_56 = tpu.vector_load %arg6[%swap3A] {strides = array<i32>} : memref<640xf32, #tpu.memory_space<vmem>>, vector<16xf32>,
      tpu.vector_store %arg6[%swap3A], %broadcast_in_dim3A_53 {strides = array<i32>} : memref<640xf32, #tpu.memory_space<vmem>>, vector<16xf32>,
      %scan3A_57 = arith.constant 0 : i32
      scf.yield %scan3A_57 : i32
    }
    %scan3A_5 = arith.constant 40 : i32
    %scan3A_6 = arith.constant 0 : i32
    %scan3A_7 = arith.constant 0 : i32
    %scan3A_8 = arith.constant 8 : i32
    %scan3A_9 = arith.addi %scan3A_7, %scan3A_8 : i32
    %scan3A_10 = arith.constant 1 : i32
    %scan3A_11 = scf.for %scan3A_51 = %scan3A_7 to %scan3A_9 step %scan3A_10 iter_args(%scan3A_52 = %scan3A_6) -> (i32)  : i32 {
      %broadcast_in_dim3A = arith.constant 1.000000e+00 : f32
      %broadcast_in_dim3A_53 = vector.broadcast %broadcast_in_dim3A : f32 to vector<16xf32>
      %mul3A_54 = arith.constant 16 : i32
      %mul3A_55 = arith.muli %scan3A_51, %mul3A_54 : i32
      %swap3A = arith.index_cast %mul3A_55 : i32 to index
      %swap3A_56 = tpu.vector_load %arg7[%swap3A] {strides = array<i32>} : memref<128xf32, #tpu.memory_space<vmem>>, vector<16xf32>,
      tpu.vector_store %arg7[%swap3A], %broadcast_in_dim3A_53 {strides = array<i32>} : memref<128xf32, #tpu.memory_space<vmem>>, vector<16xf32>,
      %scan3A_57 = arith.constant 0 : i32
      scf.yield %scan3A_57 : i32
    }
    %scan3A_12 = arith.constant 8 : i32
    %mul3A = arith.constant 640 : i32
    %mul3A_13 = arith.muli %arg1, %mul3A : i32
    "tpu.region"() ({
      %run_scoped3A_51 = tpu.sem_alloc : memref<!tpu.dma_semaphore, #tpu.memory_space<semaphore_mem>>
      %dma_start3A = tpu.memref_slice %arg10[%mul3A_13] : memref<10240xf32, #tpu.memory_space<vmem_shared>> -> memref<640xf32, #tpu.memory_space<vmem_shared>>
      %dma_start3A_52 = tpu.memref_slice %arg10[%mul3A_13] : memref<10240xf32, #tpu.memory_space<vmem_shared>> -> memref<640xf32, #tpu.memory_space<vmem_shared>>
      tpu.enqueue_dma source(%arg6 : memref<640xf32, #tpu.memory_space<vmem>>) target(%dma_start3A_52 : memref<640xf32, #tpu.memory_space<vmem_shared>>) target_semaphore(%run_scoped3A_51 : memref<!tpu.dma_semaphore, #tpu.memory_space<semaphore_mem>>)
      %dma_wait3A = tpu.memref_slice %arg10[%mul3A_13] : memref<10240xf32, #tpu.memory_space<vmem_shared>> -> memref<640xf32, #tpu.memory_space<vmem_shared>>
      %dma_wait3A_53 = tpu.memref_slice %arg10[%mul3A_13] : memref<10240xf32, #tpu.memory_space<vmem_shared>> -> memref<640xf32, #tpu.memory_space<vmem_shared>>
      tpu.wait_dma2 semaphore(%run_scoped3A_51 : memref<!tpu.dma_semaphore, #tpu.memory_space<semaphore_mem>>) src(%arg6 : memref<640xf32, #tpu.memory_space<vmem>>) dst(%dma_wait3A_53 : memref<640xf32, #tpu.memory_space<vmem_shared>>)
      tpu.yield
    }) : () -> ()
    %mul3A_14 = arith.constant 156 : i32
    %mul3A_15 = arith.muli %arg1, %mul3A_14 : i32
    %run_scoped3A = arith.constant 1 : i32
    "tpu.region"() ({
      %run_scoped3A_51 = tpu.sem_alloc : memref<!tpu.dma_semaphore, #tpu.memory_space<semaphore_mem>>
      %dma_start3A = arith.constant 0 : i32
      %dma_start3A_52 = tpu.memref_slice %arg2[%run_scoped3A, %mul3A_15, %dma_start3A] : memref<2x2500x128xi32, #tpu.memory_space<hbm>> -> memref<1x156x128xi32, #tpu.memory_space<hbm>>
      %dma_start3A_53 = tpu.memref_squeeze %dma_start3A_52 : memref<1x156x128xi32, #tpu.memory_space<hbm>> -> memref<156x128xi32, #tpu.memory_space<hbm>>
      %dma_start3A_54 = arith.constant 0 : i32
      %dma_start3A_55 = tpu.memref_slice %arg2[%run_scoped3A, %mul3A_15, %dma_start3A_54] : memref<2x2500x128xi32, #tpu.memory_space<hbm>> -> memref<1x156x128xi32, #tpu.memory_space<hbm>>
      %dma_start3A_56 = tpu.memref_squeeze %dma_start3A_55 : memref<1x156x128xi32, #tpu.memory_space<hbm>> -> memref<156x128xi32, #tpu.memory_space<hbm>>
      tpu.enqueue_dma source(%dma_start3A_56 : memref<156x128xi32, #tpu.memory_space<hbm>>) target(%arg4 : memref<156x128xi32, #tpu.memory_space<vmem>>) target_semaphore(%run_scoped3A_51 : memref<!tpu.dma_semaphore, #tpu.memory_space<semaphore_mem>>)
      %dma_wait3A = arith.constant 0 : i32
      %dma_wait3A_57 = tpu.memref_slice %arg2[%run_scoped3A, %mul3A_15, %dma_wait3A] : memref<2x2500x128xi32, #tpu.memory_space<hbm>> -> memref<1x156x128xi32, #tpu.memory_space<hbm>>
      %dma_wait3A_58 = tpu.memref_squeeze %dma_wait3A_57 : memref<1x156x128xi32, #tpu.memory_space<hbm>> -> memref<156x128xi32, #tpu.memory_space<hbm>>
      %dma_wait3A_59 = arith.constant 0 : i32
      %dma_wait3A_60 = tpu.memref_slice %arg2[%run_scoped3A, %mul3A_15, %dma_wait3A_59] : memref<2x2500x128xi32, #tpu.memory_space<hbm>> -> memref<1x156x128xi32, #tpu.memory_space<hbm>>
      %dma_wait3A_61 = tpu.memref_squeeze %dma_wait3A_60 : memref<1x156x128xi32, #tpu.memory_space<hbm>> -> memref<156x128xi32, #tpu.memory_space<hbm>>
      tpu.wait_dma2 semaphore(%run_scoped3A_51 : memref<!tpu.dma_semaphore, #tpu.memory_space<semaphore_mem>>) src(%dma_wait3A_61 : memref<156x128xi32, #tpu.memory_space<hbm>>) dst(%arg4 : memref<156x128xi32, #tpu.memory_space<vmem>>)
      tpu.yield
    }) : () -> ()
    %barrier3A = arith.constant 0 : index
    tpu.barrier barrier_id(%barrier3A)
    %scan3A_16 = arith.constant 0 : i32
    %scan3A_17 = arith.constant 0 : i32
    %scan3A_18 = arith.constant 156 : i32
    %scan3A_19 = arith.addi %scan3A_17, %scan3A_18 : i32
    %scan3A_20 = arith.constant 1 : i32
    %scan3A_21 = scf.for %scan3A_51 = %scan3A_17 to %scan3A_19 step %scan3A_20 iter_args(%scan3A_52 = %scan3A_16) -> (i32)  : i32 {
      %dma_start3A = arith.constant 0 : i32
      %dma_start3A_53 = tpu.memref_slice %arg4[%scan3A_51, %dma_start3A] : memref<156x128xi32, #tpu.memory_space<vmem>> -> memref<1x128xi32, #tpu.memory_space<vmem>>
      %dma_start3A_54 = tpu.memref_squeeze %dma_start3A_53 : memref<1x128xi32, #tpu.memory_space<vmem>> -> memref<128xi32, #tpu.memory_space<vmem>>
      %dma_start3A_55 = arith.constant 0 : i32
      %dma_start3A_56 = tpu.memref_slice %arg10[%dma_start3A_55] : memref<10240xf32, #tpu.memory_space<vmem_shared>> -> memref<10240xf32, #tpu.memory_space<vmem_shared>>
      tpu.enqueue_indirect_dma source(%arg7 : memref<128xf32, #tpu.memory_space<vmem>>) target(%dma_start3A_56 : memref<10240xf32, #tpu.memory_space<vmem_shared>>) offsets(%dma_start3A_54 : memref<128xi32, #tpu.memory_space<vmem>>) semaphore(%arg11 : memref<!tpu.dma_semaphore, #tpu.memory_space<semaphore_mem>>) {add = true}
      %scan3A_57 = arith.constant 0 : i32
      scf.yield %scan3A_57 : i32
    }
    %scan3A_22 = arith.constant 156 : i32
    %lt3A = arith.constant 4 : i32
    %lt3A_23 = arith.cmpi slt, %arg1, %lt3A : i32
    %convert_element_type3A = arith.extui %lt3A_23 : i1 to i32
    %cond3A = arith.constant 0 : i32
    %cond3A_24 = arith.cmpi ne, %convert_element_type3A, %cond3A : i32
    scf.if %cond3A_24 {
      %add3A_51 = arith.constant 2496 : i32
      %add3A_52 = arith.addi %add3A_51, %arg1 : i32
      %run_scoped3A_53 = arith.constant 1 : i32
      "tpu.region"() ({
        %run_scoped3A_55 = tpu.sem_alloc : memref<!tpu.dma_semaphore, #tpu.memory_space<semaphore_mem>>
        %dma_start3A = arith.constant 0 : i32
        %dma_start3A_56 = tpu.memref_slice %arg2[%run_scoped3A_53, %add3A_52, %dma_start3A] : memref<2x2500x128xi32, #tpu.memory_space<hbm>> -> memref<1x1x128xi32, #tpu.memory_space<hbm>>
        %dma_start3A_57 = tpu.memref_squeeze %dma_start3A_56 : memref<1x1x128xi32, #tpu.memory_space<hbm>> -> memref<1x128xi32, #tpu.memory_space<hbm>>
        %dma_start3A_58 = arith.constant 0 : i32
        %dma_start3A_59 = tpu.memref_slice %arg2[%run_scoped3A_53, %add3A_52, %dma_start3A_58] : memref<2x2500x128xi32, #tpu.memory_space<hbm>> -> memref<1x1x128xi32, #tpu.memory_space<hbm>>
        %dma_start3A_60 = tpu.memref_squeeze %dma_start3A_59 : memref<1x1x128xi32, #tpu.memory_space<hbm>> -> memref<1x128xi32, #tpu.memory_space<hbm>>
        tpu.enqueue_dma source(%dma_start3A_60 : memref<1x128xi32, #tpu.memory_space<hbm>>) target(%arg5 : memref<1x128xi32, #tpu.memory_space<vmem>>) target_semaphore(%run_scoped3A_55 : memref<!tpu.dma_semaphore, #tpu.memory_space<semaphore_mem>>)
        %dma_wait3A = arith.constant 0 : i32
        %dma_wait3A_61 = tpu.memref_slice %arg2[%run_scoped3A_53, %add3A_52, %dma_wait3A] : memref<2x2500x128xi32, #tpu.memory_space<hbm>> -> memref<1x1x128xi32, #tpu.memory_space<hbm>>
        %dma_wait3A_62 = tpu.memref_squeeze %dma_wait3A_61 : memref<1x1x128xi32, #tpu.memory_space<hbm>> -> memref<1x128xi32, #tpu.memory_space<hbm>>
        %dma_wait3A_63 = arith.constant 0 : i32
        %dma_wait3A_64 = tpu.memref_slice %arg2[%run_scoped3A_53, %add3A_52, %dma_wait3A_63] : memref<2x2500x128xi32, #tpu.memory_space<hbm>> -> memref<1x1x128xi32, #tpu.memory_space<hbm>>
        %dma_wait3A_65 = tpu.memref_squeeze %dma_wait3A_64 : memref<1x1x128xi32, #tpu.memory_space<hbm>> -> memref<1x128xi32, #tpu.memory_space<hbm>>
        tpu.wait_dma2 semaphore(%run_scoped3A_55 : memref<!tpu.dma_semaphore, #tpu.memory_space<semaphore_mem>>) src(%dma_wait3A_65 : memref<1x128xi32, #tpu.memory_space<hbm>>) dst(%arg5 : memref<1x128xi32, #tpu.memory_space<vmem>>)
        tpu.yield
      }) : () -> ()
      %run_scoped3A_54 = arith.constant 0 : i32
      "tpu.region"() ({
        %run_scoped3A_55 = tpu.sem_alloc : memref<!tpu.dma_semaphore, #tpu.memory_space<semaphore_mem>>
        %dma_start3A = arith.constant 0 : i32
        %dma_start3A_56 = tpu.memref_slice %arg5[%run_scoped3A_54, %dma_start3A] : memref<1x128xi32, #tpu.memory_space<vmem>> -> memref<1x128xi32, #tpu.memory_space<vmem>>
        %dma_start3A_57 = tpu.memref_squeeze %dma_start3A_56 : memref<1x128xi32, #tpu.memory_space<vmem>> -> memref<128xi32, #tpu.memory_space<vmem>>
        %dma_start3A_58 = arith.constant 0 : i32
        %dma_start3A_59 = tpu.memref_slice %arg10[%dma_start3A_58] : memref<10240xf32, #tpu.memory_space<vmem_shared>> -> memref<10240xf32, #tpu.memory_space<vmem_shared>>
        tpu.enqueue_indirect_dma source(%arg7 : memref<128xf32, #tpu.memory_space<vmem>>) target(%dma_start3A_59 : memref<10240xf32, #tpu.memory_space<vmem_shared>>) offsets(%dma_start3A_57 : memref<128xi32, #tpu.memory_space<vmem>>) semaphore(%run_scoped3A_55 : memref<!tpu.dma_semaphore, #tpu.memory_space<semaphore_mem>>) {add = true}
        %dma_wait3A = arith.constant 0 : i32
        %dma_wait3A_60 = tpu.memref_slice %arg5[%run_scoped3A_54, %dma_wait3A] : memref<1x128xi32, #tpu.memory_space<vmem>> -> memref<1x128xi32, #tpu.memory_space<vmem>>
        %dma_wait3A_61 = tpu.memref_squeeze %dma_wait3A_60 : memref<1x128xi32, #tpu.memory_space<vmem>> -> memref<128xi32, #tpu.memory_space<vmem>>
        %dma_wait3A_62 = arith.constant 0 : i32
        %dma_wait3A_63 = tpu.memref_slice %arg10[%dma_wait3A_62] : memref<10240xf32, #tpu.memory_space<vmem_shared>> -> memref<10240xf32, #tpu.memory_space<vmem_shared>>
        tpu.wait_indirect_dma semaphore(%run_scoped3A_55 : memref<!tpu.dma_semaphore, #tpu.memory_space<semaphore_mem>>) src(%arg7 : memref<128xf32, #tpu.memory_space<vmem>>) dst(%dma_wait3A_63 : memref<10240xf32, #tpu.memory_space<vmem_shared>>)
        tpu.yield
      }) : () -> ()
    } else {
    }
    %scan3A_25 = arith.constant 0 : i32
    %scan3A_26 = arith.constant 0 : i32
    %scan3A_27 = arith.constant 156 : i32
    %scan3A_28 = arith.addi %scan3A_26, %scan3A_27 : i32
    %scan3A_29 = arith.constant 1 : i32
    %scan3A_30 = scf.for %scan3A_51 = %scan3A_26 to %scan3A_28 step %scan3A_29 iter_args(%scan3A_52 = %scan3A_25) -> (i32)  : i32 {
      %dma_wait3A = arith.constant 0 : i32
      %dma_wait3A_53 = tpu.memref_slice %arg4[%scan3A_51, %dma_wait3A] : memref<156x128xi32, #tpu.memory_space<vmem>> -> memref<1x128xi32, #tpu.memory_space<vmem>>
      %dma_wait3A_54 = tpu.memref_squeeze %dma_wait3A_53 : memref<1x128xi32, #tpu.memory_space<vmem>> -> memref<128xi32, #tpu.memory_space<vmem>>
      %dma_wait3A_55 = arith.constant 0 : i32
      %dma_wait3A_56 = tpu.memref_slice %arg10[%dma_wait3A_55] : memref<10240xf32, #tpu.memory_space<vmem_shared>> -> memref<10240xf32, #tpu.memory_space<vmem_shared>>
      tpu.wait_indirect_dma semaphore(%arg11 : memref<!tpu.dma_semaphore, #tpu.memory_space<semaphore_mem>>) src(%arg7 : memref<128xf32, #tpu.memory_space<vmem>>) dst(%dma_wait3A_56 : memref<10240xf32, #tpu.memory_space<vmem_shared>>)
      %scan3A_57 = arith.constant 0 : i32
      scf.yield %scan3A_57 : i32
    }
    %scan3A_31 = arith.constant 156 : i32
    %barrier3A_32 = arith.constant 0 : index
    tpu.barrier barrier_id(%barrier3A_32)
    %mul3A_33 = arith.constant 5120 : i32
    %mul3A_34 = arith.muli %arg0, %mul3A_33 : i32
    %mul3A_35 = arith.constant 320 : i32
    %mul3A_36 = arith.muli %arg1, %mul3A_35 : i32
    %add3A = arith.addi %mul3A_34, %mul3A_36 : i32
    "tpu.region"() ({
      %run_scoped3A_51 = tpu.sem_alloc : memref<!tpu.dma_semaphore, #tpu.memory_space<semaphore_mem>>
      %dma_start3A = tpu.memref_slice %arg10[%add3A] : memref<10240xf32, #tpu.memory_space<vmem_shared>> -> memref<320xf32, #tpu.memory_space<vmem_shared>>
      %dma_start3A_52 = tpu.memref_slice %arg10[%add3A] : memref<10240xf32, #tpu.memory_space<vmem_shared>> -> memref<320xf32, #tpu.memory_space<vmem_shared>>
      tpu.enqueue_dma source(%dma_start3A_52 : memref<320xf32, #tpu.memory_space<vmem_shared>>) target(%arg8 : memref<320xf32, #tpu.memory_space<vmem>>) target_semaphore(%run_scoped3A_51 : memref<!tpu.dma_semaphore, #tpu.memory_space<semaphore_mem>>)
      %dma_wait3A = tpu.memref_slice %arg10[%add3A] : memref<10240xf32, #tpu.memory_space<vmem_shared>> -> memref<320xf32, #tpu.memory_space<vmem_shared>>
      %dma_wait3A_53 = tpu.memref_slice %arg10[%add3A] : memref<10240xf32, #tpu.memory_space<vmem_shared>> -> memref<320xf32, #tpu.memory_space<vmem_shared>>
      tpu.wait_dma2 semaphore(%run_scoped3A_51 : memref<!tpu.dma_semaphore, #tpu.memory_space<semaphore_mem>>) src(%dma_wait3A_53 : memref<320xf32, #tpu.memory_space<vmem_shared>>) dst(%arg8 : memref<320xf32, #tpu.memory_space<vmem>>)
      tpu.yield
    }) : () -> ()
    %scan3A_37 = arith.constant 0 : i32
    %scan3A_38 = arith.constant 0 : i32
    %scan3A_39 = arith.constant 20 : i32
    %scan3A_40 = arith.addi %scan3A_38, %scan3A_39 : i32
    %scan3A_41 = arith.constant 1 : i32
    %scan3A_42 = scf.for %scan3A_51 = %scan3A_38 to %scan3A_40 step %scan3A_41 iter_args(%scan3A_52 = %scan3A_37) -> (i32)  : i32 {
      %mul3A_53 = arith.constant 16 : i32
      %mul3A_54 = arith.muli %scan3A_51, %mul3A_53 : i32
      %get3A = arith.index_cast %mul3A_54 : i32 to index
      %get3A_55 = tpu.vector_load %arg8[%get3A] {strides = array<i32>} : memref<320xf32, #tpu.memory_space<vmem>>, vector<16xf32>,
      %add3A_56 = arith.constant 1.000000e+00 : f32
      %add3A_57 = vector.broadcast %add3A_56 : f32 to vector<16xf32>
      %add3A_58 = arith.addf %get3A_55, %add3A_57 : vector<16xf32>
      %bitcast_convert_type3A = tpu.bitcast %add3A_58 : vector<16xf32> -> vector<16xi32>
      %shift_right_arithmetic3A = arith.constant 1 : i32
      %shift_right_arithmetic3A_59 = vector.broadcast %shift_right_arithmetic3A : i32 to vector<16xi32>
      %shift_right_arithmetic3A_60 = arith.shrsi %bitcast_convert_type3A, %shift_right_arithmetic3A_59 : vector<16xi32>
      %sub3A = arith.constant 1597463007 : i32
      %sub3A_61 = vector.broadcast %sub3A : i32 to vector<16xi32>
      %sub3A_62 = arith.subi %sub3A_61, %shift_right_arithmetic3A_60 : vector<16xi32>
      %bitcast_convert_type3A_63 = tpu.bitcast %sub3A_62 : vector<16xi32> -> vector<16xf32>
      %mul3A_64 = arith.constant 5.000000e-01 : f32
      %mul3A_65 = vector.broadcast %mul3A_64 : f32 to vector<16xf32>
      %mul3A_66 = arith.mulf %mul3A_65, %add3A_58 : vector<16xf32>
      %mul3A_67 = arith.mulf %mul3A_66, %bitcast_convert_type3A_63 : vector<16xf32>
      %mul3A_68 = arith.mulf %mul3A_67, %bitcast_convert_type3A_63 : vector<16xf32>
      %sub3A_69 = arith.constant 1.500000e+00 : f32
      %sub3A_70 = vector.broadcast %sub3A_69 : f32 to vector<16xf32>
      %sub3A_71 = arith.subf %sub3A_70, %mul3A_68 : vector<16xf32>
      %mul3A_72 = arith.mulf %bitcast_convert_type3A_63, %sub3A_71 : vector<16xf32>
      %mul3A_73 = arith.constant 5.000000e-01 : f32
      %mul3A_74 = vector.broadcast %mul3A_73 : f32 to vector<16xf32>
      %mul3A_75 = arith.mulf %mul3A_74, %add3A_58 : vector<16xf32>
      %mul3A_76 = arith.mulf %mul3A_75, %mul3A_72 : vector<16xf32>
      %mul3A_77 = arith.mulf %mul3A_76, %mul3A_72 : vector<16xf32>
      %sub3A_78 = arith.constant 1.500000e+00 : f32
      %sub3A_79 = vector.broadcast %sub3A_78 : f32 to vector<16xf32>
      %sub3A_80 = arith.subf %sub3A_79, %mul3A_77 : vector<16xf32>
      %mul3A_81 = arith.mulf %mul3A_72, %sub3A_80 : vector<16xf32>
      %mul3A_82 = arith.constant 5.000000e-01 : f32
      %mul3A_83 = vector.broadcast %mul3A_82 : f32 to vector<16xf32>
      %mul3A_84 = arith.mulf %mul3A_83, %add3A_58 : vector<16xf32>
      %mul3A_85 = arith.mulf %mul3A_84, %mul3A_81 : vector<16xf32>
      %mul3A_86 = arith.mulf %mul3A_85, %mul3A_81 : vector<16xf32>
      %sub3A_87 = arith.constant 1.500000e+00 : f32
      %sub3A_88 = vector.broadcast %sub3A_87 : f32 to vector<16xf32>
      %sub3A_89 = arith.subf %sub3A_88, %mul3A_86 : vector<16xf32>
      %mul3A_90 = arith.mulf %mul3A_81, %sub3A_89 : vector<16xf32>
      %mul3A_91 = arith.constant 16 : i32
      %mul3A_92 = arith.muli %scan3A_51, %mul3A_91 : i32
      %swap3A = arith.index_cast %mul3A_92 : i32 to index
      %swap3A_93 = tpu.vector_load %arg8[%swap3A] {strides = array<i32>} : memref<320xf32, #tpu.memory_space<vmem>>, vector<16xf32>,
      tpu.vector_store %arg8[%swap3A], %mul3A_90 {strides = array<i32>} : memref<320xf32, #tpu.memory_space<vmem>>, vector<16xf32>,
      %scan3A_94 = arith.constant 0 : i32
      scf.yield %scan3A_94 : i32
    }
    %scan3A_43 = arith.constant 20 : i32
    %scan3A_44 = arith.constant 0 : i32
    %scan3A_45 = arith.constant 0 : i32
    %scan3A_46 = arith.constant 320 : i32
    %scan3A_47 = arith.addi %scan3A_45, %scan3A_46 : i32
    %scan3A_48 = arith.constant 1 : i32
    %scan3A_49 = scf.for %scan3A_51 = %scan3A_45 to %scan3A_47 step %scan3A_48 iter_args(%scan3A_52 = %scan3A_44) -> (i32)  : i32 {
      %broadcast_in_dim3A = vector.broadcast %scan3A_51 : i32 to vector<16xi32>
      %gather3A = tpu.vector_load_idx %arg8[%broadcast_in_dim3A] : memref<320xf32, #tpu.memory_space<vmem>>[vector<16xi32>], vector<16xf32>,
      %swap3A = arith.index_cast %scan3A_51 : i32 to index
      %swap3A_53 = arith.constant 0 : index
      %swap3A_54 = tpu.vector_load %arg9[%swap3A, %swap3A_53] {strides = array<i32>} : memref<320x64xf32, #tpu.memory_space<vmem>>, vector<16xf32>,
      tpu.vector_store %arg9[%swap3A, %swap3A_53], %gather3A {strides = array<i32>} : memref<320x64xf32, #tpu.memory_space<vmem>>, vector<16xf32>,
      %swap3A_55 = arith.index_cast %scan3A_51 : i32 to index
      %swap3A_56 = arith.constant 16 : index
      %swap3A_57 = tpu.vector_load %arg9[%swap3A_55, %swap3A_56] {strides = array<i32>} : memref<320x64xf32, #tpu.memory_space<vmem>>, vector<16xf32>,
      tpu.vector_store %arg9[%swap3A_55, %swap3A_56], %gather3A {strides = array<i32>} : memref<320x64xf32, #tpu.memory_space<vmem>>, vector<16xf32>,
      %swap3A_58 = arith.index_cast %scan3A_51 : i32 to index
      %swap3A_59 = arith.constant 32 : index
      %swap3A_60 = tpu.vector_load %arg9[%swap3A_58, %swap3A_59] {strides = array<i32>} : memref<320x64xf32, #tpu.memory_space<vmem>>, vector<16xf32>,
      tpu.vector_store %arg9[%swap3A_58, %swap3A_59], %gather3A {strides = array<i32>} : memref<320x64xf32, #tpu.memory_space<vmem>>, vector<16xf32>,
      %swap3A_61 = arith.index_cast %scan3A_51 : i32 to index
      %swap3A_62 = arith.constant 48 : index
      %swap3A_63 = tpu.vector_load %arg9[%swap3A_61, %swap3A_62] {strides = array<i32>} : memref<320x64xf32, #tpu.memory_space<vmem>>, vector<16xf32>,
      tpu.vector_store %arg9[%swap3A_61, %swap3A_62], %gather3A {strides = array<i32>} : memref<320x64xf32, #tpu.memory_space<vmem>>, vector<16xf32>,
      %scan3A_64 = arith.constant 0 : i32
      scf.yield %scan3A_64 : i32
    }
    %scan3A_50 = arith.constant 320 : i32
    "tpu.region"() ({
      %run_scoped3A_51 = tpu.sem_alloc : memref<!tpu.dma_semaphore, #tpu.memory_space<semaphore_mem>>
      %dma_start3A = arith.constant 0 : i32
      %dma_start3A_52 = tpu.memref_slice %arg3[%add3A, %dma_start3A] : memref<10240x64xf32, #tpu.memory_space<hbm>> -> memref<320x64xf32, #tpu.memory_space<hbm>>
      %dma_start3A_53 = arith.constant 0 : i32
      %dma_start3A_54 = tpu.memref_slice %arg3[%add3A, %dma_start3A_53] : memref<10240x64xf32, #tpu.memory_space<hbm>> -> memref<320x64xf32, #tpu.memory_space<hbm>>
      tpu.enqueue_dma source(%arg9 : memref<320x64xf32, #tpu.memory_space<vmem>>) target(%dma_start3A_54 : memref<320x64xf32, #tpu.memory_space<hbm>>) target_semaphore(%run_scoped3A_51 : memref<!tpu.dma_semaphore, #tpu.memory_space<semaphore_mem>>)
      %dma_wait3A = arith.constant 0 : i32
      %dma_wait3A_55 = tpu.memref_slice %arg3[%add3A, %dma_wait3A] : memref<10240x64xf32, #tpu.memory_space<hbm>> -> memref<320x64xf32, #tpu.memory_space<hbm>>
      %dma_wait3A_56 = arith.constant 0 : i32
      %dma_wait3A_57 = tpu.memref_slice %arg3[%add3A, %dma_wait3A_56] : memref<10240x64xf32, #tpu.memory_space<hbm>> -> memref<320x64xf32, #tpu.memory_space<hbm>>
      tpu.wait_dma2 semaphore(%run_scoped3A_51 : memref<!tpu.dma_semaphore, #tpu.memory_space<semaphore_mem>>) src(%arg9 : memref<320x64xf32, #tpu.memory_space<vmem>>) dst(%dma_wait3A_57 : memref<320x64xf32, #tpu.memory_space<hbm>>)
      tpu.yield
    }) : () -> ()
    return
  }
}

#map = affine_map<(d0, d1) -> (0, 0)>
#map1 = affine_map<(d0, d1) -> (0, 0, 0)>
module attributes {stable_mosaic.version = 14 : i64} {
  func.func @_scatter_kernel(%arg0: i32, %arg1: i32, %arg2: memref<10000x64xf32, #tpu.memory_space<hbm>>, %arg3: memref<2x2500x128xi32, #tpu.memory_space<hbm>>, %arg4: memref<2x10240x64xf32, #tpu.memory_space<hbm>>, %arg5: memref<78x128xi32, #tpu.memory_space<vmem>>, %arg6: memref<78x128xi32, #tpu.memory_space<vmem>>, %arg7: memref<1x128xi32, #tpu.memory_space<vmem>>, %arg8: memref<1x128xi32, #tpu.memory_space<vmem>>, %arg9: memref<128x64xf32, #tpu.memory_space<vmem>>, %arg10: memref<128x64xf32, #tpu.memory_space<vmem>>, %arg11: memref<128x64xf32, #tpu.memory_space<vmem>>, %arg12: memref<!tpu.dma_semaphore, #tpu.memory_space<semaphore_mem>>, %arg13: memref<!tpu.dma_semaphore, #tpu.memory_space<semaphore_mem>>, %arg14: memref<!tpu.dma_semaphore, #tpu.memory_space<semaphore_mem>>, %arg15: memref<!tpu.dma_semaphore, #tpu.memory_space<semaphore_mem>>, %arg16: memref<!tpu.dma_semaphore, #tpu.memory_space<semaphore_mem>>, %arg17: memref<!tpu.dma_semaphore, #tpu.memory_space<semaphore_mem>>, %arg18: memref<10240x64xf32, #tpu.memory_space<vmem_shared>>, %arg19: memref<10000x64xf32, #tpu.memory_space<vmem_shared>>) attributes {dimension_semantics = [#tpu.dimension_semantics<core_parallel>, #tpu.dimension_semantics<subcore_parallel>], iteration_bounds = array<i64: 2, 16>, scalar_prefetch = 0 : i64, scratch_operands = 15 : i64, tpu.core_type = #tpu.core_type<sc_vector_subcore>, window_params = [{transform_indices = #map}, {transform_indices = #map1}, {transform_indices = #map1}]} {
    %mul3A = arith.constant 2 : i32
    %mul3A_0 = arith.muli %arg1, %mul3A : i32
    %add3A = arith.addi %mul3A_0, %arg0 : i32
    %scan3A = arith.constant 0 : i32
    %scan3A_1 = arith.constant 0 : i32
    %scan3A_2 = arith.constant 128 : i32
    %scan3A_3 = arith.addi %scan3A_1, %scan3A_2 : i32
    %scan3A_4 = arith.constant 1 : i32
    %scan3A_5 = scf.for %scan3A_69 = %scan3A_1 to %scan3A_3 step %scan3A_4 iter_args(%scan3A_70 = %scan3A) -> (i32)  : i32 {
      %scan3A_71 = arith.constant 0 : i32
      %scan3A_72 = arith.constant 0 : i32
      %scan3A_73 = arith.constant 4 : i32
      %scan3A_74 = arith.addi %scan3A_72, %scan3A_73 : i32
      %scan3A_75 = arith.constant 1 : i32
      %scan3A_76 = scf.for %scan3A_78 = %scan3A_72 to %scan3A_74 step %scan3A_75 iter_args(%scan3A_79 = %scan3A_71) -> (i32)  : i32 {
        %broadcast_in_dim3A = arith.constant 0.000000e+00 : f32
        %broadcast_in_dim3A_80 = vector.broadcast %broadcast_in_dim3A : f32 to vector<16xf32>
        %mul3A_81 = arith.constant 16 : i32
        %mul3A_82 = arith.muli %scan3A_78, %mul3A_81 : i32
        %swap3A = arith.index_cast %scan3A_69 : i32 to index
        %swap3A_83 = arith.index_cast %mul3A_82 : i32 to index
        %swap3A_84 = tpu.vector_load %arg9[%swap3A, %swap3A_83] {strides = array<i32>} : memref<128x64xf32, #tpu.memory_space<vmem>>, vector<16xf32>,
        tpu.vector_store %arg9[%swap3A, %swap3A_83], %broadcast_in_dim3A_80 {strides = array<i32>} : memref<128x64xf32, #tpu.memory_space<vmem>>, vector<16xf32>,
        %scan3A_85 = arith.constant 0 : i32
        scf.yield %scan3A_85 : i32
      }
      %scan3A_77 = arith.constant 4 : i32
      scf.yield %scan3A_76 : i32
    }
    %scan3A_6 = arith.constant 128 : i32
    %mul3A_7 = arith.constant 640 : i32
    %mul3A_8 = arith.muli %arg1, %mul3A_7 : i32
    %add3A_9 = arith.constant 0 : i32
    %add3A_10 = arith.addi %mul3A_8, %add3A_9 : i32
    "tpu.region"() ({
      %run_scoped3A_69 = tpu.sem_alloc : memref<!tpu.dma_semaphore, #tpu.memory_space<semaphore_mem>>
      %dma_start3A_70 = arith.constant 0 : i32
      %dma_start3A_71 = tpu.memref_slice %arg18[%add3A_10, %dma_start3A_70] : memref<10240x64xf32, #tpu.memory_space<vmem_shared>> -> memref<128x64xf32, #tpu.memory_space<vmem_shared>>
      %dma_start3A_72 = arith.constant 0 : i32
      %dma_start3A_73 = tpu.memref_slice %arg18[%add3A_10, %dma_start3A_72] : memref<10240x64xf32, #tpu.memory_space<vmem_shared>> -> memref<128x64xf32, #tpu.memory_space<vmem_shared>>
      tpu.enqueue_dma source(%arg9 : memref<128x64xf32, #tpu.memory_space<vmem>>) target(%dma_start3A_73 : memref<128x64xf32, #tpu.memory_space<vmem_shared>>) target_semaphore(%run_scoped3A_69 : memref<!tpu.dma_semaphore, #tpu.memory_space<semaphore_mem>>)
      %dma_wait3A_74 = arith.constant 0 : i32
      %dma_wait3A_75 = tpu.memref_slice %arg18[%add3A_10, %dma_wait3A_74] : memref<10240x64xf32, #tpu.memory_space<vmem_shared>> -> memref<128x64xf32, #tpu.memory_space<vmem_shared>>
      %dma_wait3A_76 = arith.constant 0 : i32
      %dma_wait3A_77 = tpu.memref_slice %arg18[%add3A_10, %dma_wait3A_76] : memref<10240x64xf32, #tpu.memory_space<vmem_shared>> -> memref<128x64xf32, #tpu.memory_space<vmem_shared>>
      tpu.wait_dma2 semaphore(%run_scoped3A_69 : memref<!tpu.dma_semaphore, #tpu.memory_space<semaphore_mem>>) src(%arg9 : memref<128x64xf32, #tpu.memory_space<vmem>>) dst(%dma_wait3A_77 : memref<128x64xf32, #tpu.memory_space<vmem_shared>>)
      tpu.yield
    }) : () -> ()
    %mul3A_11 = arith.constant 640 : i32
    %mul3A_12 = arith.muli %arg1, %mul3A_11 : i32
    %add3A_13 = arith.constant 128 : i32
    %add3A_14 = arith.addi %mul3A_12, %add3A_13 : i32
    "tpu.region"() ({
      %run_scoped3A_69 = tpu.sem_alloc : memref<!tpu.dma_semaphore, #tpu.memory_space<semaphore_mem>>
      %dma_start3A_70 = arith.constant 0 : i32
      %dma_start3A_71 = tpu.memref_slice %arg18[%add3A_14, %dma_start3A_70] : memref<10240x64xf32, #tpu.memory_space<vmem_shared>> -> memref<128x64xf32, #tpu.memory_space<vmem_shared>>
      %dma_start3A_72 = arith.constant 0 : i32
      %dma_start3A_73 = tpu.memref_slice %arg18[%add3A_14, %dma_start3A_72] : memref<10240x64xf32, #tpu.memory_space<vmem_shared>> -> memref<128x64xf32, #tpu.memory_space<vmem_shared>>
      tpu.enqueue_dma source(%arg9 : memref<128x64xf32, #tpu.memory_space<vmem>>) target(%dma_start3A_73 : memref<128x64xf32, #tpu.memory_space<vmem_shared>>) target_semaphore(%run_scoped3A_69 : memref<!tpu.dma_semaphore, #tpu.memory_space<semaphore_mem>>)
      %dma_wait3A_74 = arith.constant 0 : i32
      %dma_wait3A_75 = tpu.memref_slice %arg18[%add3A_14, %dma_wait3A_74] : memref<10240x64xf32, #tpu.memory_space<vmem_shared>> -> memref<128x64xf32, #tpu.memory_space<vmem_shared>>
      %dma_wait3A_76 = arith.constant 0 : i32
      %dma_wait3A_77 = tpu.memref_slice %arg18[%add3A_14, %dma_wait3A_76] : memref<10240x64xf32, #tpu.memory_space<vmem_shared>> -> memref<128x64xf32, #tpu.memory_space<vmem_shared>>
      tpu.wait_dma2 semaphore(%run_scoped3A_69 : memref<!tpu.dma_semaphore, #tpu.memory_space<semaphore_mem>>) src(%arg9 : memref<128x64xf32, #tpu.memory_space<vmem>>) dst(%dma_wait3A_77 : memref<128x64xf32, #tpu.memory_space<vmem_shared>>)
      tpu.yield
    }) : () -> ()
    %mul3A_15 = arith.constant 640 : i32
    %mul3A_16 = arith.muli %arg1, %mul3A_15 : i32
    %add3A_17 = arith.constant 256 : i32
    %add3A_18 = arith.addi %mul3A_16, %add3A_17 : i32
    "tpu.region"() ({
      %run_scoped3A_69 = tpu.sem_alloc : memref<!tpu.dma_semaphore, #tpu.memory_space<semaphore_mem>>
      %dma_start3A_70 = arith.constant 0 : i32
      %dma_start3A_71 = tpu.memref_slice %arg18[%add3A_18, %dma_start3A_70] : memref<10240x64xf32, #tpu.memory_space<vmem_shared>> -> memref<128x64xf32, #tpu.memory_space<vmem_shared>>
      %dma_start3A_72 = arith.constant 0 : i32
      %dma_start3A_73 = tpu.memref_slice %arg18[%add3A_18, %dma_start3A_72] : memref<10240x64xf32, #tpu.memory_space<vmem_shared>> -> memref<128x64xf32, #tpu.memory_space<vmem_shared>>
      tpu.enqueue_dma source(%arg9 : memref<128x64xf32, #tpu.memory_space<vmem>>) target(%dma_start3A_73 : memref<128x64xf32, #tpu.memory_space<vmem_shared>>) target_semaphore(%run_scoped3A_69 : memref<!tpu.dma_semaphore, #tpu.memory_space<semaphore_mem>>)
      %dma_wait3A_74 = arith.constant 0 : i32
      %dma_wait3A_75 = tpu.memref_slice %arg18[%add3A_18, %dma_wait3A_74] : memref<10240x64xf32, #tpu.memory_space<vmem_shared>> -> memref<128x64xf32, #tpu.memory_space<vmem_shared>>
      %dma_wait3A_76 = arith.constant 0 : i32
      %dma_wait3A_77 = tpu.memref_slice %arg18[%add3A_18, %dma_wait3A_76] : memref<10240x64xf32, #tpu.memory_space<vmem_shared>> -> memref<128x64xf32, #tpu.memory_space<vmem_shared>>
      tpu.wait_dma2 semaphore(%run_scoped3A_69 : memref<!tpu.dma_semaphore, #tpu.memory_space<semaphore_mem>>) src(%arg9 : memref<128x64xf32, #tpu.memory_space<vmem>>) dst(%dma_wait3A_77 : memref<128x64xf32, #tpu.memory_space<vmem_shared>>)
      tpu.yield
    }) : () -> ()
    %mul3A_19 = arith.constant 640 : i32
    %mul3A_20 = arith.muli %arg1, %mul3A_19 : i32
    %add3A_21 = arith.constant 384 : i32
    %add3A_22 = arith.addi %mul3A_20, %add3A_21 : i32
    "tpu.region"() ({
      %run_scoped3A_69 = tpu.sem_alloc : memref<!tpu.dma_semaphore, #tpu.memory_space<semaphore_mem>>
      %dma_start3A_70 = arith.constant 0 : i32
      %dma_start3A_71 = tpu.memref_slice %arg18[%add3A_22, %dma_start3A_70] : memref<10240x64xf32, #tpu.memory_space<vmem_shared>> -> memref<128x64xf32, #tpu.memory_space<vmem_shared>>
      %dma_start3A_72 = arith.constant 0 : i32
      %dma_start3A_73 = tpu.memref_slice %arg18[%add3A_22, %dma_start3A_72] : memref<10240x64xf32, #tpu.memory_space<vmem_shared>> -> memref<128x64xf32, #tpu.memory_space<vmem_shared>>
      tpu.enqueue_dma source(%arg9 : memref<128x64xf32, #tpu.memory_space<vmem>>) target(%dma_start3A_73 : memref<128x64xf32, #tpu.memory_space<vmem_shared>>) target_semaphore(%run_scoped3A_69 : memref<!tpu.dma_semaphore, #tpu.memory_space<semaphore_mem>>)
      %dma_wait3A_74 = arith.constant 0 : i32
      %dma_wait3A_75 = tpu.memref_slice %arg18[%add3A_22, %dma_wait3A_74] : memref<10240x64xf32, #tpu.memory_space<vmem_shared>> -> memref<128x64xf32, #tpu.memory_space<vmem_shared>>
      %dma_wait3A_76 = arith.constant 0 : i32
      %dma_wait3A_77 = tpu.memref_slice %arg18[%add3A_22, %dma_wait3A_76] : memref<10240x64xf32, #tpu.memory_space<vmem_shared>> -> memref<128x64xf32, #tpu.memory_space<vmem_shared>>
      tpu.wait_dma2 semaphore(%run_scoped3A_69 : memref<!tpu.dma_semaphore, #tpu.memory_space<semaphore_mem>>) src(%arg9 : memref<128x64xf32, #tpu.memory_space<vmem>>) dst(%dma_wait3A_77 : memref<128x64xf32, #tpu.memory_space<vmem_shared>>)
      tpu.yield
    }) : () -> ()
    %mul3A_23 = arith.constant 640 : i32
    %mul3A_24 = arith.muli %arg1, %mul3A_23 : i32
    %add3A_25 = arith.constant 512 : i32
    %add3A_26 = arith.addi %mul3A_24, %add3A_25 : i32
    "tpu.region"() ({
      %run_scoped3A_69 = tpu.sem_alloc : memref<!tpu.dma_semaphore, #tpu.memory_space<semaphore_mem>>
      %dma_start3A_70 = arith.constant 0 : i32
      %dma_start3A_71 = tpu.memref_slice %arg18[%add3A_26, %dma_start3A_70] : memref<10240x64xf32, #tpu.memory_space<vmem_shared>> -> memref<128x64xf32, #tpu.memory_space<vmem_shared>>
      %dma_start3A_72 = arith.constant 0 : i32
      %dma_start3A_73 = tpu.memref_slice %arg18[%add3A_26, %dma_start3A_72] : memref<10240x64xf32, #tpu.memory_space<vmem_shared>> -> memref<128x64xf32, #tpu.memory_space<vmem_shared>>
      tpu.enqueue_dma source(%arg9 : memref<128x64xf32, #tpu.memory_space<vmem>>) target(%dma_start3A_73 : memref<128x64xf32, #tpu.memory_space<vmem_shared>>) target_semaphore(%run_scoped3A_69 : memref<!tpu.dma_semaphore, #tpu.memory_space<semaphore_mem>>)
      %dma_wait3A_74 = arith.constant 0 : i32
      %dma_wait3A_75 = tpu.memref_slice %arg18[%add3A_26, %dma_wait3A_74] : memref<10240x64xf32, #tpu.memory_space<vmem_shared>> -> memref<128x64xf32, #tpu.memory_space<vmem_shared>>
      %dma_wait3A_76 = arith.constant 0 : i32
      %dma_wait3A_77 = tpu.memref_slice %arg18[%add3A_26, %dma_wait3A_76] : memref<10240x64xf32, #tpu.memory_space<vmem_shared>> -> memref<128x64xf32, #tpu.memory_space<vmem_shared>>
      tpu.wait_dma2 semaphore(%run_scoped3A_69 : memref<!tpu.dma_semaphore, #tpu.memory_space<semaphore_mem>>) src(%arg9 : memref<128x64xf32, #tpu.memory_space<vmem>>) dst(%dma_wait3A_77 : memref<128x64xf32, #tpu.memory_space<vmem_shared>>)
      tpu.yield
    }) : () -> ()
    %mul3A_27 = arith.constant 78 : i32
    %mul3A_28 = arith.muli %add3A, %mul3A_27 : i32
    %run_scoped3A = arith.constant 0 : i32
    "tpu.region"() ({
      %run_scoped3A_69 = tpu.sem_alloc : memref<!tpu.dma_semaphore, #tpu.memory_space<semaphore_mem>>
      %dma_start3A_70 = arith.constant 0 : i32
      %dma_start3A_71 = tpu.memref_slice %arg3[%run_scoped3A, %mul3A_28, %dma_start3A_70] : memref<2x2500x128xi32, #tpu.memory_space<hbm>> -> memref<1x78x128xi32, #tpu.memory_space<hbm>>
      %dma_start3A_72 = tpu.memref_squeeze %dma_start3A_71 : memref<1x78x128xi32, #tpu.memory_space<hbm>> -> memref<78x128xi32, #tpu.memory_space<hbm>>
      %dma_start3A_73 = arith.constant 0 : i32
      %dma_start3A_74 = tpu.memref_slice %arg3[%run_scoped3A, %mul3A_28, %dma_start3A_73] : memref<2x2500x128xi32, #tpu.memory_space<hbm>> -> memref<1x78x128xi32, #tpu.memory_space<hbm>>
      %dma_start3A_75 = tpu.memref_squeeze %dma_start3A_74 : memref<1x78x128xi32, #tpu.memory_space<hbm>> -> memref<78x128xi32, #tpu.memory_space<hbm>>
      tpu.enqueue_dma source(%dma_start3A_75 : memref<78x128xi32, #tpu.memory_space<hbm>>) target(%arg5 : memref<78x128xi32, #tpu.memory_space<vmem>>) target_semaphore(%run_scoped3A_69 : memref<!tpu.dma_semaphore, #tpu.memory_space<semaphore_mem>>)
      %dma_wait3A_76 = arith.constant 0 : i32
      %dma_wait3A_77 = tpu.memref_slice %arg3[%run_scoped3A, %mul3A_28, %dma_wait3A_76] : memref<2x2500x128xi32, #tpu.memory_space<hbm>> -> memref<1x78x128xi32, #tpu.memory_space<hbm>>
      %dma_wait3A_78 = tpu.memref_squeeze %dma_wait3A_77 : memref<1x78x128xi32, #tpu.memory_space<hbm>> -> memref<78x128xi32, #tpu.memory_space<hbm>>
      %dma_wait3A_79 = arith.constant 0 : i32
      %dma_wait3A_80 = tpu.memref_slice %arg3[%run_scoped3A, %mul3A_28, %dma_wait3A_79] : memref<2x2500x128xi32, #tpu.memory_space<hbm>> -> memref<1x78x128xi32, #tpu.memory_space<hbm>>
      %dma_wait3A_81 = tpu.memref_squeeze %dma_wait3A_80 : memref<1x78x128xi32, #tpu.memory_space<hbm>> -> memref<78x128xi32, #tpu.memory_space<hbm>>
      tpu.wait_dma2 semaphore(%run_scoped3A_69 : memref<!tpu.dma_semaphore, #tpu.memory_space<semaphore_mem>>) src(%dma_wait3A_81 : memref<78x128xi32, #tpu.memory_space<hbm>>) dst(%arg5 : memref<78x128xi32, #tpu.memory_space<vmem>>)
      tpu.yield
    }) : () -> ()
    %mul3A_29 = arith.constant 78 : i32
    %mul3A_30 = arith.muli %add3A, %mul3A_29 : i32
    %run_scoped3A_31 = arith.constant 1 : i32
    "tpu.region"() ({
      %run_scoped3A_69 = tpu.sem_alloc : memref<!tpu.dma_semaphore, #tpu.memory_space<semaphore_mem>>
      %dma_start3A_70 = arith.constant 0 : i32
      %dma_start3A_71 = tpu.memref_slice %arg3[%run_scoped3A_31, %mul3A_30, %dma_start3A_70] : memref<2x2500x128xi32, #tpu.memory_space<hbm>> -> memref<1x78x128xi32, #tpu.memory_space<hbm>>
      %dma_start3A_72 = tpu.memref_squeeze %dma_start3A_71 : memref<1x78x128xi32, #tpu.memory_space<hbm>> -> memref<78x128xi32, #tpu.memory_space<hbm>>
      %dma_start3A_73 = arith.constant 0 : i32
      %dma_start3A_74 = tpu.memref_slice %arg3[%run_scoped3A_31, %mul3A_30, %dma_start3A_73] : memref<2x2500x128xi32, #tpu.memory_space<hbm>> -> memref<1x78x128xi32, #tpu.memory_space<hbm>>
      %dma_start3A_75 = tpu.memref_squeeze %dma_start3A_74 : memref<1x78x128xi32, #tpu.memory_space<hbm>> -> memref<78x128xi32, #tpu.memory_space<hbm>>
      tpu.enqueue_dma source(%dma_start3A_75 : memref<78x128xi32, #tpu.memory_space<hbm>>) target(%arg6 : memref<78x128xi32, #tpu.memory_space<vmem>>) target_semaphore(%run_scoped3A_69 : memref<!tpu.dma_semaphore, #tpu.memory_space<semaphore_mem>>)
      %dma_wait3A_76 = arith.constant 0 : i32
      %dma_wait3A_77 = tpu.memref_slice %arg3[%run_scoped3A_31, %mul3A_30, %dma_wait3A_76] : memref<2x2500x128xi32, #tpu.memory_space<hbm>> -> memref<1x78x128xi32, #tpu.memory_space<hbm>>
      %dma_wait3A_78 = tpu.memref_squeeze %dma_wait3A_77 : memref<1x78x128xi32, #tpu.memory_space<hbm>> -> memref<78x128xi32, #tpu.memory_space<hbm>>
      %dma_wait3A_79 = arith.constant 0 : i32
      %dma_wait3A_80 = tpu.memref_slice %arg3[%run_scoped3A_31, %mul3A_30, %dma_wait3A_79] : memref<2x2500x128xi32, #tpu.memory_space<hbm>> -> memref<1x78x128xi32, #tpu.memory_space<hbm>>
      %dma_wait3A_81 = tpu.memref_squeeze %dma_wait3A_80 : memref<1x78x128xi32, #tpu.memory_space<hbm>> -> memref<78x128xi32, #tpu.memory_space<hbm>>
      tpu.wait_dma2 semaphore(%run_scoped3A_69 : memref<!tpu.dma_semaphore, #tpu.memory_space<semaphore_mem>>) src(%dma_wait3A_81 : memref<78x128xi32, #tpu.memory_space<hbm>>) dst(%arg6 : memref<78x128xi32, #tpu.memory_space<vmem>>)
      tpu.yield
    }) : () -> ()
    %mul3A_32 = arith.constant 625 : i32
    %mul3A_33 = arith.muli %arg1, %mul3A_32 : i32
    %mul3A_34 = arith.constant 625 : i32
    %mul3A_35 = arith.muli %arg1, %mul3A_34 : i32
    "tpu.region"() ({
      %run_scoped3A_69 = tpu.sem_alloc : memref<!tpu.dma_semaphore, #tpu.memory_space<semaphore_mem>>
      %dma_start3A_70 = arith.constant 0 : i32
      %dma_start3A_71 = tpu.memref_slice %arg19[%mul3A_35, %dma_start3A_70] : memref<10000x64xf32, #tpu.memory_space<vmem_shared>> -> memref<625x64xf32, #tpu.memory_space<vmem_shared>>
      %dma_start3A_72 = arith.constant 0 : i32
      %dma_start3A_73 = tpu.memref_slice %arg2[%mul3A_33, %dma_start3A_72] : memref<10000x64xf32, #tpu.memory_space<hbm>> -> memref<625x64xf32, #tpu.memory_space<hbm>>
      tpu.enqueue_dma source(%dma_start3A_73 : memref<625x64xf32, #tpu.memory_space<hbm>>) target(%dma_start3A_71 : memref<625x64xf32, #tpu.memory_space<vmem_shared>>) target_semaphore(%run_scoped3A_69 : memref<!tpu.dma_semaphore, #tpu.memory_space<semaphore_mem>>)
      %dma_wait3A_74 = arith.constant 0 : i32
      %dma_wait3A_75 = tpu.memref_slice %arg19[%mul3A_35, %dma_wait3A_74] : memref<10000x64xf32, #tpu.memory_space<vmem_shared>> -> memref<625x64xf32, #tpu.memory_space<vmem_shared>>
      %dma_wait3A_76 = arith.constant 0 : i32
      %dma_wait3A_77 = tpu.memref_slice %arg2[%mul3A_33, %dma_wait3A_76] : memref<10000x64xf32, #tpu.memory_space<hbm>> -> memref<625x64xf32, #tpu.memory_space<hbm>>
      tpu.wait_dma2 semaphore(%run_scoped3A_69 : memref<!tpu.dma_semaphore, #tpu.memory_space<semaphore_mem>>) src(%dma_wait3A_77 : memref<625x64xf32, #tpu.memory_space<hbm>>) dst(%dma_wait3A_75 : memref<625x64xf32, #tpu.memory_space<vmem_shared>>)
      tpu.yield
    }) : () -> ()
    %barrier3A = arith.constant 0 : index
    tpu.barrier barrier_id(%barrier3A)
    %dma_start3A = arith.constant 0 : i32
    %dma_start3A_36 = arith.constant 0 : i32
    %dma_start3A_37 = tpu.memref_slice %arg5[%dma_start3A, %dma_start3A_36] : memref<78x128xi32, #tpu.memory_space<vmem>> -> memref<1x128xi32, #tpu.memory_space<vmem>>
    %dma_start3A_38 = tpu.memref_squeeze %dma_start3A_37 : memref<1x128xi32, #tpu.memory_space<vmem>> -> memref<128xi32, #tpu.memory_space<vmem>>
    %dma_start3A_39 = arith.constant 0 : i32
    %dma_start3A_40 = arith.constant 0 : i32
    %dma_start3A_41 = tpu.memref_slice %arg19[%dma_start3A_39, %dma_start3A_40] : memref<10000x64xf32, #tpu.memory_space<vmem_shared>> -> memref<10000x64xf32, #tpu.memory_space<vmem_shared>>
    tpu.enqueue_indirect_dma source(%dma_start3A_41 : memref<10000x64xf32, #tpu.memory_space<vmem_shared>>) target(%arg9 : memref<128x64xf32, #tpu.memory_space<vmem>>) offsets(%dma_start3A_38 : memref<128xi32, #tpu.memory_space<vmem>>) semaphore(%arg12 : memref<!tpu.dma_semaphore, #tpu.memory_space<semaphore_mem>>)
    %dma_start3A_42 = arith.constant 1 : i32
    %dma_start3A_43 = arith.constant 0 : i32
    %dma_start3A_44 = tpu.memref_slice %arg5[%dma_start3A_42, %dma_start3A_43] : memref<78x128xi32, #tpu.memory_space<vmem>> -> memref<1x128xi32, #tpu.memory_space<vmem>>
    %dma_start3A_45 = tpu.memref_squeeze %dma_start3A_44 : memref<1x128xi32, #tpu.memory_space<vmem>> -> memref<128xi32, #tpu.memory_space<vmem>>
    %dma_start3A_46 = arith.constant 0 : i32
    %dma_start3A_47 = arith.constant 0 : i32
    %dma_start3A_48 = tpu.memref_slice %arg19[%dma_start3A_46, %dma_start3A_47] : memref<10000x64xf32, #tpu.memory_space<vmem_shared>> -> memref<10000x64xf32, #tpu.memory_space<vmem_shared>>
    tpu.enqueue_indirect_dma source(%dma_start3A_48 : memref<10000x64xf32, #tpu.memory_space<vmem_shared>>) target(%arg10 : memref<128x64xf32, #tpu.memory_space<vmem>>) offsets(%dma_start3A_45 : memref<128xi32, #tpu.memory_space<vmem>>) semaphore(%arg13 : memref<!tpu.dma_semaphore, #tpu.memory_space<semaphore_mem>>)
    %scan3A_49 = arith.constant 0 : i32
    %scan3A_50 = arith.constant 0 : i32
    %scan3A_51 = arith.constant 26 : i32
    %scan3A_52 = arith.addi %scan3A_50, %scan3A_51 : i32
    %scan3A_53 = arith.constant 1 : i32
    %scan3A_54 = scf.for %scan3A_69 = %scan3A_50 to %scan3A_52 step %scan3A_53 iter_args(%scan3A_70 = %scan3A_49) -> (i32)  : i32 {
      %mul3A_71 = arith.constant 3 : i32
      %mul3A_72 = arith.muli %mul3A_71, %scan3A_69 : i32
      %add3A_73 = arith.constant 0 : i32
      %add3A_74 = arith.addi %mul3A_72, %add3A_73 : i32
      %dma_wait3A_75 = arith.constant 0 : i32
      %dma_wait3A_76 = tpu.memref_slice %arg5[%add3A_74, %dma_wait3A_75] : memref<78x128xi32, #tpu.memory_space<vmem>> -> memref<1x128xi32, #tpu.memory_space<vmem>>
      %dma_wait3A_77 = tpu.memref_squeeze %dma_wait3A_76 : memref<1x128xi32, #tpu.memory_space<vmem>> -> memref<128xi32, #tpu.memory_space<vmem>>
      %dma_wait3A_78 = arith.constant 0 : i32
      %dma_wait3A_79 = arith.constant 0 : i32
      %dma_wait3A_80 = tpu.memref_slice %arg19[%dma_wait3A_78, %dma_wait3A_79] : memref<10000x64xf32, #tpu.memory_space<vmem_shared>> -> memref<10000x64xf32, #tpu.memory_space<vmem_shared>>
      tpu.wait_indirect_dma semaphore(%arg12 : memref<!tpu.dma_semaphore, #tpu.memory_space<semaphore_mem>>) src(%dma_wait3A_80 : memref<10000x64xf32, #tpu.memory_space<vmem_shared>>) dst(%arg9 : memref<128x64xf32, #tpu.memory_space<vmem>>)
      %dma_start3A_81 = arith.constant 0 : i32
      %dma_start3A_82 = tpu.memref_slice %arg6[%add3A_74, %dma_start3A_81] : memref<78x128xi32, #tpu.memory_space<vmem>> -> memref<1x128xi32, #tpu.memory_space<vmem>>
      %dma_start3A_83 = tpu.memref_squeeze %dma_start3A_82 : memref<1x128xi32, #tpu.memory_space<vmem>> -> memref<128xi32, #tpu.memory_space<vmem>>
      %dma_start3A_84 = arith.constant 0 : i32
      %dma_start3A_85 = arith.constant 0 : i32
      %dma_start3A_86 = tpu.memref_slice %arg18[%dma_start3A_84, %dma_start3A_85] : memref<10240x64xf32, #tpu.memory_space<vmem_shared>> -> memref<10240x64xf32, #tpu.memory_space<vmem_shared>>
      tpu.enqueue_indirect_dma source(%arg9 : memref<128x64xf32, #tpu.memory_space<vmem>>) target(%dma_start3A_86 : memref<10240x64xf32, #tpu.memory_space<vmem_shared>>) offsets(%dma_start3A_83 : memref<128xi32, #tpu.memory_space<vmem>>) semaphore(%arg15 : memref<!tpu.dma_semaphore, #tpu.memory_space<semaphore_mem>>) {add = true}
      %ge3A = arith.constant 1 : i32
      %ge3A_87 = arith.cmpi sge, %add3A_74, %ge3A : i32
      %convert_element_type3A_88 = arith.extui %ge3A_87 : i1 to i32
      %cond3A_89 = arith.constant 0 : i32
      %cond3A_90 = arith.cmpi ne, %convert_element_type3A_88, %cond3A_89 : i32
      scf.if %cond3A_90 {
        %sub3A = arith.constant 1 : i32
        %sub3A_155 = arith.subi %add3A_74, %sub3A : i32
        %dma_wait3A_156 = arith.constant 0 : i32
        %dma_wait3A_157 = tpu.memref_slice %arg6[%sub3A_155, %dma_wait3A_156] : memref<78x128xi32, #tpu.memory_space<vmem>> -> memref<1x128xi32, #tpu.memory_space<vmem>>
        %dma_wait3A_158 = tpu.memref_squeeze %dma_wait3A_157 : memref<1x128xi32, #tpu.memory_space<vmem>> -> memref<128xi32, #tpu.memory_space<vmem>>
        %dma_wait3A_159 = arith.constant 0 : i32
        %dma_wait3A_160 = arith.constant 0 : i32
        %dma_wait3A_161 = tpu.memref_slice %arg18[%dma_wait3A_159, %dma_wait3A_160] : memref<10240x64xf32, #tpu.memory_space<vmem_shared>> -> memref<10240x64xf32, #tpu.memory_space<vmem_shared>>
        tpu.wait_indirect_dma semaphore(%arg17 : memref<!tpu.dma_semaphore, #tpu.memory_space<semaphore_mem>>) src(%arg11 : memref<128x64xf32, #tpu.memory_space<vmem>>) dst(%dma_wait3A_161 : memref<10240x64xf32, #tpu.memory_space<vmem_shared>>)
      } else {
      }
      %add3A_91 = arith.constant 2 : i32
      %add3A_92 = arith.addi %add3A_74, %add3A_91 : i32
      %lt3A_93 = arith.constant 78 : i32
      %lt3A_94 = arith.cmpi slt, %add3A_92, %lt3A_93 : i32
      %convert_element_type3A_95 = arith.extui %lt3A_94 : i1 to i32
      %cond3A_96 = arith.constant 0 : i32
      %cond3A_97 = arith.cmpi ne, %convert_element_type3A_95, %cond3A_96 : i32
      scf.if %cond3A_97 {
        %add3A_155 = arith.constant 2 : i32
        %add3A_156 = arith.addi %add3A_74, %add3A_155 : i32
        %dma_start3A_157 = arith.constant 0 : i32
        %dma_start3A_158 = tpu.memref_slice %arg5[%add3A_156, %dma_start3A_157] : memref<78x128xi32, #tpu.memory_space<vmem>> -> memref<1x128xi32, #tpu.memory_space<vmem>>
        %dma_start3A_159 = tpu.memref_squeeze %dma_start3A_158 : memref<1x128xi32, #tpu.memory_space<vmem>> -> memref<128xi32, #tpu.memory_space<vmem>>
        %dma_start3A_160 = arith.constant 0 : i32
        %dma_start3A_161 = arith.constant 0 : i32
        %dma_start3A_162 = tpu.memref_slice %arg19[%dma_start3A_160, %dma_start3A_161] : memref<10000x64xf32, #tpu.memory_space<vmem_shared>> -> memref<10000x64xf32, #tpu.memory_space<vmem_shared>>
        tpu.enqueue_indirect_dma source(%dma_start3A_162 : memref<10000x64xf32, #tpu.memory_space<vmem_shared>>) target(%arg11 : memref<128x64xf32, #tpu.memory_space<vmem>>) offsets(%dma_start3A_159 : memref<128xi32, #tpu.memory_space<vmem>>) semaphore(%arg14 : memref<!tpu.dma_semaphore, #tpu.memory_space<semaphore_mem>>)
      } else {
      }
      %mul3A_98 = arith.constant 3 : i32
      %mul3A_99 = arith.muli %mul3A_98, %scan3A_69 : i32
      %add3A_100 = arith.constant 1 : i32
      %add3A_101 = arith.addi %mul3A_99, %add3A_100 : i32
      %dma_wait3A_102 = arith.constant 0 : i32
      %dma_wait3A_103 = tpu.memref_slice %arg5[%add3A_101, %dma_wait3A_102] : memref<78x128xi32, #tpu.memory_space<vmem>> -> memref<1x128xi32, #tpu.memory_space<vmem>>
      %dma_wait3A_104 = tpu.memref_squeeze %dma_wait3A_103 : memref<1x128xi32, #tpu.memory_space<vmem>> -> memref<128xi32, #tpu.memory_space<vmem>>
      %dma_wait3A_105 = arith.constant 0 : i32
      %dma_wait3A_106 = arith.constant 0 : i32
      %dma_wait3A_107 = tpu.memref_slice %arg19[%dma_wait3A_105, %dma_wait3A_106] : memref<10000x64xf32, #tpu.memory_space<vmem_shared>> -> memref<10000x64xf32, #tpu.memory_space<vmem_shared>>
      tpu.wait_indirect_dma semaphore(%arg13 : memref<!tpu.dma_semaphore, #tpu.memory_space<semaphore_mem>>) src(%dma_wait3A_107 : memref<10000x64xf32, #tpu.memory_space<vmem_shared>>) dst(%arg10 : memref<128x64xf32, #tpu.memory_space<vmem>>)
      %dma_start3A_108 = arith.constant 0 : i32
      %dma_start3A_109 = tpu.memref_slice %arg6[%add3A_101, %dma_start3A_108] : memref<78x128xi32, #tpu.memory_space<vmem>> -> memref<1x128xi32, #tpu.memory_space<vmem>>
      %dma_start3A_110 = tpu.memref_squeeze %dma_start3A_109 : memref<1x128xi32, #tpu.memory_space<vmem>> -> memref<128xi32, #tpu.memory_space<vmem>>
      %dma_start3A_111 = arith.constant 0 : i32
      %dma_start3A_112 = arith.constant 0 : i32
      %dma_start3A_113 = tpu.memref_slice %arg18[%dma_start3A_111, %dma_start3A_112] : memref<10240x64xf32, #tpu.memory_space<vmem_shared>> -> memref<10240x64xf32, #tpu.memory_space<vmem_shared>>
      tpu.enqueue_indirect_dma source(%arg10 : memref<128x64xf32, #tpu.memory_space<vmem>>) target(%dma_start3A_113 : memref<10240x64xf32, #tpu.memory_space<vmem_shared>>) offsets(%dma_start3A_110 : memref<128xi32, #tpu.memory_space<vmem>>) semaphore(%arg16 : memref<!tpu.dma_semaphore, #tpu.memory_space<semaphore_mem>>) {add = true}
      %ge3A_114 = arith.constant 1 : i32
      %ge3A_115 = arith.cmpi sge, %add3A_101, %ge3A_114 : i32
      %convert_element_type3A_116 = arith.extui %ge3A_115 : i1 to i32
      %cond3A_117 = arith.constant 0 : i32
      %cond3A_118 = arith.cmpi ne, %convert_element_type3A_116, %cond3A_117 : i32
      scf.if %cond3A_118 {
        %sub3A = arith.constant 1 : i32
        %sub3A_155 = arith.subi %add3A_101, %sub3A : i32
        %dma_wait3A_156 = arith.constant 0 : i32
        %dma_wait3A_157 = tpu.memref_slice %arg6[%sub3A_155, %dma_wait3A_156] : memref<78x128xi32, #tpu.memory_space<vmem>> -> memref<1x128xi32, #tpu.memory_space<vmem>>
        %dma_wait3A_158 = tpu.memref_squeeze %dma_wait3A_157 : memref<1x128xi32, #tpu.memory_space<vmem>> -> memref<128xi32, #tpu.memory_space<vmem>>
        %dma_wait3A_159 = arith.constant 0 : i32
        %dma_wait3A_160 = arith.constant 0 : i32
        %dma_wait3A_161 = tpu.memref_slice %arg18[%dma_wait3A_159, %dma_wait3A_160] : memref<10240x64xf32, #tpu.memory_space<vmem_shared>> -> memref<10240x64xf32, #tpu.memory_space<vmem_shared>>
        tpu.wait_indirect_dma semaphore(%arg15 : memref<!tpu.dma_semaphore, #tpu.memory_space<semaphore_mem>>) src(%arg9 : memref<128x64xf32, #tpu.memory_space<vmem>>) dst(%dma_wait3A_161 : memref<10240x64xf32, #tpu.memory_space<vmem_shared>>)
      } else {
      }
      %add3A_119 = arith.constant 2 : i32
      %add3A_120 = arith.addi %add3A_101, %add3A_119 : i32
      %lt3A_121 = arith.constant 78 : i32
      %lt3A_122 = arith.cmpi slt, %add3A_120, %lt3A_121 : i32
      %convert_element_type3A_123 = arith.extui %lt3A_122 : i1 to i32
      %cond3A_124 = arith.constant 0 : i32
      %cond3A_125 = arith.cmpi ne, %convert_element_type3A_123, %cond3A_124 : i32
      scf.if %cond3A_125 {
        %add3A_155 = arith.constant 2 : i32
        %add3A_156 = arith.addi %add3A_101, %add3A_155 : i32
        %dma_start3A_157 = arith.constant 0 : i32
        %dma_start3A_158 = tpu.memref_slice %arg5[%add3A_156, %dma_start3A_157] : memref<78x128xi32, #tpu.memory_space<vmem>> -> memref<1x128xi32, #tpu.memory_space<vmem>>
        %dma_start3A_159 = tpu.memref_squeeze %dma_start3A_158 : memref<1x128xi32, #tpu.memory_space<vmem>> -> memref<128xi32, #tpu.memory_space<vmem>>
        %dma_start3A_160 = arith.constant 0 : i32
        %dma_start3A_161 = arith.constant 0 : i32
        %dma_start3A_162 = tpu.memref_slice %arg19[%dma_start3A_160, %dma_start3A_161] : memref<10000x64xf32, #tpu.memory_space<vmem_shared>> -> memref<10000x64xf32, #tpu.memory_space<vmem_shared>>
        tpu.enqueue_indirect_dma source(%dma_start3A_162 : memref<10000x64xf32, #tpu.memory_space<vmem_shared>>) target(%arg9 : memref<128x64xf32, #tpu.memory_space<vmem>>) offsets(%dma_start3A_159 : memref<128xi32, #tpu.memory_space<vmem>>) semaphore(%arg12 : memref<!tpu.dma_semaphore, #tpu.memory_space<semaphore_mem>>)
      } else {
      }
      %mul3A_126 = arith.constant 3 : i32
      %mul3A_127 = arith.muli %mul3A_126, %scan3A_69 : i32
      %add3A_128 = arith.constant 2 : i32
      %add3A_129 = arith.addi %mul3A_127, %add3A_128 : i32
      %dma_wait3A_130 = arith.constant 0 : i32
      %dma_wait3A_131 = tpu.memref_slice %arg5[%add3A_129, %dma_wait3A_130] : memref<78x128xi32, #tpu.memory_space<vmem>> -> memref<1x128xi32, #tpu.memory_space<vmem>>
      %dma_wait3A_132 = tpu.memref_squeeze %dma_wait3A_131 : memref<1x128xi32, #tpu.memory_space<vmem>> -> memref<128xi32, #tpu.memory_space<vmem>>
      %dma_wait3A_133 = arith.constant 0 : i32
      %dma_wait3A_134 = arith.constant 0 : i32
      %dma_wait3A_135 = tpu.memref_slice %arg19[%dma_wait3A_133, %dma_wait3A_134] : memref<10000x64xf32, #tpu.memory_space<vmem_shared>> -> memref<10000x64xf32, #tpu.memory_space<vmem_shared>>
      tpu.wait_indirect_dma semaphore(%arg14 : memref<!tpu.dma_semaphore, #tpu.memory_space<semaphore_mem>>) src(%dma_wait3A_135 : memref<10000x64xf32, #tpu.memory_space<vmem_shared>>) dst(%arg11 : memref<128x64xf32, #tpu.memory_space<vmem>>)
      %dma_start3A_136 = arith.constant 0 : i32
      %dma_start3A_137 = tpu.memref_slice %arg6[%add3A_129, %dma_start3A_136] : memref<78x128xi32, #tpu.memory_space<vmem>> -> memref<1x128xi32, #tpu.memory_space<vmem>>
      %dma_start3A_138 = tpu.memref_squeeze %dma_start3A_137 : memref<1x128xi32, #tpu.memory_space<vmem>> -> memref<128xi32, #tpu.memory_space<vmem>>
      %dma_start3A_139 = arith.constant 0 : i32
      %dma_start3A_140 = arith.constant 0 : i32
      %dma_start3A_141 = tpu.memref_slice %arg18[%dma_start3A_139, %dma_start3A_140] : memref<10240x64xf32, #tpu.memory_space<vmem_shared>> -> memref<10240x64xf32, #tpu.memory_space<vmem_shared>>
      tpu.enqueue_indirect_dma source(%arg11 : memref<128x64xf32, #tpu.memory_space<vmem>>) target(%dma_start3A_141 : memref<10240x64xf32, #tpu.memory_space<vmem_shared>>) offsets(%dma_start3A_138 : memref<128xi32, #tpu.memory_space<vmem>>) semaphore(%arg17 : memref<!tpu.dma_semaphore, #tpu.memory_space<semaphore_mem>>) {add = true}
      %ge3A_142 = arith.constant 1 : i32
      %ge3A_143 = arith.cmpi sge, %add3A_129, %ge3A_142 : i32
      %convert_element_type3A_144 = arith.extui %ge3A_143 : i1 to i32
      %cond3A_145 = arith.constant 0 : i32
      %cond3A_146 = arith.cmpi ne, %convert_element_type3A_144, %cond3A_145 : i32
      scf.if %cond3A_146 {
        %sub3A = arith.constant 1 : i32
        %sub3A_155 = arith.subi %add3A_129, %sub3A : i32
        %dma_wait3A_156 = arith.constant 0 : i32
        %dma_wait3A_157 = tpu.memref_slice %arg6[%sub3A_155, %dma_wait3A_156] : memref<78x128xi32, #tpu.memory_space<vmem>> -> memref<1x128xi32, #tpu.memory_space<vmem>>
        %dma_wait3A_158 = tpu.memref_squeeze %dma_wait3A_157 : memref<1x128xi32, #tpu.memory_space<vmem>> -> memref<128xi32, #tpu.memory_space<vmem>>
        %dma_wait3A_159 = arith.constant 0 : i32
        %dma_wait3A_160 = arith.constant 0 : i32
        %dma_wait3A_161 = tpu.memref_slice %arg18[%dma_wait3A_159, %dma_wait3A_160] : memref<10240x64xf32, #tpu.memory_space<vmem_shared>> -> memref<10240x64xf32, #tpu.memory_space<vmem_shared>>
        tpu.wait_indirect_dma semaphore(%arg16 : memref<!tpu.dma_semaphore, #tpu.memory_space<semaphore_mem>>) src(%arg10 : memref<128x64xf32, #tpu.memory_space<vmem>>) dst(%dma_wait3A_161 : memref<10240x64xf32, #tpu.memory_space<vmem_shared>>)
      } else {
      }
      %add3A_147 = arith.constant 2 : i32
      %add3A_148 = arith.addi %add3A_129, %add3A_147 : i32
      %lt3A_149 = arith.constant 78 : i32
      %lt3A_150 = arith.cmpi slt, %add3A_148, %lt3A_149 : i32
      %convert_element_type3A_151 = arith.extui %lt3A_150 : i1 to i32
      %cond3A_152 = arith.constant 0 : i32
      %cond3A_153 = arith.cmpi ne, %convert_element_type3A_151, %cond3A_152 : i32
      scf.if %cond3A_153 {
        %add3A_155 = arith.constant 2 : i32
        %add3A_156 = arith.addi %add3A_129, %add3A_155 : i32
        %dma_start3A_157 = arith.constant 0 : i32
        %dma_start3A_158 = tpu.memref_slice %arg5[%add3A_156, %dma_start3A_157] : memref<78x128xi32, #tpu.memory_space<vmem>> -> memref<1x128xi32, #tpu.memory_space<vmem>>
        %dma_start3A_159 = tpu.memref_squeeze %dma_start3A_158 : memref<1x128xi32, #tpu.memory_space<vmem>> -> memref<128xi32, #tpu.memory_space<vmem>>
        %dma_start3A_160 = arith.constant 0 : i32
        %dma_start3A_161 = arith.constant 0 : i32
        %dma_start3A_162 = tpu.memref_slice %arg19[%dma_start3A_160, %dma_start3A_161] : memref<10000x64xf32, #tpu.memory_space<vmem_shared>> -> memref<10000x64xf32, #tpu.memory_space<vmem_shared>>
        tpu.enqueue_indirect_dma source(%dma_start3A_162 : memref<10000x64xf32, #tpu.memory_space<vmem_shared>>) target(%arg10 : memref<128x64xf32, #tpu.memory_space<vmem>>) offsets(%dma_start3A_159 : memref<128xi32, #tpu.memory_space<vmem>>) semaphore(%arg13 : memref<!tpu.dma_semaphore, #tpu.memory_space<semaphore_mem>>)
      } else {
      }
      %scan3A_154 = arith.constant 0 : i32
      scf.yield %scan3A_154 : i32
    }
    %scan3A_55 = arith.constant 26 : i32
    %dma_wait3A = arith.constant 77 : i32
    %dma_wait3A_56 = arith.constant 0 : i32
    %dma_wait3A_57 = tpu.memref_slice %arg6[%dma_wait3A, %dma_wait3A_56] : memref<78x128xi32, #tpu.memory_space<vmem>> -> memref<1x128xi32, #tpu.memory_space<vmem>>
    %dma_wait3A_58 = tpu.memref_squeeze %dma_wait3A_57 : memref<1x128xi32, #tpu.memory_space<vmem>> -> memref<128xi32, #tpu.memory_space<vmem>>
    %dma_wait3A_59 = arith.constant 0 : i32
    %dma_wait3A_60 = arith.constant 0 : i32
    %dma_wait3A_61 = tpu.memref_slice %arg18[%dma_wait3A_59, %dma_wait3A_60] : memref<10240x64xf32, #tpu.memory_space<vmem_shared>> -> memref<10240x64xf32, #tpu.memory_space<vmem_shared>>
    tpu.wait_indirect_dma semaphore(%arg17 : memref<!tpu.dma_semaphore, #tpu.memory_space<semaphore_mem>>) src(%arg11 : memref<128x64xf32, #tpu.memory_space<vmem>>) dst(%dma_wait3A_61 : memref<10240x64xf32, #tpu.memory_space<vmem_shared>>)
    %lt3A = arith.constant 4 : i32
    %lt3A_62 = arith.cmpi slt, %add3A, %lt3A : i32
    %convert_element_type3A = arith.extui %lt3A_62 : i1 to i32
    %cond3A = arith.constant 0 : i32
    %cond3A_63 = arith.cmpi ne, %convert_element_type3A, %cond3A : i32
    scf.if %cond3A_63 {
      %add3A_69 = arith.constant 2496 : i32
      %add3A_70 = arith.addi %add3A_69, %add3A : i32
      %run_scoped3A_71 = arith.constant 0 : i32
      "tpu.region"() ({
        %run_scoped3A_90 = tpu.sem_alloc : memref<!tpu.dma_semaphore, #tpu.memory_space<semaphore_mem>>
        %dma_start3A_91 = arith.constant 0 : i32
        %dma_start3A_92 = tpu.memref_slice %arg3[%run_scoped3A_71, %add3A_70, %dma_start3A_91] : memref<2x2500x128xi32, #tpu.memory_space<hbm>> -> memref<1x1x128xi32, #tpu.memory_space<hbm>>
        %dma_start3A_93 = tpu.memref_squeeze %dma_start3A_92 : memref<1x1x128xi32, #tpu.memory_space<hbm>> -> memref<1x128xi32, #tpu.memory_space<hbm>>
        %dma_start3A_94 = arith.constant 0 : i32
        %dma_start3A_95 = tpu.memref_slice %arg3[%run_scoped3A_71, %add3A_70, %dma_start3A_94] : memref<2x2500x128xi32, #tpu.memory_space<hbm>> -> memref<1x1x128xi32, #tpu.memory_space<hbm>>
        %dma_start3A_96 = tpu.memref_squeeze %dma_start3A_95 : memref<1x1x128xi32, #tpu.memory_space<hbm>> -> memref<1x128xi32, #tpu.memory_space<hbm>>
        tpu.enqueue_dma source(%dma_start3A_96 : memref<1x128xi32, #tpu.memory_space<hbm>>) target(%arg7 : memref<1x128xi32, #tpu.memory_space<vmem>>) target_semaphore(%run_scoped3A_90 : memref<!tpu.dma_semaphore, #tpu.memory_space<semaphore_mem>>)
        %dma_wait3A_97 = arith.constant 0 : i32
        %dma_wait3A_98 = tpu.memref_slice %arg3[%run_scoped3A_71, %add3A_70, %dma_wait3A_97] : memref<2x2500x128xi32, #tpu.memory_space<hbm>> -> memref<1x1x128xi32, #tpu.memory_space<hbm>>
        %dma_wait3A_99 = tpu.memref_squeeze %dma_wait3A_98 : memref<1x1x128xi32, #tpu.memory_space<hbm>> -> memref<1x128xi32, #tpu.memory_space<hbm>>
        %dma_wait3A_100 = arith.constant 0 : i32
        %dma_wait3A_101 = tpu.memref_slice %arg3[%run_scoped3A_71, %add3A_70, %dma_wait3A_100] : memref<2x2500x128xi32, #tpu.memory_space<hbm>> -> memref<1x1x128xi32, #tpu.memory_space<hbm>>
        %dma_wait3A_102 = tpu.memref_squeeze %dma_wait3A_101 : memref<1x1x128xi32, #tpu.memory_space<hbm>> -> memref<1x128xi32, #tpu.memory_space<hbm>>
        tpu.wait_dma2 semaphore(%run_scoped3A_90 : memref<!tpu.dma_semaphore, #tpu.memory_space<semaphore_mem>>) src(%dma_wait3A_102 : memref<1x128xi32, #tpu.memory_space<hbm>>) dst(%arg7 : memref<1x128xi32, #tpu.memory_space<vmem>>)
        tpu.yield
      }) : () -> ()
      %add3A_72 = arith.constant 2496 : i32
      %add3A_73 = arith.addi %add3A_72, %add3A : i32
      %run_scoped3A_74 = arith.constant 1 : i32
      "tpu.region"() ({
        %run_scoped3A_90 = tpu.sem_alloc : memref<!tpu.dma_semaphore, #tpu.memory_space<semaphore_mem>>
        %dma_start3A_91 = arith.constant 0 : i32
        %dma_start3A_92 = tpu.memref_slice %arg3[%run_scoped3A_74, %add3A_73, %dma_start3A_91] : memref<2x2500x128xi32, #tpu.memory_space<hbm>> -> memref<1x1x128xi32, #tpu.memory_space<hbm>>
        %dma_start3A_93 = tpu.memref_squeeze %dma_start3A_92 : memref<1x1x128xi32, #tpu.memory_space<hbm>> -> memref<1x128xi32, #tpu.memory_space<hbm>>
        %dma_start3A_94 = arith.constant 0 : i32
        %dma_start3A_95 = tpu.memref_slice %arg3[%run_scoped3A_74, %add3A_73, %dma_start3A_94] : memref<2x2500x128xi32, #tpu.memory_space<hbm>> -> memref<1x1x128xi32, #tpu.memory_space<hbm>>
        %dma_start3A_96 = tpu.memref_squeeze %dma_start3A_95 : memref<1x1x128xi32, #tpu.memory_space<hbm>> -> memref<1x128xi32, #tpu.memory_space<hbm>>
        tpu.enqueue_dma source(%dma_start3A_96 : memref<1x128xi32, #tpu.memory_space<hbm>>) target(%arg8 : memref<1x128xi32, #tpu.memory_space<vmem>>) target_semaphore(%run_scoped3A_90 : memref<!tpu.dma_semaphore, #tpu.memory_space<semaphore_mem>>)
        %dma_wait3A_97 = arith.constant 0 : i32
        %dma_wait3A_98 = tpu.memref_slice %arg3[%run_scoped3A_74, %add3A_73, %dma_wait3A_97] : memref<2x2500x128xi32, #tpu.memory_space<hbm>> -> memref<1x1x128xi32, #tpu.memory_space<hbm>>
        %dma_wait3A_99 = tpu.memref_squeeze %dma_wait3A_98 : memref<1x1x128xi32, #tpu.memory_space<hbm>> -> memref<1x128xi32, #tpu.memory_space<hbm>>
        %dma_wait3A_100 = arith.constant 0 : i32
        %dma_wait3A_101 = tpu.memref_slice %arg3[%run_scoped3A_74, %add3A_73, %dma_wait3A_100] : memref<2x2500x128xi32, #tpu.memory_space<hbm>> -> memref<1x1x128xi32, #tpu.memory_space<hbm>>
        %dma_wait3A_102 = tpu.memref_squeeze %dma_wait3A_101 : memref<1x1x128xi32, #tpu.memory_space<hbm>> -> memref<1x128xi32, #tpu.memory_space<hbm>>
        tpu.wait_dma2 semaphore(%run_scoped3A_90 : memref<!tpu.dma_semaphore, #tpu.memory_space<semaphore_mem>>) src(%dma_wait3A_102 : memref<1x128xi32, #tpu.memory_space<hbm>>) dst(%arg8 : memref<1x128xi32, #tpu.memory_space<vmem>>)
        tpu.yield
      }) : () -> ()
      %dma_start3A_75 = arith.constant 0 : i32
      %dma_start3A_76 = arith.constant 0 : i32
      %dma_start3A_77 = tpu.memref_slice %arg7[%dma_start3A_75, %dma_start3A_76] : memref<1x128xi32, #tpu.memory_space<vmem>> -> memref<1x128xi32, #tpu.memory_space<vmem>>
      %dma_start3A_78 = tpu.memref_squeeze %dma_start3A_77 : memref<1x128xi32, #tpu.memory_space<vmem>> -> memref<128xi32, #tpu.memory_space<vmem>>
      %dma_start3A_79 = arith.constant 0 : i32
      %dma_start3A_80 = arith.constant 0 : i32
      %dma_start3A_81 = tpu.memref_slice %arg19[%dma_start3A_79, %dma_start3A_80] : memref<10000x64xf32, #tpu.memory_space<vmem_shared>> -> memref<10000x64xf32, #tpu.memory_space<vmem_shared>>
      tpu.enqueue_indirect_dma source(%dma_start3A_81 : memref<10000x64xf32, #tpu.memory_space<vmem_shared>>) target(%arg9 : memref<128x64xf32, #tpu.memory_space<vmem>>) offsets(%dma_start3A_78 : memref<128xi32, #tpu.memory_space<vmem>>) semaphore(%arg12 : memref<!tpu.dma_semaphore, #tpu.memory_space<semaphore_mem>>)
      %dma_wait3A_82 = arith.constant 0 : i32
      %dma_wait3A_83 = arith.constant 0 : i32
      %dma_wait3A_84 = tpu.memref_slice %arg7[%dma_wait3A_82, %dma_wait3A_83] : memref<1x128xi32, #tpu.memory_space<vmem>> -> memref<1x128xi32, #tpu.memory_space<vmem>>
      %dma_wait3A_85 = tpu.memref_squeeze %dma_wait3A_84 : memref<1x128xi32, #tpu.memory_space<vmem>> -> memref<128xi32, #tpu.memory_space<vmem>>
      %dma_wait3A_86 = arith.constant 0 : i32
      %dma_wait3A_87 = arith.constant 0 : i32
      %dma_wait3A_88 = tpu.memref_slice %arg19[%dma_wait3A_86, %dma_wait3A_87] : memref<10000x64xf32, #tpu.memory_space<vmem_shared>> -> memref<10000x64xf32, #tpu.memory_space<vmem_shared>>
      tpu.wait_indirect_dma semaphore(%arg12 : memref<!tpu.dma_semaphore, #tpu.memory_space<semaphore_mem>>) src(%dma_wait3A_88 : memref<10000x64xf32, #tpu.memory_space<vmem_shared>>) dst(%arg9 : memref<128x64xf32, #tpu.memory_space<vmem>>)
      %run_scoped3A_89 = arith.constant 0 : i32
      "tpu.region"() ({
        %run_scoped3A_90 = tpu.sem_alloc : memref<!tpu.dma_semaphore, #tpu.memory_space<semaphore_mem>>
        %dma_start3A_91 = arith.constant 0 : i32
        %dma_start3A_92 = tpu.memref_slice %arg8[%run_scoped3A_89, %dma_start3A_91] : memref<1x128xi32, #tpu.memory_space<vmem>> -> memref<1x128xi32, #tpu.memory_space<vmem>>
        %dma_start3A_93 = tpu.memref_squeeze %dma_start3A_92 : memref<1x128xi32, #tpu.memory_space<vmem>> -> memref<128xi32, #tpu.memory_space<vmem>>
        %dma_start3A_94 = arith.constant 0 : i32
        %dma_start3A_95 = arith.constant 0 : i32
        %dma_start3A_96 = tpu.memref_slice %arg18[%dma_start3A_94, %dma_start3A_95] : memref<10240x64xf32, #tpu.memory_space<vmem_shared>> -> memref<10240x64xf32, #tpu.memory_space<vmem_shared>>
        tpu.enqueue_indirect_dma source(%arg9 : memref<128x64xf32, #tpu.memory_space<vmem>>) target(%dma_start3A_96 : memref<10240x64xf32, #tpu.memory_space<vmem_shared>>) offsets(%dma_start3A_93 : memref<128xi32, #tpu.memory_space<vmem>>) semaphore(%run_scoped3A_90 : memref<!tpu.dma_semaphore, #tpu.memory_space<semaphore_mem>>) {add = true}
        %dma_wait3A_97 = arith.constant 0 : i32
        %dma_wait3A_98 = tpu.memref_slice %arg8[%run_scoped3A_89, %dma_wait3A_97] : memref<1x128xi32, #tpu.memory_space<vmem>> -> memref<1x128xi32, #tpu.memory_space<vmem>>
        %dma_wait3A_99 = tpu.memref_squeeze %dma_wait3A_98 : memref<1x128xi32, #tpu.memory_space<vmem>> -> memref<128xi32, #tpu.memory_space<vmem>>
        %dma_wait3A_100 = arith.constant 0 : i32
        %dma_wait3A_101 = arith.constant 0 : i32
        %dma_wait3A_102 = tpu.memref_slice %arg18[%dma_wait3A_100, %dma_wait3A_101] : memref<10240x64xf32, #tpu.memory_space<vmem_shared>> -> memref<10240x64xf32, #tpu.memory_space<vmem_shared>>
        tpu.wait_indirect_dma semaphore(%run_scoped3A_90 : memref<!tpu.dma_semaphore, #tpu.memory_space<semaphore_mem>>) src(%arg9 : memref<128x64xf32, #tpu.memory_space<vmem>>) dst(%dma_wait3A_102 : memref<10240x64xf32, #tpu.memory_space<vmem_shared>>)
        tpu.yield
      }) : () -> ()
    } else {
    }
    %barrier3A_64 = arith.constant 0 : index
    tpu.barrier barrier_id(%barrier3A_64)
    %mul3A_65 = arith.constant 640 : i32
    %mul3A_66 = arith.muli %arg1, %mul3A_65 : i32
    %mul3A_67 = arith.constant 640 : i32
    %mul3A_68 = arith.muli %arg1, %mul3A_67 : i32
    "tpu.region"() ({
      %run_scoped3A_69 = tpu.sem_alloc : memref<!tpu.dma_semaphore, #tpu.memory_space<semaphore_mem>>
      %dma_start3A_70 = arith.constant 0 : i32
      %dma_start3A_71 = tpu.memref_slice %arg4[%arg0, %mul3A_68, %dma_start3A_70] : memref<2x10240x64xf32, #tpu.memory_space<hbm>> -> memref<1x640x64xf32, #tpu.memory_space<hbm>>
      %dma_start3A_72 = tpu.memref_squeeze %dma_start3A_71 : memref<1x640x64xf32, #tpu.memory_space<hbm>> -> memref<640x64xf32, #tpu.memory_space<hbm>>
      %dma_start3A_73 = arith.constant 0 : i32
      %dma_start3A_74 = tpu.memref_slice %arg18[%mul3A_66, %dma_start3A_73] : memref<10240x64xf32, #tpu.memory_space<vmem_shared>> -> memref<640x64xf32, #tpu.memory_space<vmem_shared>>
      tpu.enqueue_dma source(%dma_start3A_74 : memref<640x64xf32, #tpu.memory_space<vmem_shared>>) target(%dma_start3A_72 : memref<640x64xf32, #tpu.memory_space<hbm>>) target_semaphore(%run_scoped3A_69 : memref<!tpu.dma_semaphore, #tpu.memory_space<semaphore_mem>>)
      %dma_wait3A_75 = arith.constant 0 : i32
      %dma_wait3A_76 = tpu.memref_slice %arg4[%arg0, %mul3A_68, %dma_wait3A_75] : memref<2x10240x64xf32, #tpu.memory_space<hbm>> -> memref<1x640x64xf32, #tpu.memory_space<hbm>>
      %dma_wait3A_77 = tpu.memref_squeeze %dma_wait3A_76 : memref<1x640x64xf32, #tpu.memory_space<hbm>> -> memref<640x64xf32, #tpu.memory_space<hbm>>
      %dma_wait3A_78 = arith.constant 0 : i32
      %dma_wait3A_79 = tpu.memref_slice %arg18[%mul3A_66, %dma_wait3A_78] : memref<10240x64xf32, #tpu.memory_space<vmem_shared>> -> memref<640x64xf32, #tpu.memory_space<vmem_shared>>
      tpu.wait_dma2 semaphore(%run_scoped3A_69 : memref<!tpu.dma_semaphore, #tpu.memory_space<semaphore_mem>>) src(%dma_wait3A_79 : memref<640x64xf32, #tpu.memory_space<vmem_shared>>) dst(%dma_wait3A_77 : memref<640x64xf32, #tpu.memory_space<hbm>>)
      tpu.yield
    }) : () -> ()
    return
  }
}

#map = affine_map<(d0, d1) -> (0, 0)>
#map1 = affine_map<(d0, d1) -> (0, 0, 0)>
module attributes {stable_mosaic.version = 14 : i64} {
  func.func @_scatter_kernel(%arg0: i32, %arg1: i32, %arg2: memref<10000x64xf32, #tpu.memory_space<hbm>>, %arg3: memref<2x2500x128xi32, #tpu.memory_space<hbm>>, %arg4: memref<2x10240x64xf32, #tpu.memory_space<hbm>>, %arg5: memref<78x128xi32, #tpu.memory_space<vmem>>, %arg6: memref<78x128xi32, #tpu.memory_space<vmem>>, %arg7: memref<1x128xi32, #tpu.memory_space<vmem>>, %arg8: memref<1x128xi32, #tpu.memory_space<vmem>>, %arg9: memref<128x64xf32, #tpu.memory_space<vmem>>, %arg10: memref<128x64xf32, #tpu.memory_space<vmem>>, %arg11: memref<128x64xf32, #tpu.memory_space<vmem>>, %arg12: memref<!tpu.dma_semaphore, #tpu.memory_space<semaphore_mem>>, %arg13: memref<!tpu.dma_semaphore, #tpu.memory_space<semaphore_mem>>, %arg14: memref<!tpu.dma_semaphore, #tpu.memory_space<semaphore_mem>>, %arg15: memref<!tpu.dma_semaphore, #tpu.memory_space<semaphore_mem>>, %arg16: memref<!tpu.dma_semaphore, #tpu.memory_space<semaphore_mem>>, %arg17: memref<!tpu.dma_semaphore, #tpu.memory_space<semaphore_mem>>, %arg18: memref<10240x64xf32, #tpu.memory_space<vmem_shared>>, %arg19: memref<10000x64xf32, #tpu.memory_space<vmem_shared>>) attributes {dimension_semantics = [#tpu.dimension_semantics<core_parallel>, #tpu.dimension_semantics<subcore_parallel>], iteration_bounds = array<i64: 2, 16>, scalar_prefetch = 0 : i64, scratch_operands = 15 : i64, tpu.core_type = #tpu.core_type<sc_vector_subcore>, window_params = [{transform_indices = #map}, {transform_indices = #map1}, {transform_indices = #map1}]} {
    %mul3A = arith.constant 2 : i32
    %mul3A_0 = arith.muli %arg1, %mul3A : i32
    %add3A = arith.addi %mul3A_0, %arg0 : i32
    %scan3A = arith.constant 0 : i32
    %scan3A_1 = arith.constant 0 : i32
    %scan3A_2 = arith.constant 128 : i32
    %scan3A_3 = arith.addi %scan3A_1, %scan3A_2 : i32
    %scan3A_4 = arith.constant 1 : i32
    %scan3A_5 = scf.for %scan3A_69 = %scan3A_1 to %scan3A_3 step %scan3A_4 iter_args(%scan3A_70 = %scan3A) -> (i32)  : i32 {
      %scan3A_71 = arith.constant 0 : i32
      %scan3A_72 = arith.constant 0 : i32
      %scan3A_73 = arith.constant 4 : i32
      %scan3A_74 = arith.addi %scan3A_72, %scan3A_73 : i32
      %scan3A_75 = arith.constant 1 : i32
      %scan3A_76 = scf.for %scan3A_78 = %scan3A_72 to %scan3A_74 step %scan3A_75 iter_args(%scan3A_79 = %scan3A_71) -> (i32)  : i32 {
        %broadcast_in_dim3A = arith.constant 0.000000e+00 : f32
        %broadcast_in_dim3A_80 = vector.broadcast %broadcast_in_dim3A : f32 to vector<16xf32>
        %mul3A_81 = arith.constant 16 : i32
        %mul3A_82 = arith.muli %scan3A_78, %mul3A_81 : i32
        %swap3A = arith.index_cast %scan3A_69 : i32 to index
        %swap3A_83 = arith.index_cast %mul3A_82 : i32 to index
        %swap3A_84 = tpu.vector_load %arg9[%swap3A, %swap3A_83] {strides = array<i32>} : memref<128x64xf32, #tpu.memory_space<vmem>>, vector<16xf32>,
        tpu.vector_store %arg9[%swap3A, %swap3A_83], %broadcast_in_dim3A_80 {strides = array<i32>} : memref<128x64xf32, #tpu.memory_space<vmem>>, vector<16xf32>,
        %scan3A_85 = arith.constant 0 : i32
        scf.yield %scan3A_85 : i32
      }
      %scan3A_77 = arith.constant 4 : i32
      scf.yield %scan3A_76 : i32
    }
    %scan3A_6 = arith.constant 128 : i32
    %mul3A_7 = arith.constant 640 : i32
    %mul3A_8 = arith.muli %arg1, %mul3A_7 : i32
    %add3A_9 = arith.constant 0 : i32
    %add3A_10 = arith.addi %mul3A_8, %add3A_9 : i32
    "tpu.region"() ({
      %run_scoped3A_69 = tpu.sem_alloc : memref<!tpu.dma_semaphore, #tpu.memory_space<semaphore_mem>>
      %dma_start3A_70 = arith.constant 0 : i32
      %dma_start3A_71 = tpu.memref_slice %arg18[%add3A_10, %dma_start3A_70] : memref<10240x64xf32, #tpu.memory_space<vmem_shared>> -> memref<128x64xf32, #tpu.memory_space<vmem_shared>>
      %dma_start3A_72 = arith.constant 0 : i32
      %dma_start3A_73 = tpu.memref_slice %arg18[%add3A_10, %dma_start3A_72] : memref<10240x64xf32, #tpu.memory_space<vmem_shared>> -> memref<128x64xf32, #tpu.memory_space<vmem_shared>>
      tpu.enqueue_dma source(%arg9 : memref<128x64xf32, #tpu.memory_space<vmem>>) target(%dma_start3A_73 : memref<128x64xf32, #tpu.memory_space<vmem_shared>>) target_semaphore(%run_scoped3A_69 : memref<!tpu.dma_semaphore, #tpu.memory_space<semaphore_mem>>)
      %dma_wait3A_74 = arith.constant 0 : i32
      %dma_wait3A_75 = tpu.memref_slice %arg18[%add3A_10, %dma_wait3A_74] : memref<10240x64xf32, #tpu.memory_space<vmem_shared>> -> memref<128x64xf32, #tpu.memory_space<vmem_shared>>
      %dma_wait3A_76 = arith.constant 0 : i32
      %dma_wait3A_77 = tpu.memref_slice %arg18[%add3A_10, %dma_wait3A_76] : memref<10240x64xf32, #tpu.memory_space<vmem_shared>> -> memref<128x64xf32, #tpu.memory_space<vmem_shared>>
      tpu.wait_dma2 semaphore(%run_scoped3A_69 : memref<!tpu.dma_semaphore, #tpu.memory_space<semaphore_mem>>) src(%arg9 : memref<128x64xf32, #tpu.memory_space<vmem>>) dst(%dma_wait3A_77 : memref<128x64xf32, #tpu.memory_space<vmem_shared>>)
      tpu.yield
    }) : () -> ()
    %mul3A_11 = arith.constant 640 : i32
    %mul3A_12 = arith.muli %arg1, %mul3A_11 : i32
    %add3A_13 = arith.constant 128 : i32
    %add3A_14 = arith.addi %mul3A_12, %add3A_13 : i32
    "tpu.region"() ({
      %run_scoped3A_69 = tpu.sem_alloc : memref<!tpu.dma_semaphore, #tpu.memory_space<semaphore_mem>>
      %dma_start3A_70 = arith.constant 0 : i32
      %dma_start3A_71 = tpu.memref_slice %arg18[%add3A_14, %dma_start3A_70] : memref<10240x64xf32, #tpu.memory_space<vmem_shared>> -> memref<128x64xf32, #tpu.memory_space<vmem_shared>>
      %dma_start3A_72 = arith.constant 0 : i32
      %dma_start3A_73 = tpu.memref_slice %arg18[%add3A_14, %dma_start3A_72] : memref<10240x64xf32, #tpu.memory_space<vmem_shared>> -> memref<128x64xf32, #tpu.memory_space<vmem_shared>>
      tpu.enqueue_dma source(%arg9 : memref<128x64xf32, #tpu.memory_space<vmem>>) target(%dma_start3A_73 : memref<128x64xf32, #tpu.memory_space<vmem_shared>>) target_semaphore(%run_scoped3A_69 : memref<!tpu.dma_semaphore, #tpu.memory_space<semaphore_mem>>)
      %dma_wait3A_74 = arith.constant 0 : i32
      %dma_wait3A_75 = tpu.memref_slice %arg18[%add3A_14, %dma_wait3A_74] : memref<10240x64xf32, #tpu.memory_space<vmem_shared>> -> memref<128x64xf32, #tpu.memory_space<vmem_shared>>
      %dma_wait3A_76 = arith.constant 0 : i32
      %dma_wait3A_77 = tpu.memref_slice %arg18[%add3A_14, %dma_wait3A_76] : memref<10240x64xf32, #tpu.memory_space<vmem_shared>> -> memref<128x64xf32, #tpu.memory_space<vmem_shared>>
      tpu.wait_dma2 semaphore(%run_scoped3A_69 : memref<!tpu.dma_semaphore, #tpu.memory_space<semaphore_mem>>) src(%arg9 : memref<128x64xf32, #tpu.memory_space<vmem>>) dst(%dma_wait3A_77 : memref<128x64xf32, #tpu.memory_space<vmem_shared>>)
      tpu.yield
    }) : () -> ()
    %mul3A_15 = arith.constant 640 : i32
    %mul3A_16 = arith.muli %arg1, %mul3A_15 : i32
    %add3A_17 = arith.constant 256 : i32
    %add3A_18 = arith.addi %mul3A_16, %add3A_17 : i32
    "tpu.region"() ({
      %run_scoped3A_69 = tpu.sem_alloc : memref<!tpu.dma_semaphore, #tpu.memory_space<semaphore_mem>>
      %dma_start3A_70 = arith.constant 0 : i32
      %dma_start3A_71 = tpu.memref_slice %arg18[%add3A_18, %dma_start3A_70] : memref<10240x64xf32, #tpu.memory_space<vmem_shared>> -> memref<128x64xf32, #tpu.memory_space<vmem_shared>>
      %dma_start3A_72 = arith.constant 0 : i32
      %dma_start3A_73 = tpu.memref_slice %arg18[%add3A_18, %dma_start3A_72] : memref<10240x64xf32, #tpu.memory_space<vmem_shared>> -> memref<128x64xf32, #tpu.memory_space<vmem_shared>>
      tpu.enqueue_dma source(%arg9 : memref<128x64xf32, #tpu.memory_space<vmem>>) target(%dma_start3A_73 : memref<128x64xf32, #tpu.memory_space<vmem_shared>>) target_semaphore(%run_scoped3A_69 : memref<!tpu.dma_semaphore, #tpu.memory_space<semaphore_mem>>)
      %dma_wait3A_74 = arith.constant 0 : i32
      %dma_wait3A_75 = tpu.memref_slice %arg18[%add3A_18, %dma_wait3A_74] : memref<10240x64xf32, #tpu.memory_space<vmem_shared>> -> memref<128x64xf32, #tpu.memory_space<vmem_shared>>
      %dma_wait3A_76 = arith.constant 0 : i32
      %dma_wait3A_77 = tpu.memref_slice %arg18[%add3A_18, %dma_wait3A_76] : memref<10240x64xf32, #tpu.memory_space<vmem_shared>> -> memref<128x64xf32, #tpu.memory_space<vmem_shared>>
      tpu.wait_dma2 semaphore(%run_scoped3A_69 : memref<!tpu.dma_semaphore, #tpu.memory_space<semaphore_mem>>) src(%arg9 : memref<128x64xf32, #tpu.memory_space<vmem>>) dst(%dma_wait3A_77 : memref<128x64xf32, #tpu.memory_space<vmem_shared>>)
      tpu.yield
    }) : () -> ()
    %mul3A_19 = arith.constant 640 : i32
    %mul3A_20 = arith.muli %arg1, %mul3A_19 : i32
    %add3A_21 = arith.constant 384 : i32
    %add3A_22 = arith.addi %mul3A_20, %add3A_21 : i32
    "tpu.region"() ({
      %run_scoped3A_69 = tpu.sem_alloc : memref<!tpu.dma_semaphore, #tpu.memory_space<semaphore_mem>>
      %dma_start3A_70 = arith.constant 0 : i32
      %dma_start3A_71 = tpu.memref_slice %arg18[%add3A_22, %dma_start3A_70] : memref<10240x64xf32, #tpu.memory_space<vmem_shared>> -> memref<128x64xf32, #tpu.memory_space<vmem_shared>>
      %dma_start3A_72 = arith.constant 0 : i32
      %dma_start3A_73 = tpu.memref_slice %arg18[%add3A_22, %dma_start3A_72] : memref<10240x64xf32, #tpu.memory_space<vmem_shared>> -> memref<128x64xf32, #tpu.memory_space<vmem_shared>>
      tpu.enqueue_dma source(%arg9 : memref<128x64xf32, #tpu.memory_space<vmem>>) target(%dma_start3A_73 : memref<128x64xf32, #tpu.memory_space<vmem_shared>>) target_semaphore(%run_scoped3A_69 : memref<!tpu.dma_semaphore, #tpu.memory_space<semaphore_mem>>)
      %dma_wait3A_74 = arith.constant 0 : i32
      %dma_wait3A_75 = tpu.memref_slice %arg18[%add3A_22, %dma_wait3A_74] : memref<10240x64xf32, #tpu.memory_space<vmem_shared>> -> memref<128x64xf32, #tpu.memory_space<vmem_shared>>
      %dma_wait3A_76 = arith.constant 0 : i32
      %dma_wait3A_77 = tpu.memref_slice %arg18[%add3A_22, %dma_wait3A_76] : memref<10240x64xf32, #tpu.memory_space<vmem_shared>> -> memref<128x64xf32, #tpu.memory_space<vmem_shared>>
      tpu.wait_dma2 semaphore(%run_scoped3A_69 : memref<!tpu.dma_semaphore, #tpu.memory_space<semaphore_mem>>) src(%arg9 : memref<128x64xf32, #tpu.memory_space<vmem>>) dst(%dma_wait3A_77 : memref<128x64xf32, #tpu.memory_space<vmem_shared>>)
      tpu.yield
    }) : () -> ()
    %mul3A_23 = arith.constant 640 : i32
    %mul3A_24 = arith.muli %arg1, %mul3A_23 : i32
    %add3A_25 = arith.constant 512 : i32
    %add3A_26 = arith.addi %mul3A_24, %add3A_25 : i32
    "tpu.region"() ({
      %run_scoped3A_69 = tpu.sem_alloc : memref<!tpu.dma_semaphore, #tpu.memory_space<semaphore_mem>>
      %dma_start3A_70 = arith.constant 0 : i32
      %dma_start3A_71 = tpu.memref_slice %arg18[%add3A_26, %dma_start3A_70] : memref<10240x64xf32, #tpu.memory_space<vmem_shared>> -> memref<128x64xf32, #tpu.memory_space<vmem_shared>>
      %dma_start3A_72 = arith.constant 0 : i32
      %dma_start3A_73 = tpu.memref_slice %arg18[%add3A_26, %dma_start3A_72] : memref<10240x64xf32, #tpu.memory_space<vmem_shared>> -> memref<128x64xf32, #tpu.memory_space<vmem_shared>>
      tpu.enqueue_dma source(%arg9 : memref<128x64xf32, #tpu.memory_space<vmem>>) target(%dma_start3A_73 : memref<128x64xf32, #tpu.memory_space<vmem_shared>>) target_semaphore(%run_scoped3A_69 : memref<!tpu.dma_semaphore, #tpu.memory_space<semaphore_mem>>)
      %dma_wait3A_74 = arith.constant 0 : i32
      %dma_wait3A_75 = tpu.memref_slice %arg18[%add3A_26, %dma_wait3A_74] : memref<10240x64xf32, #tpu.memory_space<vmem_shared>> -> memref<128x64xf32, #tpu.memory_space<vmem_shared>>
      %dma_wait3A_76 = arith.constant 0 : i32
      %dma_wait3A_77 = tpu.memref_slice %arg18[%add3A_26, %dma_wait3A_76] : memref<10240x64xf32, #tpu.memory_space<vmem_shared>> -> memref<128x64xf32, #tpu.memory_space<vmem_shared>>
      tpu.wait_dma2 semaphore(%run_scoped3A_69 : memref<!tpu.dma_semaphore, #tpu.memory_space<semaphore_mem>>) src(%arg9 : memref<128x64xf32, #tpu.memory_space<vmem>>) dst(%dma_wait3A_77 : memref<128x64xf32, #tpu.memory_space<vmem_shared>>)
      tpu.yield
    }) : () -> ()
    %mul3A_27 = arith.constant 78 : i32
    %mul3A_28 = arith.muli %add3A, %mul3A_27 : i32
    %run_scoped3A = arith.constant 0 : i32
    "tpu.region"() ({
      %run_scoped3A_69 = tpu.sem_alloc : memref<!tpu.dma_semaphore, #tpu.memory_space<semaphore_mem>>
      %dma_start3A_70 = arith.constant 0 : i32
      %dma_start3A_71 = tpu.memref_slice %arg3[%run_scoped3A, %mul3A_28, %dma_start3A_70] : memref<2x2500x128xi32, #tpu.memory_space<hbm>> -> memref<1x78x128xi32, #tpu.memory_space<hbm>>
      %dma_start3A_72 = tpu.memref_squeeze %dma_start3A_71 : memref<1x78x128xi32, #tpu.memory_space<hbm>> -> memref<78x128xi32, #tpu.memory_space<hbm>>
      %dma_start3A_73 = arith.constant 0 : i32
      %dma_start3A_74 = tpu.memref_slice %arg3[%run_scoped3A, %mul3A_28, %dma_start3A_73] : memref<2x2500x128xi32, #tpu.memory_space<hbm>> -> memref<1x78x128xi32, #tpu.memory_space<hbm>>
      %dma_start3A_75 = tpu.memref_squeeze %dma_start3A_74 : memref<1x78x128xi32, #tpu.memory_space<hbm>> -> memref<78x128xi32, #tpu.memory_space<hbm>>
      tpu.enqueue_dma source(%dma_start3A_75 : memref<78x128xi32, #tpu.memory_space<hbm>>) target(%arg5 : memref<78x128xi32, #tpu.memory_space<vmem>>) target_semaphore(%run_scoped3A_69 : memref<!tpu.dma_semaphore, #tpu.memory_space<semaphore_mem>>)
      %dma_wait3A_76 = arith.constant 0 : i32
      %dma_wait3A_77 = tpu.memref_slice %arg3[%run_scoped3A, %mul3A_28, %dma_wait3A_76] : memref<2x2500x128xi32, #tpu.memory_space<hbm>> -> memref<1x78x128xi32, #tpu.memory_space<hbm>>
      %dma_wait3A_78 = tpu.memref_squeeze %dma_wait3A_77 : memref<1x78x128xi32, #tpu.memory_space<hbm>> -> memref<78x128xi32, #tpu.memory_space<hbm>>
      %dma_wait3A_79 = arith.constant 0 : i32
      %dma_wait3A_80 = tpu.memref_slice %arg3[%run_scoped3A, %mul3A_28, %dma_wait3A_79] : memref<2x2500x128xi32, #tpu.memory_space<hbm>> -> memref<1x78x128xi32, #tpu.memory_space<hbm>>
      %dma_wait3A_81 = tpu.memref_squeeze %dma_wait3A_80 : memref<1x78x128xi32, #tpu.memory_space<hbm>> -> memref<78x128xi32, #tpu.memory_space<hbm>>
      tpu.wait_dma2 semaphore(%run_scoped3A_69 : memref<!tpu.dma_semaphore, #tpu.memory_space<semaphore_mem>>) src(%dma_wait3A_81 : memref<78x128xi32, #tpu.memory_space<hbm>>) dst(%arg5 : memref<78x128xi32, #tpu.memory_space<vmem>>)
      tpu.yield
    }) : () -> ()
    %mul3A_29 = arith.constant 78 : i32
    %mul3A_30 = arith.muli %add3A, %mul3A_29 : i32
    %run_scoped3A_31 = arith.constant 1 : i32
    "tpu.region"() ({
      %run_scoped3A_69 = tpu.sem_alloc : memref<!tpu.dma_semaphore, #tpu.memory_space<semaphore_mem>>
      %dma_start3A_70 = arith.constant 0 : i32
      %dma_start3A_71 = tpu.memref_slice %arg3[%run_scoped3A_31, %mul3A_30, %dma_start3A_70] : memref<2x2500x128xi32, #tpu.memory_space<hbm>> -> memref<1x78x128xi32, #tpu.memory_space<hbm>>
      %dma_start3A_72 = tpu.memref_squeeze %dma_start3A_71 : memref<1x78x128xi32, #tpu.memory_space<hbm>> -> memref<78x128xi32, #tpu.memory_space<hbm>>
      %dma_start3A_73 = arith.constant 0 : i32
      %dma_start3A_74 = tpu.memref_slice %arg3[%run_scoped3A_31, %mul3A_30, %dma_start3A_73] : memref<2x2500x128xi32, #tpu.memory_space<hbm>> -> memref<1x78x128xi32, #tpu.memory_space<hbm>>
      %dma_start3A_75 = tpu.memref_squeeze %dma_start3A_74 : memref<1x78x128xi32, #tpu.memory_space<hbm>> -> memref<78x128xi32, #tpu.memory_space<hbm>>
      tpu.enqueue_dma source(%dma_start3A_75 : memref<78x128xi32, #tpu.memory_space<hbm>>) target(%arg6 : memref<78x128xi32, #tpu.memory_space<vmem>>) target_semaphore(%run_scoped3A_69 : memref<!tpu.dma_semaphore, #tpu.memory_space<semaphore_mem>>)
      %dma_wait3A_76 = arith.constant 0 : i32
      %dma_wait3A_77 = tpu.memref_slice %arg3[%run_scoped3A_31, %mul3A_30, %dma_wait3A_76] : memref<2x2500x128xi32, #tpu.memory_space<hbm>> -> memref<1x78x128xi32, #tpu.memory_space<hbm>>
      %dma_wait3A_78 = tpu.memref_squeeze %dma_wait3A_77 : memref<1x78x128xi32, #tpu.memory_space<hbm>> -> memref<78x128xi32, #tpu.memory_space<hbm>>
      %dma_wait3A_79 = arith.constant 0 : i32
      %dma_wait3A_80 = tpu.memref_slice %arg3[%run_scoped3A_31, %mul3A_30, %dma_wait3A_79] : memref<2x2500x128xi32, #tpu.memory_space<hbm>> -> memref<1x78x128xi32, #tpu.memory_space<hbm>>
      %dma_wait3A_81 = tpu.memref_squeeze %dma_wait3A_80 : memref<1x78x128xi32, #tpu.memory_space<hbm>> -> memref<78x128xi32, #tpu.memory_space<hbm>>
      tpu.wait_dma2 semaphore(%run_scoped3A_69 : memref<!tpu.dma_semaphore, #tpu.memory_space<semaphore_mem>>) src(%dma_wait3A_81 : memref<78x128xi32, #tpu.memory_space<hbm>>) dst(%arg6 : memref<78x128xi32, #tpu.memory_space<vmem>>)
      tpu.yield
    }) : () -> ()
    %mul3A_32 = arith.constant 625 : i32
    %mul3A_33 = arith.muli %arg1, %mul3A_32 : i32
    %mul3A_34 = arith.constant 625 : i32
    %mul3A_35 = arith.muli %arg1, %mul3A_34 : i32
    "tpu.region"() ({
      %run_scoped3A_69 = tpu.sem_alloc : memref<!tpu.dma_semaphore, #tpu.memory_space<semaphore_mem>>
      %dma_start3A_70 = arith.constant 0 : i32
      %dma_start3A_71 = tpu.memref_slice %arg19[%mul3A_35, %dma_start3A_70] : memref<10000x64xf32, #tpu.memory_space<vmem_shared>> -> memref<625x64xf32, #tpu.memory_space<vmem_shared>>
      %dma_start3A_72 = arith.constant 0 : i32
      %dma_start3A_73 = tpu.memref_slice %arg2[%mul3A_33, %dma_start3A_72] : memref<10000x64xf32, #tpu.memory_space<hbm>> -> memref<625x64xf32, #tpu.memory_space<hbm>>
      tpu.enqueue_dma source(%dma_start3A_73 : memref<625x64xf32, #tpu.memory_space<hbm>>) target(%dma_start3A_71 : memref<625x64xf32, #tpu.memory_space<vmem_shared>>) target_semaphore(%run_scoped3A_69 : memref<!tpu.dma_semaphore, #tpu.memory_space<semaphore_mem>>)
      %dma_wait3A_74 = arith.constant 0 : i32
      %dma_wait3A_75 = tpu.memref_slice %arg19[%mul3A_35, %dma_wait3A_74] : memref<10000x64xf32, #tpu.memory_space<vmem_shared>> -> memref<625x64xf32, #tpu.memory_space<vmem_shared>>
      %dma_wait3A_76 = arith.constant 0 : i32
      %dma_wait3A_77 = tpu.memref_slice %arg2[%mul3A_33, %dma_wait3A_76] : memref<10000x64xf32, #tpu.memory_space<hbm>> -> memref<625x64xf32, #tpu.memory_space<hbm>>
      tpu.wait_dma2 semaphore(%run_scoped3A_69 : memref<!tpu.dma_semaphore, #tpu.memory_space<semaphore_mem>>) src(%dma_wait3A_77 : memref<625x64xf32, #tpu.memory_space<hbm>>) dst(%dma_wait3A_75 : memref<625x64xf32, #tpu.memory_space<vmem_shared>>)
      tpu.yield
    }) : () -> ()
    %barrier3A = arith.constant 0 : index
    tpu.barrier barrier_id(%barrier3A)
    %dma_start3A = arith.constant 0 : i32
    %dma_start3A_36 = arith.constant 0 : i32
    %dma_start3A_37 = tpu.memref_slice %arg5[%dma_start3A, %dma_start3A_36] : memref<78x128xi32, #tpu.memory_space<vmem>> -> memref<1x128xi32, #tpu.memory_space<vmem>>
    %dma_start3A_38 = tpu.memref_squeeze %dma_start3A_37 : memref<1x128xi32, #tpu.memory_space<vmem>> -> memref<128xi32, #tpu.memory_space<vmem>>
    %dma_start3A_39 = arith.constant 0 : i32
    %dma_start3A_40 = arith.constant 0 : i32
    %dma_start3A_41 = tpu.memref_slice %arg19[%dma_start3A_39, %dma_start3A_40] : memref<10000x64xf32, #tpu.memory_space<vmem_shared>> -> memref<10000x64xf32, #tpu.memory_space<vmem_shared>>
    tpu.enqueue_indirect_dma source(%dma_start3A_41 : memref<10000x64xf32, #tpu.memory_space<vmem_shared>>) target(%arg9 : memref<128x64xf32, #tpu.memory_space<vmem>>) offsets(%dma_start3A_38 : memref<128xi32, #tpu.memory_space<vmem>>) semaphore(%arg12 : memref<!tpu.dma_semaphore, #tpu.memory_space<semaphore_mem>>)
    %dma_start3A_42 = arith.constant 1 : i32
    %dma_start3A_43 = arith.constant 0 : i32
    %dma_start3A_44 = tpu.memref_slice %arg5[%dma_start3A_42, %dma_start3A_43] : memref<78x128xi32, #tpu.memory_space<vmem>> -> memref<1x128xi32, #tpu.memory_space<vmem>>
    %dma_start3A_45 = tpu.memref_squeeze %dma_start3A_44 : memref<1x128xi32, #tpu.memory_space<vmem>> -> memref<128xi32, #tpu.memory_space<vmem>>
    %dma_start3A_46 = arith.constant 0 : i32
    %dma_start3A_47 = arith.constant 0 : i32
    %dma_start3A_48 = tpu.memref_slice %arg19[%dma_start3A_46, %dma_start3A_47] : memref<10000x64xf32, #tpu.memory_space<vmem_shared>> -> memref<10000x64xf32, #tpu.memory_space<vmem_shared>>
    tpu.enqueue_indirect_dma source(%dma_start3A_48 : memref<10000x64xf32, #tpu.memory_space<vmem_shared>>) target(%arg10 : memref<128x64xf32, #tpu.memory_space<vmem>>) offsets(%dma_start3A_45 : memref<128xi32, #tpu.memory_space<vmem>>) semaphore(%arg13 : memref<!tpu.dma_semaphore, #tpu.memory_space<semaphore_mem>>)
    %scan3A_49 = arith.constant 0 : i32
    %scan3A_50 = arith.constant 0 : i32
    %scan3A_51 = arith.constant 26 : i32
    %scan3A_52 = arith.addi %scan3A_50, %scan3A_51 : i32
    %scan3A_53 = arith.constant 1 : i32
    %scan3A_54 = scf.for %scan3A_69 = %scan3A_50 to %scan3A_52 step %scan3A_53 iter_args(%scan3A_70 = %scan3A_49) -> (i32)  : i32 {
      %mul3A_71 = arith.constant 3 : i32
      %mul3A_72 = arith.muli %mul3A_71, %scan3A_69 : i32
      %add3A_73 = arith.constant 0 : i32
      %add3A_74 = arith.addi %mul3A_72, %add3A_73 : i32
      %dma_wait3A_75 = arith.constant 0 : i32
      %dma_wait3A_76 = tpu.memref_slice %arg5[%add3A_74, %dma_wait3A_75] : memref<78x128xi32, #tpu.memory_space<vmem>> -> memref<1x128xi32, #tpu.memory_space<vmem>>
      %dma_wait3A_77 = tpu.memref_squeeze %dma_wait3A_76 : memref<1x128xi32, #tpu.memory_space<vmem>> -> memref<128xi32, #tpu.memory_space<vmem>>
      %dma_wait3A_78 = arith.constant 0 : i32
      %dma_wait3A_79 = arith.constant 0 : i32
      %dma_wait3A_80 = tpu.memref_slice %arg19[%dma_wait3A_78, %dma_wait3A_79] : memref<10000x64xf32, #tpu.memory_space<vmem_shared>> -> memref<10000x64xf32, #tpu.memory_space<vmem_shared>>
      tpu.wait_indirect_dma semaphore(%arg12 : memref<!tpu.dma_semaphore, #tpu.memory_space<semaphore_mem>>) src(%dma_wait3A_80 : memref<10000x64xf32, #tpu.memory_space<vmem_shared>>) dst(%arg9 : memref<128x64xf32, #tpu.memory_space<vmem>>)
      %dma_start3A_81 = arith.constant 0 : i32
      %dma_start3A_82 = tpu.memref_slice %arg6[%add3A_74, %dma_start3A_81] : memref<78x128xi32, #tpu.memory_space<vmem>> -> memref<1x128xi32, #tpu.memory_space<vmem>>
      %dma_start3A_83 = tpu.memref_squeeze %dma_start3A_82 : memref<1x128xi32, #tpu.memory_space<vmem>> -> memref<128xi32, #tpu.memory_space<vmem>>
      %dma_start3A_84 = arith.constant 0 : i32
      %dma_start3A_85 = arith.constant 0 : i32
      %dma_start3A_86 = tpu.memref_slice %arg18[%dma_start3A_84, %dma_start3A_85] : memref<10240x64xf32, #tpu.memory_space<vmem_shared>> -> memref<10240x64xf32, #tpu.memory_space<vmem_shared>>
      tpu.enqueue_indirect_dma source(%arg9 : memref<128x64xf32, #tpu.memory_space<vmem>>) target(%dma_start3A_86 : memref<10240x64xf32, #tpu.memory_space<vmem_shared>>) offsets(%dma_start3A_83 : memref<128xi32, #tpu.memory_space<vmem>>) semaphore(%arg15 : memref<!tpu.dma_semaphore, #tpu.memory_space<semaphore_mem>>) {add = true}
      %ge3A = arith.constant 1 : i32
      %ge3A_87 = arith.cmpi sge, %add3A_74, %ge3A : i32
      %convert_element_type3A_88 = arith.extui %ge3A_87 : i1 to i32
      %cond3A_89 = arith.constant 0 : i32
      %cond3A_90 = arith.cmpi ne, %convert_element_type3A_88, %cond3A_89 : i32
      scf.if %cond3A_90 {
        %sub3A = arith.constant 1 : i32
        %sub3A_155 = arith.subi %add3A_74, %sub3A : i32
        %dma_wait3A_156 = arith.constant 0 : i32
        %dma_wait3A_157 = tpu.memref_slice %arg6[%sub3A_155, %dma_wait3A_156] : memref<78x128xi32, #tpu.memory_space<vmem>> -> memref<1x128xi32, #tpu.memory_space<vmem>>
        %dma_wait3A_158 = tpu.memref_squeeze %dma_wait3A_157 : memref<1x128xi32, #tpu.memory_space<vmem>> -> memref<128xi32, #tpu.memory_space<vmem>>
        %dma_wait3A_159 = arith.constant 0 : i32
        %dma_wait3A_160 = arith.constant 0 : i32
        %dma_wait3A_161 = tpu.memref_slice %arg18[%dma_wait3A_159, %dma_wait3A_160] : memref<10240x64xf32, #tpu.memory_space<vmem_shared>> -> memref<10240x64xf32, #tpu.memory_space<vmem_shared>>
        tpu.wait_indirect_dma semaphore(%arg17 : memref<!tpu.dma_semaphore, #tpu.memory_space<semaphore_mem>>) src(%arg11 : memref<128x64xf32, #tpu.memory_space<vmem>>) dst(%dma_wait3A_161 : memref<10240x64xf32, #tpu.memory_space<vmem_shared>>)
      } else {
      }
      %add3A_91 = arith.constant 2 : i32
      %add3A_92 = arith.addi %add3A_74, %add3A_91 : i32
      %lt3A_93 = arith.constant 78 : i32
      %lt3A_94 = arith.cmpi slt, %add3A_92, %lt3A_93 : i32
      %convert_element_type3A_95 = arith.extui %lt3A_94 : i1 to i32
      %cond3A_96 = arith.constant 0 : i32
      %cond3A_97 = arith.cmpi ne, %convert_element_type3A_95, %cond3A_96 : i32
      scf.if %cond3A_97 {
        %add3A_155 = arith.constant 2 : i32
        %add3A_156 = arith.addi %add3A_74, %add3A_155 : i32
        %dma_start3A_157 = arith.constant 0 : i32
        %dma_start3A_158 = tpu.memref_slice %arg5[%add3A_156, %dma_start3A_157] : memref<78x128xi32, #tpu.memory_space<vmem>> -> memref<1x128xi32, #tpu.memory_space<vmem>>
        %dma_start3A_159 = tpu.memref_squeeze %dma_start3A_158 : memref<1x128xi32, #tpu.memory_space<vmem>> -> memref<128xi32, #tpu.memory_space<vmem>>
        %dma_start3A_160 = arith.constant 0 : i32
        %dma_start3A_161 = arith.constant 0 : i32
        %dma_start3A_162 = tpu.memref_slice %arg19[%dma_start3A_160, %dma_start3A_161] : memref<10000x64xf32, #tpu.memory_space<vmem_shared>> -> memref<10000x64xf32, #tpu.memory_space<vmem_shared>>
        tpu.enqueue_indirect_dma source(%dma_start3A_162 : memref<10000x64xf32, #tpu.memory_space<vmem_shared>>) target(%arg11 : memref<128x64xf32, #tpu.memory_space<vmem>>) offsets(%dma_start3A_159 : memref<128xi32, #tpu.memory_space<vmem>>) semaphore(%arg14 : memref<!tpu.dma_semaphore, #tpu.memory_space<semaphore_mem>>)
      } else {
      }
      %mul3A_98 = arith.constant 3 : i32
      %mul3A_99 = arith.muli %mul3A_98, %scan3A_69 : i32
      %add3A_100 = arith.constant 1 : i32
      %add3A_101 = arith.addi %mul3A_99, %add3A_100 : i32
      %dma_wait3A_102 = arith.constant 0 : i32
      %dma_wait3A_103 = tpu.memref_slice %arg5[%add3A_101, %dma_wait3A_102] : memref<78x128xi32, #tpu.memory_space<vmem>> -> memref<1x128xi32, #tpu.memory_space<vmem>>
      %dma_wait3A_104 = tpu.memref_squeeze %dma_wait3A_103 : memref<1x128xi32, #tpu.memory_space<vmem>> -> memref<128xi32, #tpu.memory_space<vmem>>
      %dma_wait3A_105 = arith.constant 0 : i32
      %dma_wait3A_106 = arith.constant 0 : i32
      %dma_wait3A_107 = tpu.memref_slice %arg19[%dma_wait3A_105, %dma_wait3A_106] : memref<10000x64xf32, #tpu.memory_space<vmem_shared>> -> memref<10000x64xf32, #tpu.memory_space<vmem_shared>>
      tpu.wait_indirect_dma semaphore(%arg13 : memref<!tpu.dma_semaphore, #tpu.memory_space<semaphore_mem>>) src(%dma_wait3A_107 : memref<10000x64xf32, #tpu.memory_space<vmem_shared>>) dst(%arg10 : memref<128x64xf32, #tpu.memory_space<vmem>>)
      %dma_start3A_108 = arith.constant 0 : i32
      %dma_start3A_109 = tpu.memref_slice %arg6[%add3A_101, %dma_start3A_108] : memref<78x128xi32, #tpu.memory_space<vmem>> -> memref<1x128xi32, #tpu.memory_space<vmem>>
      %dma_start3A_110 = tpu.memref_squeeze %dma_start3A_109 : memref<1x128xi32, #tpu.memory_space<vmem>> -> memref<128xi32, #tpu.memory_space<vmem>>
      %dma_start3A_111 = arith.constant 0 : i32
      %dma_start3A_112 = arith.constant 0 : i32
      %dma_start3A_113 = tpu.memref_slice %arg18[%dma_start3A_111, %dma_start3A_112] : memref<10240x64xf32, #tpu.memory_space<vmem_shared>> -> memref<10240x64xf32, #tpu.memory_space<vmem_shared>>
      tpu.enqueue_indirect_dma source(%arg10 : memref<128x64xf32, #tpu.memory_space<vmem>>) target(%dma_start3A_113 : memref<10240x64xf32, #tpu.memory_space<vmem_shared>>) offsets(%dma_start3A_110 : memref<128xi32, #tpu.memory_space<vmem>>) semaphore(%arg16 : memref<!tpu.dma_semaphore, #tpu.memory_space<semaphore_mem>>) {add = true}
      %ge3A_114 = arith.constant 1 : i32
      %ge3A_115 = arith.cmpi sge, %add3A_101, %ge3A_114 : i32
      %convert_element_type3A_116 = arith.extui %ge3A_115 : i1 to i32
      %cond3A_117 = arith.constant 0 : i32
      %cond3A_118 = arith.cmpi ne, %convert_element_type3A_116, %cond3A_117 : i32
      scf.if %cond3A_118 {
        %sub3A = arith.constant 1 : i32
        %sub3A_155 = arith.subi %add3A_101, %sub3A : i32
        %dma_wait3A_156 = arith.constant 0 : i32
        %dma_wait3A_157 = tpu.memref_slice %arg6[%sub3A_155, %dma_wait3A_156] : memref<78x128xi32, #tpu.memory_space<vmem>> -> memref<1x128xi32, #tpu.memory_space<vmem>>
        %dma_wait3A_158 = tpu.memref_squeeze %dma_wait3A_157 : memref<1x128xi32, #tpu.memory_space<vmem>> -> memref<128xi32, #tpu.memory_space<vmem>>
        %dma_wait3A_159 = arith.constant 0 : i32
        %dma_wait3A_160 = arith.constant 0 : i32
        %dma_wait3A_161 = tpu.memref_slice %arg18[%dma_wait3A_159, %dma_wait3A_160] : memref<10240x64xf32, #tpu.memory_space<vmem_shared>> -> memref<10240x64xf32, #tpu.memory_space<vmem_shared>>
        tpu.wait_indirect_dma semaphore(%arg15 : memref<!tpu.dma_semaphore, #tpu.memory_space<semaphore_mem>>) src(%arg9 : memref<128x64xf32, #tpu.memory_space<vmem>>) dst(%dma_wait3A_161 : memref<10240x64xf32, #tpu.memory_space<vmem_shared>>)
      } else {
      }
      %add3A_119 = arith.constant 2 : i32
      %add3A_120 = arith.addi %add3A_101, %add3A_119 : i32
      %lt3A_121 = arith.constant 78 : i32
      %lt3A_122 = arith.cmpi slt, %add3A_120, %lt3A_121 : i32
      %convert_element_type3A_123 = arith.extui %lt3A_122 : i1 to i32
      %cond3A_124 = arith.constant 0 : i32
      %cond3A_125 = arith.cmpi ne, %convert_element_type3A_123, %cond3A_124 : i32
      scf.if %cond3A_125 {
        %add3A_155 = arith.constant 2 : i32
        %add3A_156 = arith.addi %add3A_101, %add3A_155 : i32
        %dma_start3A_157 = arith.constant 0 : i32
        %dma_start3A_158 = tpu.memref_slice %arg5[%add3A_156, %dma_start3A_157] : memref<78x128xi32, #tpu.memory_space<vmem>> -> memref<1x128xi32, #tpu.memory_space<vmem>>
        %dma_start3A_159 = tpu.memref_squeeze %dma_start3A_158 : memref<1x128xi32, #tpu.memory_space<vmem>> -> memref<128xi32, #tpu.memory_space<vmem>>
        %dma_start3A_160 = arith.constant 0 : i32
        %dma_start3A_161 = arith.constant 0 : i32
        %dma_start3A_162 = tpu.memref_slice %arg19[%dma_start3A_160, %dma_start3A_161] : memref<10000x64xf32, #tpu.memory_space<vmem_shared>> -> memref<10000x64xf32, #tpu.memory_space<vmem_shared>>
        tpu.enqueue_indirect_dma source(%dma_start3A_162 : memref<10000x64xf32, #tpu.memory_space<vmem_shared>>) target(%arg9 : memref<128x64xf32, #tpu.memory_space<vmem>>) offsets(%dma_start3A_159 : memref<128xi32, #tpu.memory_space<vmem>>) semaphore(%arg12 : memref<!tpu.dma_semaphore, #tpu.memory_space<semaphore_mem>>)
      } else {
      }
      %mul3A_126 = arith.constant 3 : i32
      %mul3A_127 = arith.muli %mul3A_126, %scan3A_69 : i32
      %add3A_128 = arith.constant 2 : i32
      %add3A_129 = arith.addi %mul3A_127, %add3A_128 : i32
      %dma_wait3A_130 = arith.constant 0 : i32
      %dma_wait3A_131 = tpu.memref_slice %arg5[%add3A_129, %dma_wait3A_130] : memref<78x128xi32, #tpu.memory_space<vmem>> -> memref<1x128xi32, #tpu.memory_space<vmem>>
      %dma_wait3A_132 = tpu.memref_squeeze %dma_wait3A_131 : memref<1x128xi32, #tpu.memory_space<vmem>> -> memref<128xi32, #tpu.memory_space<vmem>>
      %dma_wait3A_133 = arith.constant 0 : i32
      %dma_wait3A_134 = arith.constant 0 : i32
      %dma_wait3A_135 = tpu.memref_slice %arg19[%dma_wait3A_133, %dma_wait3A_134] : memref<10000x64xf32, #tpu.memory_space<vmem_shared>> -> memref<10000x64xf32, #tpu.memory_space<vmem_shared>>
      tpu.wait_indirect_dma semaphore(%arg14 : memref<!tpu.dma_semaphore, #tpu.memory_space<semaphore_mem>>) src(%dma_wait3A_135 : memref<10000x64xf32, #tpu.memory_space<vmem_shared>>) dst(%arg11 : memref<128x64xf32, #tpu.memory_space<vmem>>)
      %dma_start3A_136 = arith.constant 0 : i32
      %dma_start3A_137 = tpu.memref_slice %arg6[%add3A_129, %dma_start3A_136] : memref<78x128xi32, #tpu.memory_space<vmem>> -> memref<1x128xi32, #tpu.memory_space<vmem>>
      %dma_start3A_138 = tpu.memref_squeeze %dma_start3A_137 : memref<1x128xi32, #tpu.memory_space<vmem>> -> memref<128xi32, #tpu.memory_space<vmem>>
      %dma_start3A_139 = arith.constant 0 : i32
      %dma_start3A_140 = arith.constant 0 : i32
      %dma_start3A_141 = tpu.memref_slice %arg18[%dma_start3A_139, %dma_start3A_140] : memref<10240x64xf32, #tpu.memory_space<vmem_shared>> -> memref<10240x64xf32, #tpu.memory_space<vmem_shared>>
      tpu.enqueue_indirect_dma source(%arg11 : memref<128x64xf32, #tpu.memory_space<vmem>>) target(%dma_start3A_141 : memref<10240x64xf32, #tpu.memory_space<vmem_shared>>) offsets(%dma_start3A_138 : memref<128xi32, #tpu.memory_space<vmem>>) semaphore(%arg17 : memref<!tpu.dma_semaphore, #tpu.memory_space<semaphore_mem>>) {add = true}
      %ge3A_142 = arith.constant 1 : i32
      %ge3A_143 = arith.cmpi sge, %add3A_129, %ge3A_142 : i32
      %convert_element_type3A_144 = arith.extui %ge3A_143 : i1 to i32
      %cond3A_145 = arith.constant 0 : i32
      %cond3A_146 = arith.cmpi ne, %convert_element_type3A_144, %cond3A_145 : i32
      scf.if %cond3A_146 {
        %sub3A = arith.constant 1 : i32
        %sub3A_155 = arith.subi %add3A_129, %sub3A : i32
        %dma_wait3A_156 = arith.constant 0 : i32
        %dma_wait3A_157 = tpu.memref_slice %arg6[%sub3A_155, %dma_wait3A_156] : memref<78x128xi32, #tpu.memory_space<vmem>> -> memref<1x128xi32, #tpu.memory_space<vmem>>
        %dma_wait3A_158 = tpu.memref_squeeze %dma_wait3A_157 : memref<1x128xi32, #tpu.memory_space<vmem>> -> memref<128xi32, #tpu.memory_space<vmem>>
        %dma_wait3A_159 = arith.constant 0 : i32
        %dma_wait3A_160 = arith.constant 0 : i32
        %dma_wait3A_161 = tpu.memref_slice %arg18[%dma_wait3A_159, %dma_wait3A_160] : memref<10240x64xf32, #tpu.memory_space<vmem_shared>> -> memref<10240x64xf32, #tpu.memory_space<vmem_shared>>
        tpu.wait_indirect_dma semaphore(%arg16 : memref<!tpu.dma_semaphore, #tpu.memory_space<semaphore_mem>>) src(%arg10 : memref<128x64xf32, #tpu.memory_space<vmem>>) dst(%dma_wait3A_161 : memref<10240x64xf32, #tpu.memory_space<vmem_shared>>)
      } else {
      }
      %add3A_147 = arith.constant 2 : i32
      %add3A_148 = arith.addi %add3A_129, %add3A_147 : i32
      %lt3A_149 = arith.constant 78 : i32
      %lt3A_150 = arith.cmpi slt, %add3A_148, %lt3A_149 : i32
      %convert_element_type3A_151 = arith.extui %lt3A_150 : i1 to i32
      %cond3A_152 = arith.constant 0 : i32
      %cond3A_153 = arith.cmpi ne, %convert_element_type3A_151, %cond3A_152 : i32
      scf.if %cond3A_153 {
        %add3A_155 = arith.constant 2 : i32
        %add3A_156 = arith.addi %add3A_129, %add3A_155 : i32
        %dma_start3A_157 = arith.constant 0 : i32
        %dma_start3A_158 = tpu.memref_slice %arg5[%add3A_156, %dma_start3A_157] : memref<78x128xi32, #tpu.memory_space<vmem>> -> memref<1x128xi32, #tpu.memory_space<vmem>>
        %dma_start3A_159 = tpu.memref_squeeze %dma_start3A_158 : memref<1x128xi32, #tpu.memory_space<vmem>> -> memref<128xi32, #tpu.memory_space<vmem>>
        %dma_start3A_160 = arith.constant 0 : i32
        %dma_start3A_161 = arith.constant 0 : i32
        %dma_start3A_162 = tpu.memref_slice %arg19[%dma_start3A_160, %dma_start3A_161] : memref<10000x64xf32, #tpu.memory_space<vmem_shared>> -> memref<10000x64xf32, #tpu.memory_space<vmem_shared>>
        tpu.enqueue_indirect_dma source(%dma_start3A_162 : memref<10000x64xf32, #tpu.memory_space<vmem_shared>>) target(%arg10 : memref<128x64xf32, #tpu.memory_space<vmem>>) offsets(%dma_start3A_159 : memref<128xi32, #tpu.memory_space<vmem>>) semaphore(%arg13 : memref<!tpu.dma_semaphore, #tpu.memory_space<semaphore_mem>>)
      } else {
      }
      %scan3A_154 = arith.constant 0 : i32
      scf.yield %scan3A_154 : i32
    }
    %scan3A_55 = arith.constant 26 : i32
    %dma_wait3A = arith.constant 77 : i32
    %dma_wait3A_56 = arith.constant 0 : i32
    %dma_wait3A_57 = tpu.memref_slice %arg6[%dma_wait3A, %dma_wait3A_56] : memref<78x128xi32, #tpu.memory_space<vmem>> -> memref<1x128xi32, #tpu.memory_space<vmem>>
    %dma_wait3A_58 = tpu.memref_squeeze %dma_wait3A_57 : memref<1x128xi32, #tpu.memory_space<vmem>> -> memref<128xi32, #tpu.memory_space<vmem>>
    %dma_wait3A_59 = arith.constant 0 : i32
    %dma_wait3A_60 = arith.constant 0 : i32
    %dma_wait3A_61 = tpu.memref_slice %arg18[%dma_wait3A_59, %dma_wait3A_60] : memref<10240x64xf32, #tpu.memory_space<vmem_shared>> -> memref<10240x64xf32, #tpu.memory_space<vmem_shared>>
    tpu.wait_indirect_dma semaphore(%arg17 : memref<!tpu.dma_semaphore, #tpu.memory_space<semaphore_mem>>) src(%arg11 : memref<128x64xf32, #tpu.memory_space<vmem>>) dst(%dma_wait3A_61 : memref<10240x64xf32, #tpu.memory_space<vmem_shared>>)
    %lt3A = arith.constant 4 : i32
    %lt3A_62 = arith.cmpi slt, %add3A, %lt3A : i32
    %convert_element_type3A = arith.extui %lt3A_62 : i1 to i32
    %cond3A = arith.constant 0 : i32
    %cond3A_63 = arith.cmpi ne, %convert_element_type3A, %cond3A : i32
    scf.if %cond3A_63 {
      %add3A_69 = arith.constant 2496 : i32
      %add3A_70 = arith.addi %add3A_69, %add3A : i32
      %run_scoped3A_71 = arith.constant 0 : i32
      "tpu.region"() ({
        %run_scoped3A_90 = tpu.sem_alloc : memref<!tpu.dma_semaphore, #tpu.memory_space<semaphore_mem>>
        %dma_start3A_91 = arith.constant 0 : i32
        %dma_start3A_92 = tpu.memref_slice %arg3[%run_scoped3A_71, %add3A_70, %dma_start3A_91] : memref<2x2500x128xi32, #tpu.memory_space<hbm>> -> memref<1x1x128xi32, #tpu.memory_space<hbm>>
        %dma_start3A_93 = tpu.memref_squeeze %dma_start3A_92 : memref<1x1x128xi32, #tpu.memory_space<hbm>> -> memref<1x128xi32, #tpu.memory_space<hbm>>
        %dma_start3A_94 = arith.constant 0 : i32
        %dma_start3A_95 = tpu.memref_slice %arg3[%run_scoped3A_71, %add3A_70, %dma_start3A_94] : memref<2x2500x128xi32, #tpu.memory_space<hbm>> -> memref<1x1x128xi32, #tpu.memory_space<hbm>>
        %dma_start3A_96 = tpu.memref_squeeze %dma_start3A_95 : memref<1x1x128xi32, #tpu.memory_space<hbm>> -> memref<1x128xi32, #tpu.memory_space<hbm>>
        tpu.enqueue_dma source(%dma_start3A_96 : memref<1x128xi32, #tpu.memory_space<hbm>>) target(%arg7 : memref<1x128xi32, #tpu.memory_space<vmem>>) target_semaphore(%run_scoped3A_90 : memref<!tpu.dma_semaphore, #tpu.memory_space<semaphore_mem>>)
        %dma_wait3A_97 = arith.constant 0 : i32
        %dma_wait3A_98 = tpu.memref_slice %arg3[%run_scoped3A_71, %add3A_70, %dma_wait3A_97] : memref<2x2500x128xi32, #tpu.memory_space<hbm>> -> memref<1x1x128xi32, #tpu.memory_space<hbm>>
        %dma_wait3A_99 = tpu.memref_squeeze %dma_wait3A_98 : memref<1x1x128xi32, #tpu.memory_space<hbm>> -> memref<1x128xi32, #tpu.memory_space<hbm>>
        %dma_wait3A_100 = arith.constant 0 : i32
        %dma_wait3A_101 = tpu.memref_slice %arg3[%run_scoped3A_71, %add3A_70, %dma_wait3A_100] : memref<2x2500x128xi32, #tpu.memory_space<hbm>> -> memref<1x1x128xi32, #tpu.memory_space<hbm>>
        %dma_wait3A_102 = tpu.memref_squeeze %dma_wait3A_101 : memref<1x1x128xi32, #tpu.memory_space<hbm>> -> memref<1x128xi32, #tpu.memory_space<hbm>>
        tpu.wait_dma2 semaphore(%run_scoped3A_90 : memref<!tpu.dma_semaphore, #tpu.memory_space<semaphore_mem>>) src(%dma_wait3A_102 : memref<1x128xi32, #tpu.memory_space<hbm>>) dst(%arg7 : memref<1x128xi32, #tpu.memory_space<vmem>>)
        tpu.yield
      }) : () -> ()
      %add3A_72 = arith.constant 2496 : i32
      %add3A_73 = arith.addi %add3A_72, %add3A : i32
      %run_scoped3A_74 = arith.constant 1 : i32
      "tpu.region"() ({
        %run_scoped3A_90 = tpu.sem_alloc : memref<!tpu.dma_semaphore, #tpu.memory_space<semaphore_mem>>
        %dma_start3A_91 = arith.constant 0 : i32
        %dma_start3A_92 = tpu.memref_slice %arg3[%run_scoped3A_74, %add3A_73, %dma_start3A_91] : memref<2x2500x128xi32, #tpu.memory_space<hbm>> -> memref<1x1x128xi32, #tpu.memory_space<hbm>>
        %dma_start3A_93 = tpu.memref_squeeze %dma_start3A_92 : memref<1x1x128xi32, #tpu.memory_space<hbm>> -> memref<1x128xi32, #tpu.memory_space<hbm>>
        %dma_start3A_94 = arith.constant 0 : i32
        %dma_start3A_95 = tpu.memref_slice %arg3[%run_scoped3A_74, %add3A_73, %dma_start3A_94] : memref<2x2500x128xi32, #tpu.memory_space<hbm>> -> memref<1x1x128xi32, #tpu.memory_space<hbm>>
        %dma_start3A_96 = tpu.memref_squeeze %dma_start3A_95 : memref<1x1x128xi32, #tpu.memory_space<hbm>> -> memref<1x128xi32, #tpu.memory_space<hbm>>
        tpu.enqueue_dma source(%dma_start3A_96 : memref<1x128xi32, #tpu.memory_space<hbm>>) target(%arg8 : memref<1x128xi32, #tpu.memory_space<vmem>>) target_semaphore(%run_scoped3A_90 : memref<!tpu.dma_semaphore, #tpu.memory_space<semaphore_mem>>)
        %dma_wait3A_97 = arith.constant 0 : i32
        %dma_wait3A_98 = tpu.memref_slice %arg3[%run_scoped3A_74, %add3A_73, %dma_wait3A_97] : memref<2x2500x128xi32, #tpu.memory_space<hbm>> -> memref<1x1x128xi32, #tpu.memory_space<hbm>>
        %dma_wait3A_99 = tpu.memref_squeeze %dma_wait3A_98 : memref<1x1x128xi32, #tpu.memory_space<hbm>> -> memref<1x128xi32, #tpu.memory_space<hbm>>
        %dma_wait3A_100 = arith.constant 0 : i32
        %dma_wait3A_101 = tpu.memref_slice %arg3[%run_scoped3A_74, %add3A_73, %dma_wait3A_100] : memref<2x2500x128xi32, #tpu.memory_space<hbm>> -> memref<1x1x128xi32, #tpu.memory_space<hbm>>
        %dma_wait3A_102 = tpu.memref_squeeze %dma_wait3A_101 : memref<1x1x128xi32, #tpu.memory_space<hbm>> -> memref<1x128xi32, #tpu.memory_space<hbm>>
        tpu.wait_dma2 semaphore(%run_scoped3A_90 : memref<!tpu.dma_semaphore, #tpu.memory_space<semaphore_mem>>) src(%dma_wait3A_102 : memref<1x128xi32, #tpu.memory_space<hbm>>) dst(%arg8 : memref<1x128xi32, #tpu.memory_space<vmem>>)
        tpu.yield
      }) : () -> ()
      %dma_start3A_75 = arith.constant 0 : i32
      %dma_start3A_76 = arith.constant 0 : i32
      %dma_start3A_77 = tpu.memref_slice %arg7[%dma_start3A_75, %dma_start3A_76] : memref<1x128xi32, #tpu.memory_space<vmem>> -> memref<1x128xi32, #tpu.memory_space<vmem>>
      %dma_start3A_78 = tpu.memref_squeeze %dma_start3A_77 : memref<1x128xi32, #tpu.memory_space<vmem>> -> memref<128xi32, #tpu.memory_space<vmem>>
      %dma_start3A_79 = arith.constant 0 : i32
      %dma_start3A_80 = arith.constant 0 : i32
      %dma_start3A_81 = tpu.memref_slice %arg19[%dma_start3A_79, %dma_start3A_80] : memref<10000x64xf32, #tpu.memory_space<vmem_shared>> -> memref<10000x64xf32, #tpu.memory_space<vmem_shared>>
      tpu.enqueue_indirect_dma source(%dma_start3A_81 : memref<10000x64xf32, #tpu.memory_space<vmem_shared>>) target(%arg9 : memref<128x64xf32, #tpu.memory_space<vmem>>) offsets(%dma_start3A_78 : memref<128xi32, #tpu.memory_space<vmem>>) semaphore(%arg12 : memref<!tpu.dma_semaphore, #tpu.memory_space<semaphore_mem>>)
      %dma_wait3A_82 = arith.constant 0 : i32
      %dma_wait3A_83 = arith.constant 0 : i32
      %dma_wait3A_84 = tpu.memref_slice %arg7[%dma_wait3A_82, %dma_wait3A_83] : memref<1x128xi32, #tpu.memory_space<vmem>> -> memref<1x128xi32, #tpu.memory_space<vmem>>
      %dma_wait3A_85 = tpu.memref_squeeze %dma_wait3A_84 : memref<1x128xi32, #tpu.memory_space<vmem>> -> memref<128xi32, #tpu.memory_space<vmem>>
      %dma_wait3A_86 = arith.constant 0 : i32
      %dma_wait3A_87 = arith.constant 0 : i32
      %dma_wait3A_88 = tpu.memref_slice %arg19[%dma_wait3A_86, %dma_wait3A_87] : memref<10000x64xf32, #tpu.memory_space<vmem_shared>> -> memref<10000x64xf32, #tpu.memory_space<vmem_shared>>
      tpu.wait_indirect_dma semaphore(%arg12 : memref<!tpu.dma_semaphore, #tpu.memory_space<semaphore_mem>>) src(%dma_wait3A_88 : memref<10000x64xf32, #tpu.memory_space<vmem_shared>>) dst(%arg9 : memref<128x64xf32, #tpu.memory_space<vmem>>)
      %run_scoped3A_89 = arith.constant 0 : i32
      "tpu.region"() ({
        %run_scoped3A_90 = tpu.sem_alloc : memref<!tpu.dma_semaphore, #tpu.memory_space<semaphore_mem>>
        %dma_start3A_91 = arith.constant 0 : i32
        %dma_start3A_92 = tpu.memref_slice %arg8[%run_scoped3A_89, %dma_start3A_91] : memref<1x128xi32, #tpu.memory_space<vmem>> -> memref<1x128xi32, #tpu.memory_space<vmem>>
        %dma_start3A_93 = tpu.memref_squeeze %dma_start3A_92 : memref<1x128xi32, #tpu.memory_space<vmem>> -> memref<128xi32, #tpu.memory_space<vmem>>
        %dma_start3A_94 = arith.constant 0 : i32
        %dma_start3A_95 = arith.constant 0 : i32
        %dma_start3A_96 = tpu.memref_slice %arg18[%dma_start3A_94, %dma_start3A_95] : memref<10240x64xf32, #tpu.memory_space<vmem_shared>> -> memref<10240x64xf32, #tpu.memory_space<vmem_shared>>
        tpu.enqueue_indirect_dma source(%arg9 : memref<128x64xf32, #tpu.memory_space<vmem>>) target(%dma_start3A_96 : memref<10240x64xf32, #tpu.memory_space<vmem_shared>>) offsets(%dma_start3A_93 : memref<128xi32, #tpu.memory_space<vmem>>) semaphore(%run_scoped3A_90 : memref<!tpu.dma_semaphore, #tpu.memory_space<semaphore_mem>>) {add = true}
        %dma_wait3A_97 = arith.constant 0 : i32
        %dma_wait3A_98 = tpu.memref_slice %arg8[%run_scoped3A_89, %dma_wait3A_97] : memref<1x128xi32, #tpu.memory_space<vmem>> -> memref<1x128xi32, #tpu.memory_space<vmem>>
        %dma_wait3A_99 = tpu.memref_squeeze %dma_wait3A_98 : memref<1x128xi32, #tpu.memory_space<vmem>> -> memref<128xi32, #tpu.memory_space<vmem>>
        %dma_wait3A_100 = arith.constant 0 : i32
        %dma_wait3A_101 = arith.constant 0 : i32
        %dma_wait3A_102 = tpu.memref_slice %arg18[%dma_wait3A_100, %dma_wait3A_101] : memref<10240x64xf32, #tpu.memory_space<vmem_shared>> -> memref<10240x64xf32, #tpu.memory_space<vmem_shared>>
        tpu.wait_indirect_dma semaphore(%run_scoped3A_90 : memref<!tpu.dma_semaphore, #tpu.memory_space<semaphore_mem>>) src(%arg9 : memref<128x64xf32, #tpu.memory_space<vmem>>) dst(%dma_wait3A_102 : memref<10240x64xf32, #tpu.memory_space<vmem_shared>>)
        tpu.yield
      }) : () -> ()
    } else {
    }
    %barrier3A_64 = arith.constant 0 : index
    tpu.barrier barrier_id(%barrier3A_64)
    %mul3A_65 = arith.constant 640 : i32
    %mul3A_66 = arith.muli %arg1, %mul3A_65 : i32
    %mul3A_67 = arith.constant 640 : i32
    %mul3A_68 = arith.muli %arg1, %mul3A_67 : i32
    "tpu.region"() ({
      %run_scoped3A_69 = tpu.sem_alloc : memref<!tpu.dma_semaphore, #tpu.memory_space<semaphore_mem>>
      %dma_start3A_70 = arith.constant 0 : i32
      %dma_start3A_71 = tpu.memref_slice %arg4[%arg0, %mul3A_68, %dma_start3A_70] : memref<2x10240x64xf32, #tpu.memory_space<hbm>> -> memref<1x640x64xf32, #tpu.memory_space<hbm>>
      %dma_start3A_72 = tpu.memref_squeeze %dma_start3A_71 : memref<1x640x64xf32, #tpu.memory_space<hbm>> -> memref<640x64xf32, #tpu.memory_space<hbm>>
      %dma_start3A_73 = arith.constant 0 : i32
      %dma_start3A_74 = tpu.memref_slice %arg18[%mul3A_66, %dma_start3A_73] : memref<10240x64xf32, #tpu.memory_space<vmem_shared>> -> memref<640x64xf32, #tpu.memory_space<vmem_shared>>
      tpu.enqueue_dma source(%dma_start3A_74 : memref<640x64xf32, #tpu.memory_space<vmem_shared>>) target(%dma_start3A_72 : memref<640x64xf32, #tpu.memory_space<hbm>>) target_semaphore(%run_scoped3A_69 : memref<!tpu.dma_semaphore, #tpu.memory_space<semaphore_mem>>)
      %dma_wait3A_75 = arith.constant 0 : i32
      %dma_wait3A_76 = tpu.memref_slice %arg4[%arg0, %mul3A_68, %dma_wait3A_75] : memref<2x10240x64xf32, #tpu.memory_space<hbm>> -> memref<1x640x64xf32, #tpu.memory_space<hbm>>
      %dma_wait3A_77 = tpu.memref_squeeze %dma_wait3A_76 : memref<1x640x64xf32, #tpu.memory_space<hbm>> -> memref<640x64xf32, #tpu.memory_space<hbm>>
      %dma_wait3A_78 = arith.constant 0 : i32
      %dma_wait3A_79 = tpu.memref_slice %arg18[%mul3A_66, %dma_wait3A_78] : memref<10240x64xf32, #tpu.memory_space<vmem_shared>> -> memref<640x64xf32, #tpu.memory_space<vmem_shared>>
      tpu.wait_dma2 semaphore(%run_scoped3A_69 : memref<!tpu.dma_semaphore, #tpu.memory_space<semaphore_mem>>) src(%dma_wait3A_79 : memref<640x64xf32, #tpu.memory_space<vmem_shared>>) dst(%dma_wait3A_77 : memref<640x64xf32, #tpu.memory_space<hbm>>)
      tpu.yield
    }) : () -> ()
    return
  }
}

module attributes {stable_mosaic.version = 14 : i64} {
  func.func @_mm_body(%arg0: i32, %arg1: memref<1000x256xf32, #tpu.memory_space<vmem>>, %arg2: memref<256x128xf32, #tpu.memory_space<vmem>>, %arg3: memref<1000x128xf32, #tpu.memory_space<vmem>>) attributes {dimension_semantics = [#tpu.dimension_semantics<arbitrary>], iteration_bounds = array<i64: 5>, scalar_prefetch = 0 : i64, scratch_operands = 0 : i64, tpu.core_type = #tpu.core_type<tc>, window_params = [{transform_indices = @transform_0, window_bounds = array<i64: 1000, 256>}, {pipeline_mode = #tpu.pipeline_mode<synchronous>, transform_indices = @transform_1, window_bounds = array<i64: 256, 128>}, {transform_indices = @transform_2, window_bounds = array<i64: 1000, 128>}]} {
    %get3A = arith.constant 0 : index
    %get3A_0 = arith.constant 0 : index
    %get3A_1 = vector.load %arg1[%get3A, %get3A_0] : memref<1000x256xf32, #tpu.memory_space<vmem>>, vector<1000x256xf32>
    %get3A_2 = arith.constant 0 : index
    %get3A_3 = arith.constant 0 : index
    %get3A_4 = vector.load %arg2[%get3A_2, %get3A_3] : memref<256x128xf32, #tpu.memory_space<vmem>>, vector<256x128xf32>
    %dot_general3A = arith.constant dense<0.000000e+00> : vector<1000x128xf32>
    %dot_general3A_5 = tpu.matmul %get3A_1, %get3A_4, %dot_general3A {dimension_numbers = #tpu.dot_dimension_numbers<[1], [0], [0], [1], [0, 0, 1, 1], [], []>, transpose_lhs_hint = false} : vector<1000x256xf32>, vector<256x128xf32>, vector<1000x128xf32> -> vector<1000x128xf32>
    %swap3A = arith.constant 0 : index
    %swap3A_6 = arith.constant 0 : index
    %swap3A_7 = vector.load %arg3[%swap3A, %swap3A_6] : memref<1000x128xf32, #tpu.memory_space<vmem>>, vector<1000x128xf32>
    tpu.vector_store %arg3[%swap3A, %swap3A_6], %dot_general3A_5 {strides = array<i32>} : memref<1000x128xf32, #tpu.memory_space<vmem>>, vector<1000x128xf32>,
    return
  }
  func.func @transform_0(%arg0: i32) -> (i32, i32) {
    %c0_i32 = arith.constant 0 : i32
    %c0_i32_0 = arith.constant 0 : i32
    return %arg0, %c0_i32 : i32, i32
  }
  func.func @transform_1(%arg0: i32) -> (i32, i32) {
    %c0_i32 = arith.constant 0 : i32
    %c0_i32_0 = arith.constant 0 : i32
    %c0_i32_1 = arith.constant 0 : i32
    return %c0_i32, %c0_i32_0 : i32, i32
  }
  func.func @transform_2(%arg0: i32) -> (i32, i32) {
    %c0_i32 = arith.constant 0 : i32
    %c0_i32_0 = arith.constant 0 : i32
    return %arg0, %c0_i32 : i32, i32
  }
}

module attributes {stable_mosaic.version = 14 : i64} {
  func.func @_scale_body(%arg0: i32, %arg1: memref<1000x128xf32, #tpu.memory_space<vmem>>, %arg2: memref<1000x128xf32, #tpu.memory_space<vmem>>, %arg3: memref<1000x128xf32, #tpu.memory_space<vmem>>) attributes {dimension_semantics = [#tpu.dimension_semantics<arbitrary>], iteration_bounds = array<i64: 5>, scalar_prefetch = 0 : i64, scratch_operands = 0 : i64, tpu.core_type = #tpu.core_type<tc>, window_params = [{transform_indices = @transform_0, window_bounds = array<i64: 1000, 128>}, {transform_indices = @transform_1, window_bounds = array<i64: 1000, 128>}, {transform_indices = @transform_2, window_bounds = array<i64: 1000, 128>}]} {
    %get3A = arith.constant 0 : index
    %get3A_0 = arith.constant 0 : index
    %get3A_1 = vector.load %arg1[%get3A, %get3A_0] : memref<1000x128xf32, #tpu.memory_space<vmem>>, vector<1000x128xf32>
    %get3A_2 = arith.constant 0 : index
    %get3A_3 = arith.constant 0 : index
    %get3A_4 = vector.load %arg2[%get3A_2, %get3A_3] : memref<1000x128xf32, #tpu.memory_space<vmem>>, vector<1000x128xf32>
    %mul3A = arith.mulf %get3A_1, %get3A_4 : vector<1000x128xf32>
    %swap3A = arith.constant 0 : index
    %swap3A_5 = arith.constant 0 : index
    %swap3A_6 = vector.load %arg3[%swap3A, %swap3A_5] : memref<1000x128xf32, #tpu.memory_space<vmem>>, vector<1000x128xf32>
    tpu.vector_store %arg3[%swap3A, %swap3A_5], %mul3A {strides = array<i32>} : memref<1000x128xf32, #tpu.memory_space<vmem>>, vector<1000x128xf32>,
    return
  }
  func.func @transform_0(%arg0: i32) -> (i32, i32) {
    %c0_i32 = arith.constant 0 : i32
    %c0_i32_0 = arith.constant 0 : i32
    return %arg0, %c0_i32 : i32, i32
  }
  func.func @transform_1(%arg0: i32) -> (i32, i32) {
    %c0_i32 = arith.constant 0 : i32
    %c0_i32_0 = arith.constant 0 : i32
    return %arg0, %c0_i32 : i32, i32
  }
  func.func @transform_2(%arg0: i32) -> (i32, i32) {
    %c0_i32 = arith.constant 0 : i32
    %c0_i32_0 = arith.constant 0 : i32
    return %arg0, %c0_i32 : i32, i32
  }
}

module attributes {stable_mosaic.version = 14 : i64} {
  func.func @_tc2_body(%arg0: i32, %arg1: memref<1000x128xf32, #tpu.memory_space<vmem>>, %arg2: memref<2x1000x128xf32, #tpu.memory_space<vmem>>, %arg3: memref<1000x128xf32, #tpu.memory_space<vmem>>, %arg4: memref<1x128xf32, #tpu.memory_space<vmem>>, %arg5: memref<1000x128xf32, #tpu.memory_space<vmem>>) attributes {dimension_semantics = [#tpu.dimension_semantics<arbitrary>], iteration_bounds = array<i64: 5>, scalar_prefetch = 0 : i64, scratch_operands = 0 : i64, tpu.core_type = #tpu.core_type<tc>, window_params = [{transform_indices = @transform_0, window_bounds = array<i64: 1000, 128>}, {transform_indices = @transform_1, window_bounds = array<i64: 2, 1000, 128>}, {transform_indices = @transform_2, window_bounds = array<i64: 1000, 128>}, {pipeline_mode = #tpu.pipeline_mode<synchronous>, transform_indices = @transform_3, window_bounds = array<i64: 1, 128>}, {transform_indices = @transform_4, window_bounds = array<i64: 1000, 128>}]} {
    %get3A = arith.constant 0 : index
    %get3A_0 = arith.constant 0 : index
    %get3A_1 = vector.load %arg1[%get3A, %get3A_0] : memref<1000x128xf32, #tpu.memory_space<vmem>>, vector<1000x128xf32>
    %get3A_2 = arith.constant 0 : index
    %get3A_3 = arith.constant 0 : index
    %get3A_4 = arith.constant 0 : index
    %get3A_5 = vector.load %arg2[%get3A_2, %get3A_3, %get3A_4] : memref<2x1000x128xf32, #tpu.memory_space<vmem>>, vector<2x1000x128xf32>
    %slice3A = vector.extract_strided_slice %get3A_5 {offsets = [0, 0, 0], sizes = [1, 1000, 128], strides = [1, 1, 1]} : vector<2x1000x128xf32> to vector<1x1000x128xf32>
    %squeeze3A = vector.shape_cast %slice3A : vector<1x1000x128xf32> to vector<1000x128xf32>
    %slice3A_6 = vector.extract_strided_slice %get3A_5 {offsets = [1, 0, 0], sizes = [1, 1000, 128], strides = [1, 1, 1]} : vector<2x1000x128xf32> to vector<1x1000x128xf32>
    %squeeze3A_7 = vector.shape_cast %slice3A_6 : vector<1x1000x128xf32> to vector<1000x128xf32>
    %add3A = arith.addf %squeeze3A, %squeeze3A_7 : vector<1000x128xf32>
    %get3A_8 = arith.constant 0 : index
    %get3A_9 = arith.constant 0 : index
    %get3A_10 = vector.load %arg3[%get3A_8, %get3A_9] : memref<1000x128xf32, #tpu.memory_space<vmem>>, vector<1000x128xf32>
    %add3A_11 = arith.addf %add3A, %get3A_10 : vector<1000x128xf32>
    %mul3A = arith.mulf %get3A_1, %add3A_11 : vector<1000x128xf32>
    %get3A_12 = arith.constant 0 : index
    %get3A_13 = arith.constant 0 : index
    %get3A_14 = vector.load %arg4[%get3A_12, %get3A_13] : memref<1x128xf32, #tpu.memory_space<vmem>>, vector<1x128xf32>
    %add3A_15 = vector.broadcast %get3A_14 : vector<1x128xf32> to vector<1000x128xf32>
    %add3A_16 = arith.addf %mul3A, %add3A_15 : vector<1000x128xf32>
    %max3A = arith.constant 0.000000e+00 : f32
    %max3A_17 = vector.broadcast %max3A : f32 to vector<1000x128xf32>
    %max3A_18 = arith.maximumf %add3A_16, %max3A_17 : vector<1000x128xf32>
    %mul3A_19 = arith.mulf %get3A_1, %max3A_18 : vector<1000x128xf32>
    %swap3A = arith.constant 0 : index
    %swap3A_20 = arith.constant 0 : index
    %swap3A_21 = vector.load %arg5[%swap3A, %swap3A_20] : memref<1000x128xf32, #tpu.memory_space<vmem>>, vector<1000x128xf32>
    tpu.vector_store %arg5[%swap3A, %swap3A_20], %mul3A_19 {strides = array<i32>} : memref<1000x128xf32, #tpu.memory_space<vmem>>, vector<1000x128xf32>,
    return
  }
  func.func @transform_0(%arg0: i32) -> (i32, i32) {
    %c0_i32 = arith.constant 0 : i32
    %c0_i32_0 = arith.constant 0 : i32
    return %arg0, %c0_i32 : i32, i32
  }
  func.func @transform_1(%arg0: i32) -> (i32, i32, i32) {
    %c0_i32 = arith.constant 0 : i32
    %c0_i32_0 = arith.constant 0 : i32
    %c0_i32_1 = arith.constant 0 : i32
    return %c0_i32, %arg0, %c0_i32_0 : i32, i32, i32
  }
  func.func @transform_2(%arg0: i32) -> (i32, i32) {
    %c0_i32 = arith.constant 0 : i32
    %c0_i32_0 = arith.constant 0 : i32
    return %arg0, %c0_i32 : i32, i32
  }
  func.func @transform_3(%arg0: i32) -> (i32, i32) {
    %c0_i32 = arith.constant 0 : i32
    %c0_i32_0 = arith.constant 0 : i32
    %c0_i32_1 = arith.constant 0 : i32
    return %c0_i32, %c0_i32_0 : i32, i32
  }
  func.func @transform_4(%arg0: i32) -> (i32, i32) {
    %c0_i32 = arith.constant 0 : i32
    %c0_i32_0 = arith.constant 0 : i32
    return %arg0, %c0_i32 : i32, i32
  }
}

module attributes {stable_mosaic.version = 14 : i64} {
  func.func @_tc3_body(%arg0: i32, %arg1: memref<1000x128xf32, #tpu.memory_space<vmem>>, %arg2: memref<2x1000x128xf32, #tpu.memory_space<vmem>>, %arg3: memref<1000x128xf32, #tpu.memory_space<vmem>>, %arg4: memref<128x256xf32, #tpu.memory_space<vmem>>, %arg5: memref<1x256xf32, #tpu.memory_space<vmem>>, %arg6: memref<2000x128xf32, #tpu.memory_space<vmem>>) attributes {dimension_semantics = [#tpu.dimension_semantics<arbitrary>], iteration_bounds = array<i64: 5>, scalar_prefetch = 0 : i64, scratch_operands = 0 : i64, tpu.core_type = #tpu.core_type<tc>, window_params = [{transform_indices = @transform_0, window_bounds = array<i64: 1000, 128>}, {transform_indices = @transform_1, window_bounds = array<i64: 2, 1000, 128>}, {transform_indices = @transform_2, window_bounds = array<i64: 1000, 128>}, {pipeline_mode = #tpu.pipeline_mode<synchronous>, transform_indices = @transform_3, window_bounds = array<i64: 128, 256>}, {pipeline_mode = #tpu.pipeline_mode<synchronous>, transform_indices = @transform_4, window_bounds = array<i64: 1, 256>}, {transform_indices = @transform_5, window_bounds = array<i64: 2000, 128>}]} {
    %get3A = arith.constant 0 : index
    %get3A_0 = arith.constant 0 : index
    %get3A_1 = arith.constant 0 : index
    %get3A_2 = vector.load %arg2[%get3A, %get3A_0, %get3A_1] : memref<2x1000x128xf32, #tpu.memory_space<vmem>>, vector<2x1000x128xf32>
    %get3A_3 = arith.constant 0 : index
    %get3A_4 = arith.constant 0 : index
    %get3A_5 = vector.load %arg1[%get3A_3, %get3A_4] : memref<1000x128xf32, #tpu.memory_space<vmem>>, vector<1000x128xf32>
    %slice3A = vector.extract_strided_slice %get3A_2 {offsets = [0, 0, 0], sizes = [1, 1000, 128], strides = [1, 1, 1]} : vector<2x1000x128xf32> to vector<1x1000x128xf32>
    %squeeze3A = vector.shape_cast %slice3A : vector<1x1000x128xf32> to vector<1000x128xf32>
    %slice3A_6 = vector.extract_strided_slice %get3A_2 {offsets = [1, 0, 0], sizes = [1, 1000, 128], strides = [1, 1, 1]} : vector<2x1000x128xf32> to vector<1x1000x128xf32>
    %squeeze3A_7 = vector.shape_cast %slice3A_6 : vector<1x1000x128xf32> to vector<1000x128xf32>
    %add3A = arith.addf %squeeze3A, %squeeze3A_7 : vector<1000x128xf32>
    %get3A_8 = arith.constant 0 : index
    %get3A_9 = arith.constant 0 : index
    %get3A_10 = vector.load %arg3[%get3A_8, %get3A_9] : memref<1000x128xf32, #tpu.memory_space<vmem>>, vector<1000x128xf32>
    %add3A_11 = arith.addf %add3A, %get3A_10 : vector<1000x128xf32>
    %mul3A = arith.mulf %get3A_5, %add3A_11 : vector<1000x128xf32>
    %get3A_12 = arith.constant 0 : index
    %get3A_13 = arith.constant 0 : index
    %get3A_14 = vector.load %arg4[%get3A_12, %get3A_13] : memref<128x256xf32, #tpu.memory_space<vmem>>, vector<128x256xf32>
    %dot_general3A = arith.constant dense<0.000000e+00> : vector<1000x256xf32>
    %dot_general3A_15 = tpu.matmul %mul3A, %get3A_14, %dot_general3A {dimension_numbers = #tpu.dot_dimension_numbers<[1], [0], [0], [1], [0, 0, 1, 1], [], []>, transpose_lhs_hint = false} : vector<1000x128xf32>, vector<128x256xf32>, vector<1000x256xf32> -> vector<1000x256xf32>
    %get3A_16 = arith.constant 0 : index
    %get3A_17 = arith.constant 0 : index
    %get3A_18 = vector.load %arg5[%get3A_16, %get3A_17] : memref<1x256xf32, #tpu.memory_space<vmem>>, vector<1x256xf32>
    %add3A_19 = vector.broadcast %get3A_18 : vector<1x256xf32> to vector<1000x256xf32>
    %add3A_20 = arith.addf %dot_general3A_15, %add3A_19 : vector<1000x256xf32>
    %reshape3A = vector.shape_cast %add3A_20 : vector<1000x256xf32> to vector<2000x128xf32>
    %swap3A = arith.constant 0 : index
    %swap3A_21 = arith.constant 0 : index
    %swap3A_22 = vector.load %arg6[%swap3A, %swap3A_21] : memref<2000x128xf32, #tpu.memory_space<vmem>>, vector<2000x128xf32>
    tpu.vector_store %arg6[%swap3A, %swap3A_21], %reshape3A {strides = array<i32>} : memref<2000x128xf32, #tpu.memory_space<vmem>>, vector<2000x128xf32>,
    return
  }
  func.func @transform_0(%arg0: i32) -> (i32, i32) {
    %c0_i32 = arith.constant 0 : i32
    %c0_i32_0 = arith.constant 0 : i32
    return %arg0, %c0_i32 : i32, i32
  }
  func.func @transform_1(%arg0: i32) -> (i32, i32, i32) {
    %c0_i32 = arith.constant 0 : i32
    %c0_i32_0 = arith.constant 0 : i32
    %c0_i32_1 = arith.constant 0 : i32
    return %c0_i32, %arg0, %c0_i32_0 : i32, i32, i32
  }
  func.func @transform_2(%arg0: i32) -> (i32, i32) {
    %c0_i32 = arith.constant 0 : i32
    %c0_i32_0 = arith.constant 0 : i32
    return %arg0, %c0_i32 : i32, i32
  }
  func.func @transform_3(%arg0: i32) -> (i32, i32) {
    %c0_i32 = arith.constant 0 : i32
    %c0_i32_0 = arith.constant 0 : i32
    %c0_i32_1 = arith.constant 0 : i32
    return %c0_i32, %c0_i32_0 : i32, i32
  }
  func.func @transform_4(%arg0: i32) -> (i32, i32) {
    %c0_i32 = arith.constant 0 : i32
    %c0_i32_0 = arith.constant 0 : i32
    %c0_i32_1 = arith.constant 0 : i32
    return %c0_i32, %c0_i32_0 : i32, i32
  }
  func.func @transform_5(%arg0: i32) -> (i32, i32) {
    %c0_i32 = arith.constant 0 : i32
    %c0_i32_0 = arith.constant 0 : i32
    return %arg0, %c0_i32 : i32, i32
  }
}

</mosaic_0001>

<sc_bundles>
// kernel: kernel.12.cloned.1.call-start
scs
__scs_entry_jumppad:
0x0: {  	(pc) =	sbr.rel $0x88, $3  }
0x1: {  	(tag) =	ssettag $0x0;
	lr =	simm.s32 $0x1  }
0x2: {  	[smem:$0x3F9B] =	sst lr;
	_ =	strace $0xD0000000  }
0x3: {  	_ = 	snop  }
0x4: {  	_ = 	snop  }
0x5: {  	_ = 	snop  }
0x6: {  	_ = 	snop  }
0x7: {  	_ = 	snop  }
__scs_overlays_trampoline_lowered:
0x8: {  	[smem:$0x3FAA] =	sst s0  }
0x9: {  	[smem:$0x3FAB] =	sst s1  }
0xa: {  	[smem:$0x3FAC] =	sst s2  }
0xb: {  	[smem:$0x3FAD] =	sst s3  }
0xc: {  	[smem:$0x3FAE] =	sst s4  }
0xd: {  	[smem:$0x3FAF] =	sst s5  }
0xe: {  	[smem:$0x3FB0] =	sst s6  }
0xf: {  	[smem:$0x3FB1] =	sst s7  }
0x10: {  	[smem:$0x3FB2] =	sst s8  }
0x11: {  	[smem:$0x3FB3] =	sst s9;
	s0 =	simm.s32 @!p0 $0x0  }
0x12: {  	s1 =	sld [smem:$0x3F99];
	s0 =	simm.s32 @p0 $0x1  }
0x13: {  	[smem:$0x3FB4] =	sst s0;
	s0 =	simm.s32 @!p1 $0x0  }
0x14: {  	s2 =	sld [smem:$0x3F98];
	s0 =	simm.s32 @p1 $0x1  }
0x15: {  	[smem:$0x3FB5] =	sst s0;
	s0 =	simm.s32 @!p2 $0x0  }
0x16: {  	s3 =	sld [smem:$0x3FDB];
	s0 =	simm.s32 @p2 $0x1  }
0x17: {  	s4 =	simm.s32 $0x1BF5;
	[smem:$0x3FB7] =	sst s0  }
0x18: {  	s0 =	sld [smem:$0x3F9A];
	_ =	swait.ge [sflag:s4], $0x0  }
0x19: {  	s7 =	sld [smem:$0x3F9B]  }
0x1a: {  	s8 =	sadd.s32 $0xFFFFE003, lr  }
0x1b: {  	s9 =	sadd.s32 $0xFFFFFEF7, lr;
	s5 =	simm.s32 $0xFFFFFFFF;
	p2 =	slt.u32 s8, $0xFFFFF086  }
0x1c: {  	p1 =	slt.u32 s9, $0xF7A;
	s5 =	simm.s32 @!p2 $0x0  }
0x1d: {  	s5 =	simm.s32 @p1 $0x1;
	p0 =	seq.s32 s7, s2  }
0x1e: {  	s7 =	smul.u32 @!p0 $0xF7A, s2;
	p2 =	seq.s32 @!p0 s5, $0x0  }
0x1f: {  	s9 =	smul.u32 $0xF7A, s1;
	s8 =	simm.s32 @!p0 $0x1BF5;
	p2 =	por !p2, p0  }
0x20: {  	[sflag:s8] =	ssyncset.s32 @!p0 $0xFFFFF086;
	s6 =	sadd.s32 @!p0 s3, s7;
	s7 =	simm.s32 @!p0 $0x108  }
0x21: {  	s3 =	sadd.s32 s3, s9;
	s6 =	sadd.s32 @!p0 $0x88, s6;
	s7 =	simm.s32 @p2 $0x1082  }
0x22: {  	[simem:s7], [sflag:s8] =	dma.local @!p0 [hbm:s6], $0xF7A  }
0x23: {  	s9 =	sor.u32 $0xD0000000, s2;
	s6 =	simm.s32 $0x108;
	_ =	swait.ge @!p0 [sflag:s8], $0x0  }
0x24: {  	s3 =	sadd.s32 $0x88, s3;
	s6 =	simm.s32 @!p1 $0x1082;
	[sflag:s4] =	ssyncset.s32 $0xFFFFF086  }
0x25: {  	[simem:s6], [sflag:s4] =	dma.local [hbm:s3], $0xF7A  }
0x26: {  	[smem:$0x3F9B] =	sst s1;
	(tag) =	ssettag s2;
	_ =	strace s9  }
0x27: {  	s1 =	sld [smem:$0x3FAB]  }
0x28: {  	s2 =	sld [smem:$0x3FAC]  }
0x29: {  	s4 =	sld [smem:$0x3FAE]  }
0x2a: {  	p0 =	seq.s32 s5, $0x0;
	s5 =	sld [smem:$0x3FAF]  }
0x2b: {  	s6 =	sld [smem:$0x3FB0]  }
0x2c: {  	s7 =	sld [smem:$0x3FB1]  }
0x2d: {  	s3 =	simm.s32 $0x108;
	s8 =	sld [smem:$0x3FB2]  }
0x2e: {  	s3 =	simm.s32 @!p0 $0x1082;
	s9 =	sld [smem:$0x3FB3]  }
0x2f: {  	lr =	sadd.s32 s0, s3;
	s0 =	sld [smem:$0x3FAA]  }
0x30: {  	s3 =	sld [smem:$0x3FAD]  }
0x31: {  	[smem:$0x3FB6] =	sst s10  }
0x32: {  	s10 =	sld [smem:$0x3FB4];
	_ =	sdelay $0x3  }
0x33: {  	p0 =	seq.s32 s10, $0x1;
	s10 =	sld [smem:$0x3FB6];
	_ =	sdelay $0x3  }
0x34: {  	[smem:$0x3FB6] =	sst s10  }
0x35: {  	s10 =	sld [smem:$0x3FB5];
	_ =	sdelay $0x3  }
0x36: {  	p1 =	seq.s32 s10, $0x1;
	s10 =	sld [smem:$0x3FB6];
	_ =	sdelay $0x3  }
0x37: {  	[smem:$0x3FB6] =	sst s10  }
0x38: {  	s10 =	sld [smem:$0x3FB7]  }
0x39: {  	_ = 	snop;
	(pc) =	sbr.ind lr, $3  }
0x3a: {  	_ = 	snop  }
0x3b: {  	_ = 	snop  }
0x3c: {  	p2 =	seq.s32 s10, $0x1;
	s10 =	sld [smem:$0x3FB6]  }
0x3d: {  	_ =	shalt  }
0x3e: {  	_ =	shalt  }
0x3f: {  	_ =	shalt  }
0x40: {  	_ =	shalt  }
0x41: {  	_ =	shalt  }
0x42: {  	_ =	shalt  }
0x43: {  	_ =	shalt  }
0x44: {  	_ =	shalt  }
0x45: {  	_ =	shalt  }
0x46: {  	_ =	shalt  }
0x47: {  	_ =	shalt  }
0x48: {  	_ =	shalt  }
0x49: {  	_ =	shalt  }
0x4a: {  	_ =	shalt  }
0x4b: {  	_ =	shalt  }
0x4c: {  	_ =	shalt  }
0x4d: {  	_ =	shalt  }
0x4e: {  	_ =	shalt  }
0x4f: {  	_ =	shalt  }
0x50: {  	_ =	shalt  }
0x51: {  	_ =	shalt  }
0x52: {  	_ =	shalt  }
0x53: {  	_ =	shalt  }
0x54: {  	_ =	shalt  }
0x55: {  	_ =	shalt  }
0x56: {  	_ =	shalt  }
0x57: {  	_ =	shalt  }
0x58: {  	_ =	shalt  }
0x59: {  	_ =	shalt  }
0x5a: {  	_ =	shalt  }
0x5b: {  	_ =	shalt  }
0x5c: {  	_ =	shalt  }
0x5d: {  	_ =	shalt  }
0x5e: {  	_ =	shalt  }
0x5f: {  	_ =	shalt  }
0x60: {  	_ =	shalt  }
0x61: {  	_ =	shalt  }
0x62: {  	_ =	shalt  }
0x63: {  	_ =	shalt  }
0x64: {  	_ =	shalt  }
0x65: {  	_ =	shalt  }
0x66: {  	_ =	shalt  }
0x67: {  	_ =	shalt  }
0x68: {  	_ =	shalt  }
0x69: {  	_ =	shalt  }
0x6a: {  	_ =	shalt  }
0x6b: {  	_ =	shalt  }
0x6c: {  	_ =	shalt  }
0x6d: {  	_ =	shalt  }
0x6e: {  	_ =	shalt  }
0x6f: {  	_ =	shalt  }
0x70: {  	_ =	shalt  }
0x71: {  	_ =	shalt  }
0x72: {  	_ =	shalt  }
0x73: {  	_ =	shalt  }
0x74: {  	_ =	shalt  }
0x75: {  	_ =	shalt  }
0x76: {  	_ =	shalt  }
0x77: {  	_ =	shalt  }
0x78: {  	_ =	shalt  }
0x79: {  	_ =	shalt  }
0x7a: {  	_ =	shalt  }
0x7b: {  	_ =	shalt  }
0x7c: {  	_ =	shalt  }
0x7d: {  	_ =	shalt  }
0x7e: {  	_ =	shalt  }
0x7f: {  	_ =	shalt  }
0x80: {  	_ =	shalt  }
0x81: {  	_ =	shalt  }
0x82: {  	_ =	shalt  }
0x83: {  	_ =	shalt  }
0x84: {  	_ =	shalt  }
0x85: {  	_ =	shalt  }
0x86: {  	_ =	shalt  }
0x87: {  	_ =	shalt  }
.Lfunc_end0:
.L_simem_size_0:
called_computation.1_lowered:
.L_overlay_start_0:
0x88: {  	s2 =	sld [smem:$0x3FD9]  }
0x89: {  	s3 =	sld [smem:$0x3FFE];
	_ =	sdelay $0x1  }
0x8a: {  	s1 =	srdreg.scid  }
0x8b: {  	s0 =	sand.u32 $0x1, s1  }
0x8c: {  	s17 =	sshll.u32 s0, $0xA;
	s2 =	sadd.s32 s3, s2  }
0x8d: {  	s2 =	sadd.s32 s2, s17  }
0x8e: {  	[smem:$0x3FC2] =	sst s2  }
0x8f: {  	_ = 	snop  }
0x90: {  	s2 =	sld [smem:$0x3FD0];
	(tm) =	ssettm $0x1  }
0x91: {  	s18 =	sld [smem:$0x3FFB];
	_ =	sdelay $0x3  }
0x92: {  	_ =	strace s18  }
0x93: {  	s3 =	sld [smem:$0x3FFC];
	_ =	sdelay $0x3  }
0x94: {  	_ =	strace s3  }
0x95: {  	s3 =	sld [smem:$0x3FFD];
	_ =	sdelay $0x3  }
0x96: {  	_ =	strace s3  }
0x97: {  	_ =	strace $0x8FFFFFFF  }
0x98: {  	s19 =	sld [smem:$0x3FDB];
	_ =	sdelay $0x1  }
0x99: {  	s4 =	simm.s32 $_scs_section_size  }
0x9a: {  	s5 =	simm.s32 $_size__tile_overlayer_lowered;
	s6 =	simm.s32 $_tile_overlayer_lowered  }
0x9b: {  	s22 =	simm.s32 $0x1BFF;
	s21 =	sshll.u32 s6, $0x1;
	s3 =	sadd.s32 s4, s19  }
0x9c: {  	s7 =	simm.s32 $0x0;
	s20 =	sshll.u32 s5, $0x1;
	s5 =	sadd.s32 s21, s3  }
0x9d: {  	[timem:s7], [sflag:s22] =	dma.local [hbm:s5], s20  }
0x9e: {  	_ =	swait.ge [sflag:s22], s20  }
0x9f: {  	s4 =	ssub.s32 $0x0, s20;
	[sflag:s22] =	ssyncset.done $0x0  }
0xa0: {  	[sflag:s22] =	ssyncadd.s32 s4;
	_ =	sdelay $0x1  }
0xa1: {  	s23 =	simm.s32 $0x1B8B  }
0xa2: {  	_ =	swait.ge [sflag:s23], $0x1  }
0xa3: {  	[sflag:s23] =	ssyncset.done $0x0  }
0xa4: {  	s25 =	simm.s32 $0x1B8E;
	s24 =	sld [smem:$0x3FFE];
	[sflag:s23] =	ssyncadd.s32 $0xFFFFFFFF  }
0xa5: {  	s26 =	simm.s32 $execute0_lowered;
	[smem:$0x3FD2] =	sst s25  }
0xa6: {  	s5 =	sshll.u32 s26, $0x1;
	_ =	strace $0x80000049;
	[dreg:$0x1] =	wrdreg $0xFFFFFFFF  }
0xa7: {  	s28 =	simm.s32 $_size_execute0_lowered;
	s3 =	sadd.s32 s3, s5;
	[dreg:$0x0] =	wrdreg $0x0  }
0xa8: {  	s5 =	sshll.u32 s28, $0x1;
	[dreg:$0x2] =	wrdreg s3  }
0xa9: {  	[dreg:$0x3] =	wrdreg s5  }
0xaa: {  	[dreg:$0x4] =	wrdreg $0xC0  }
0xab: {  	_ =	task [dreg:s7], $0x5FFFF  }
0xac: {  	[dreg:$0x1] =	wrdreg $0xFFFFFFFF  }
0xad: {  	[dreg:$0x0] =	wrdreg $0x60  }
0xae: {  	[dreg:$0x2] =	wrdreg s2  }
0xaf: {  	[dreg:$0x3] =	wrdreg s24  }
0xb0: {  	[dreg:$0x4] =	wrdreg $0xAF000  }
0xb1: {  	[dreg:$0x5] =	wrdreg $0x14F000  }
0xb2: {  	[dreg:$0x6] =	wrdreg $0x9  }
0xb3: {  	_ =	task.clear_ibuf [dreg:s7], $0x7FFFF;
	_ =	strace $0x90000049  }
0xb4: {  	s29 =	simm.s32 $0x9;
	_ =	strace $0x8000004B  }
0xb5: {  	_ =	swait.ge [sflag:s29], $0x1  }
0xb6: {  	[sflag:s29] =	ssyncadd.s32 $0xFFFFFFFF  }
0xb7: {  	_ =	strace $0x9000004B  }
0xb8: {  	_ =	sfence  }
0xb9: {  	s30 =	sld [smem:$0x0];
	_ =	sdelay $0x2  }
0xba: {  	s31 =	sshll.u32 s1, $0xD;
	s1 =	sshrl.u32 s1, $0x2  }
0xbb: {  	s3 =	sand.u32 $0x4000, s31;
	s1 =	sadd.s32 s1, s30  }
0xbc: {  	s0 =	sor.u32 s3, s0;
	s1 =	sshll.u32 s1, $0x11  }
0xbd: {  	s0 =	sor.u32 s1, s0  }
0xbe: {  	s0 =	sadd.s32 $0x8F2B, s0  }
0xbf: {  	[sflag:s0] =	ssyncadd.remote.s32 $0x1  }
0xc0: {  	_ =	sfence.sel $0xFFFF  }
0xc1: {  	[dreg:$0x0] =	wrdreg $0xFFFFFFFF;
	(pc) =	sbr.abs _section_cstart, $3  }
0xc2: {  	[dreg:$0x1] =	wrdreg $0xFFFFFFFF  }
0xc3: {  	_ =	task.clear_ibuf [dreg:s7], $0x2FFFF;
	_ =	strace $0x9FFFFFFF  }
0xc4: {  	(tm) =	ssettm $0x7FFFFFFF  }
0xc5: {  	_ =	shalt  }
tec
execute0_lowered:
.L_overlay_start_1:
0x0: {  	(tag) =	ssettag $0x1  }
0x1: {  	s0 =	rddreg [dreg:$0x0]  }
0x2: {  	s1 =	rddreg [dreg:$0x1]  }
0x3: {  	s2 =	rddreg [dreg:$0x2];
	s4 =	srdreg.scid  }
0x4: {  	s24 =	stileid.u32;
	s3 =	rddreg [dreg:$0x3];
	s29 =	simm.s32 $0x4  }
0x5: {  	s31 =	simm.s32 $0x3;
	s28 =	simm.s32 $0x6;
	s6 =	smul.u32 $0xA000, s24  }
0x6: {  	s5 =	sand.u32 $0x1, s4;
	s4 =	simm.s32 $0x0;
	s9 =	smul.u32 $0x28000, s24  }
0x7: {  	s12 =	sadd.s32 $0x2A00, s1;
	s8 =	sshll.u32 s24, $0x1;
	s14 =	smul.u32 $0x9C40, s24  }
0x8: {  	p0 =	sgt.u32 s24, $0x1;
	s7 =	smul.u32 $0xA0000, s5;
	[smem:$0x7FF] =	sst s4  }
0x9: {  	s17 =	ssub.s32 $0x2, s5;
	s13 =	sor.u32 s5, s8;
	_ =	strace $0x8000004A  }
0xa: {  	s18 =	sshrl.u32 s17, $0x1;
	s19 =	sshrl.u32 s9, $0x2;
	s20 =	smul.u32 $0x2700, s13  }
0xb: {  	s5 =	sadd.s32 s6, s2;
	s26 =	sshll.u32 s13, $0x4;
	s30 =	sshrl.u32 s14, $0x3  }
0xc: {  	s7 =	sadd.s32 s6, s7;
	s16 =	ssub.s32 s17, s18;
	s21 =	sadd.s32 s19, s2  }
0xd: {  	s6 =	sadd.s32 s26, s12;
	s17 =	simm.s32 $0x4F00;
	s18 =	simm.s32 $0x7  }
0xe: {  	s19 =	simm.s32 $0x2700;
	s26 =	simm.s32 $0x2;
	s7 =	sshrl.u32 s7, $0x3  }
0xf: {  	s22 =	sadd.s32 $0x2000, s21;
	s23 =	sadd.s32 $0x4000, s21;
	s9 =	sshrl.u32 s20, $0x3  }
0x10: {  	s25 =	sadd.s32 $0x6000, s21;
	s10 =	sadd.s32 $0x8000, s21;
	s20 =	sadd.s32 s14, s3  }
0x11: {  	s13 =	sadd.s32 $0x9C00, s6;
	s14 =	sadd.s32 $0x13840, s6;
	[dreg:$0x5] =	wrdreg s22  }
.Ltmp0:
0x12: {  	s16 =	smax.u32 s16, $0x1;
	[dreg:$0x6] =	wrdreg s23;
	(pc) =	sbr.rel .LBB2_1-.Ltmp0, $4  }
0x13: {  	s21 =	simm.s32 $0x80;
	s1 =	sadd.s32 s7, s1;
	[dreg:$0x7] =	wrdreg s25  }
0x14: {  	s9 =	sadd.s32 s12, s9;
	s12 =	sadd.s32 s0, s30;
	s20 =	sshrl.u32 s20, $0x3  }
0x15: {  	s22 =	simm.s32 $0x6F00;
	s23 =	simm.s32 $0x1;
	s25 =	simm.s32 $0x8F00  }
0x16: {  	v0 =	vimm.f32 $0.0e+00;
	s0 =	simm.s32 $0x5;
	s11 =	sadd.s32 $0x9C40, s9;
	s15 =	sadd.s32 $0x16400, s1  }
.LBB2_6:
0x17: {  	_ =	swait.ge [sflag:s31], $0x2000  }
0x18: {  	[sflag:s31] =	ssyncset.done $0x0  }
0x19: {  	[sflag:s31] =	ssyncadd.s32 $0xFFFFE000  }
0x1a: {  	[spmem:s2] =	stream.indirect.scatter.add.f32 [tilespmem:s25], [sflag:$0x6], $0x40, s6, s21, $0xb8;
	[tilespmem:$0x1EB40] =	vst v63  }
0x1b: {  	_ =	swait.ge [sflag:s0], $0x2000  }
0x1c: {  	[sflag:s0] =	ssyncset.done $0x0  }
0x1d: {  	[sflag:s0] =	ssyncadd.s32 $0xFFFFE000  }
0x1e: {  	_ =	swait.ge [sflag:s28], $0x2000  }
0x1f: {  	s1 =	simm.s32 @!p0 $0x0;
	[sflag:s28] =	ssyncset.done $0x0  }
0x20: {  	s7 =	simm.s32 @!p0 $0x7;
	s6 =	simm.s32 @!p0 $0x4E00;
	[sflag:s28] =	ssyncadd.s32 $0xFFFFE000  }
0x21: {  	[tilespmem:s6], [sflag:$0x7] =	stream.linear.gather @!p0 [hbm4b:s13+s1], $0x80, $0x38;
	[tilespmem:$0x1EB40] =	vst v63  }
0x22: {  	_ =	swait.ge @!p0 [sflag:s7], $0x80  }
0x23: {  	[sflag:s7] =	ssyncset.done @!p0 $0x0  }
0x24: {  	s24 =	simm.s32 @!p0 $0x4E80;
	[sflag:s7] =	ssyncadd.s32 @!p0 $0xFFFFFF80  }
0x25: {  	[tilespmem:s24], [sflag:$0x7] =	stream.linear.gather @!p0 [hbm4b:s14+s1], $0x80, $0x38;
	[tilespmem:$0x1EB40] =	vst v63  }
0x26: {  	_ =	swait.ge @!p0 [sflag:s7], $0x80  }
0x27: {  	[sflag:s7] =	ssyncset.done @!p0 $0x0  }
0x28: {  	s8 =	simm.s32 @!p0 $0x4F00;
	s1 =	simm.s32 @!p0 $0x80;
	[sflag:s7] =	ssyncadd.s32 @!p0 $0xFFFFFF80  }
0x29: {  	[tilespmem:s8], [sflag:$0x1] =	stream.indirect.gather @!p0 [spmem:s3], $0x40, s6, s1, $0xb8;
	[tilespmem:$0x1EB40] =	vst v63  }
0x2a: {  	s6 =	simm.s32 @!p0 $0x1  }
0x2b: {  	_ =	swait.ge @!p0 [sflag:s6], $0x2000  }
0x2c: {  	[sflag:s6] =	ssyncset.done @!p0 $0x0  }
0x2d: {  	[sflag:s6] =	ssyncadd.s32 @!p0 $0xFFFFE000  }
0x2e: {  	[spmem:s2] =	stream.indirect.scatter.add.f32 @!p0 [tilespmem:s8], [sflag:$0x7], $0x40, s24, s1, $0xb8;
	[tilespmem:$0x1EB40] =	vst v63  }
0x2f: {  	_ =	swait.ge @!p0 [sflag:s7], $0x2000  }
0x30: {  	s4 =	sadd.s32 $0x1, s4;
	[sflag:s7] =	ssyncset.done @!p0 $0x0  }
0x31: {  	p1 =	sne.s32 s4, s16;
	[sflag:s7] =	ssyncadd.s32 @!p0 $0xFFFFE000  }
.Ltmp1:
0x32: {  	s24 =	sshrl.u32 s5, $0x3;
	[bflag:$0x0] =	sbarrier.arrive $0xFFFF;
	(pc) =	sbr.rel @!p1 .LBB2_7-.Ltmp1, $4  }
0x33: {  	[hbm:s15], [sflag:s30] =	dma.local [spmem:s24], $0x1400  }
0x34: {  	_ =	swait.ge [sflag:s18], $0x1400  }
0x35: {  	[sflag:s18] =	ssyncset.done $0x0  }
0x36: {  	[sflag:s18] =	ssyncadd.s32 $0xFFFFEC00  }
.LBB2_1:
0x37: {  	s24 =	simm.s32 $0x100;
	s1 =	simm.s32 $0x0  }
.LBB2_2:
0x38: {  	p1 =	sne.s32 s24, $0x7F00;
	[tilespmem:s1+$0x4F30] =	vst v0;
	s6 =	smov.u32 s24;
	s24 =	sadd.s32 $0x100, s24  }
.Ltmp2:
0x39: {  	[tilespmem:s1+$0x4F20] =	vst v0;
	(pc) =	sbr.rel @p1 .LBB2_2-.Ltmp2, $3  }
0x3a: {  	[tilespmem:s1+$0x4F00] =	vst v0  }
0x3b: {  	[tilespmem:s1+$0x4F10] =	vst v0;
	_ =	sdelay $0x1  }
0x3c: {  	s1 =	sshra.s32 s6, $0x2  }
0x3d: {  	[tilespmem:s1+$0x4F30] =	vst v0  }
0x3e: {  	[tilespmem:s1+$0x4F20] =	vst v0  }
0x3f: {  	[tilespmem:s1+$0x4F00] =	vst v0  }
0x40: {  	[tilespmem:s1+$0x4F10] =	vst v0  }
0x41: {  	[spmem:s5] =	stream.linear.scatter [tilespmem:s17], [sflag:$0x7], $0x2000, $0x38;
	[tilespmem:$0x1EB40] =	vst v63  }
0x42: {  	_ =	swait.ge [sflag:s18], $0x2000  }
0x43: {  	[sflag:s18] =	ssyncset.done $0x0  }
0x44: {  	s24 =	rddreg [dreg:$0x5];
	[sflag:s18] =	ssyncadd.s32 $0xFFFFE000  }
0x45: {  	[spmem:s24] =	stream.linear.scatter [tilespmem:s17], [sflag:$0x7], $0x2000, $0x38;
	[tilespmem:$0x1EB40] =	vst v63  }
0x46: {  	_ =	swait.ge [sflag:s18], $0x2000  }
0x47: {  	[sflag:s18] =	ssyncset.done $0x0  }
0x48: {  	s6 =	rddreg [dreg:$0x6];
	[sflag:s18] =	ssyncadd.s32 $0xFFFFE000  }
0x49: {  	[spmem:s6] =	stream.linear.scatter [tilespmem:s17], [sflag:$0x7], $0x2000, $0x38;
	[tilespmem:$0x1EB40] =	vst v63  }
0x4a: {  	_ =	swait.ge [sflag:s18], $0x2000  }
0x4b: {  	[sflag:s18] =	ssyncset.done $0x0  }
0x4c: {  	s7 =	rddreg [dreg:$0x7];
	[sflag:s18] =	ssyncadd.s32 $0xFFFFE000  }
0x4d: {  	[spmem:s7] =	stream.linear.scatter [tilespmem:s17], [sflag:$0x7], $0x2000, $0x38;
	[tilespmem:$0x1EB40] =	vst v63  }
0x4e: {  	_ =	swait.ge [sflag:s18], $0x2000  }
0x4f: {  	[sflag:s18] =	ssyncset.done $0x0  }
0x50: {  	[sflag:s18] =	ssyncadd.s32 $0xFFFFE000  }
0x51: {  	[spmem:s10] =	stream.linear.scatter [tilespmem:s17], [sflag:$0x7], $0x2000, $0x38;
	[tilespmem:$0x1EB40] =	vst v63  }
0x52: {  	_ =	swait.ge [sflag:s18], $0x2000  }
0x53: {  	[sflag:s18] =	ssyncset.done $0x0  }
0x54: {  	s1 =	simm.s32 $0x0;
	[sflag:s18] =	ssyncadd.s32 $0xFFFFE000  }
0x55: {  	[tilespmem:s1], [sflag:$0x7] =	stream.linear.gather [hbm4b:s9+s1], $0x2700, $0x38;
	[tilespmem:$0x1EB40] =	vst v63  }
0x56: {  	_ =	swait.ge [sflag:s18], $0x2700  }
0x57: {  	[sflag:s18] =	ssyncset.done $0x0  }
0x58: {  	[sflag:s18] =	ssyncadd.s32 $0xFFFFD900  }
0x59: {  	[tilespmem:s19], [sflag:$0x7] =	stream.linear.gather [hbm4b:s11+s1], $0x2700, $0x38;
	[tilespmem:$0x1EB40] =	vst v63  }
0x5a: {  	s6 =	stileid.u32;
	_ =	swait.ge [sflag:s18], $0x2700  }
0x5b: {  	s6 =	sshll.u32 s6, $0x6;
	[sflag:s18] =	ssyncset.done $0x0  }
0x5c: {  	s30 =	sor.u32 $0x1C07, s6;
	[sflag:s18] =	ssyncadd.s32 $0xFFFFD900  }
0x5d: {  	[spmem:s20], [sflag:s30] =	dma.local [hbm:s12], $0x1388  }
0x5e: {  	_ =	swait.ge [sflag:s18], $0x1388  }
0x5f: {  	[sflag:s18] =	ssyncset.done $0x0  }
0x60: {  	[sflag:s18] =	ssyncadd.s32 $0xFFFFEC78  }
0x61: {  	[bflag:$0x0] =	sbarrier.arrive $0xFFFF  }
0x62: {  	[tilespmem:s17], [sflag:$0x1] =	stream.indirect.gather [spmem:s3], $0x40, s1, s21, $0xb8;
	[tilespmem:$0x1EB40] =	vst v63  }
0x63: {  	_ = 	snop  }
0x64: {  	[tilespmem:s22], [sflag:$0x2] =	stream.indirect.gather [spmem:s3], $0x40, s21, s21, $0xb8;
	[tilespmem:$0x1EB40] =	vst v63  }
0x65: {  	_ =	swait.ge [sflag:s23], $0x2000  }
0x66: {  	[sflag:s23] =	ssyncset.done $0x0  }
0x67: {  	[sflag:s23] =	ssyncadd.s32 $0xFFFFE000  }
0x68: {  	[spmem:s2] =	stream.indirect.scatter.add.f32 [tilespmem:s17], [sflag:$0x4], $0x40, s19, s21, $0xb8;
	[tilespmem:$0x1EB40] =	vst v63  }
0x69: {  	s8 =	simm.s32 $0x100  }
0x6a: {  	[tilespmem:s25], [sflag:$0x3] =	stream.indirect.gather [spmem:s3], $0x40, s8, s21, $0xb8;
	[tilespmem:$0x1EB40] =	vst v63  }
0x6b: {  	_ =	swait.ge [sflag:s26], $0x2000  }
0x6c: {  	[sflag:s26] =	ssyncset.done $0x0  }
0x6d: {  	s24 =	simm.s32 $0x2780;
	[sflag:s26] =	ssyncadd.s32 $0xFFFFE000  }
0x6e: {  	[spmem:s2] =	stream.indirect.scatter.add.f32 [tilespmem:s22], [sflag:$0x5], $0x40, s24, s21, $0xb8;
	[tilespmem:$0x1EB40] =	vst v63  }
0x6f: {  	_ =	swait.ge [sflag:s29], $0x2000  }
0x70: {  	[sflag:s29] =	ssyncset.done $0x0  }
0x71: {  	s7 =	simm.s32 $0x180;
	[sflag:s29] =	ssyncadd.s32 $0xFFFFE000  }
0x72: {  	[tilespmem:s17], [sflag:$0x1] =	stream.indirect.gather [spmem:s3], $0x40, s7, s21, $0xb8;
	[tilespmem:$0x1EB40] =	vst v63  }
0x73: {  	_ =	swait.ge [sflag:s31], $0x2000  }
0x74: {  	[sflag:s31] =	ssyncset.done $0x0  }
0x75: {  	s8 =	simm.s32 $0x2800;
	[sflag:s31] =	ssyncadd.s32 $0xFFFFE000  }
0x76: {  	[spmem:s2] =	stream.indirect.scatter.add.f32 [tilespmem:s25], [sflag:$0x6], $0x40, s8, s21, $0xb8;
	[tilespmem:$0x1EB40] =	vst v63  }
0x77: {  	_ =	swait.ge [sflag:s0], $0x2000  }
0x78: {  	[sflag:s0] =	ssyncset.done $0x0  }
0x79: {  	s24 =	simm.s32 $0x200;
	[sflag:s0] =	ssyncadd.s32 $0xFFFFE000  }
0x7a: {  	[tilespmem:s22], [sflag:$0x2] =	stream.indirect.gather [spmem:s3], $0x40, s24, s21, $0xb8;
	[tilespmem:$0x1EB40] =	vst v63  }
.LBB2_4:
0x7b: {  	_ =	swait.ge [sflag:s23], $0x2000  }
0x7c: {  	s24 =	sshra.s32 s1, $0x2;
	[sflag:s23] =	ssyncset.done $0x0  }
0x7d: {  	s6 =	sadd.s32 $0x2880, s24;
	[sflag:s23] =	ssyncadd.s32 $0xFFFFE000  }
0x7e: {  	[spmem:s2] =	stream.indirect.scatter.add.f32 [tilespmem:s17], [sflag:$0x4], $0x40, s6, s21, $0xb8;
	[tilespmem:$0x1EB40] =	vst v63  }
0x7f: {  	_ =	swait.ge [sflag:s28], $0x2000  }
0x80: {  	[sflag:s28] =	ssyncset.done $0x0  }
0x81: {  	s7 =	sadd.s32 $0x280, s24;
	[sflag:s28] =	ssyncadd.s32 $0xFFFFE000  }
0x82: {  	[tilespmem:s25], [sflag:$0x3] =	stream.indirect.gather [spmem:s3], $0x40, s7, s21, $0xb8;
	[tilespmem:$0x1EB40] =	vst v63  }
0x83: {  	_ =	swait.ge [sflag:s26], $0x2000  }
0x84: {  	p1 =	seq.s32 s1, $0x9000;
	[sflag:s26] =	ssyncset.done $0x0  }
.Ltmp3:
0x85: {  	s8 =	sadd.s32 $0x2900, s24;
	[sflag:s26] =	ssyncadd.s32 $0xFFFFE000;
	(pc) =	sbr.rel @p1 .LBB2_6-.Ltmp3, $4  }
0x86: {  	[spmem:s2] =	stream.indirect.scatter.add.f32 [tilespmem:s22], [sflag:$0x5], $0x40, s8, s21, $0xb8;
	[tilespmem:$0x1EB40] =	vst v63  }
0x87: {  	_ =	swait.ge [sflag:s29], $0x2000  }
0x88: {  	[sflag:s29] =	ssyncset.done $0x0  }
0x89: {  	s6 =	sadd.s32 $0x2980, s24;
	[sflag:s29] =	ssyncadd.s32 $0xFFFFE000  }
0x8a: {  	s7 =	sadd.s32 $0x300, s24  }
0x8b: {  	[tilespmem:s17], [sflag:$0x1] =	stream.indirect.gather [spmem:s3], $0x40, s7, s21, $0xb8;
	[tilespmem:$0x1EB40] =	vst v63  }
0x8c: {  	_ =	swait.ge [sflag:s31], $0x2000  }
0x8d: {  	[sflag:s31] =	ssyncset.done $0x0  }
0x8e: {  	[sflag:s31] =	ssyncadd.s32 $0xFFFFE000  }
0x8f: {  	[spmem:s2] =	stream.indirect.scatter.add.f32 [tilespmem:s25], [sflag:$0x6], $0x40, s6, s21, $0xb8;
	[tilespmem:$0x1EB40] =	vst v63  }
.Ltmp4:
0x90: {  	_ = 	snop;
	(pc) =	sbr.rel .LBB2_4-.Ltmp4, $4  }
0x91: {  	_ =	swait.ge [sflag:s0], $0x2000  }
0x92: {  	[sflag:s0] =	ssyncset.done $0x0  }
0x93: {  	s24 =	sadd.s32 $0x380, s24;
	s1 =	sadd.s32 $0x600, s1;
	[sflag:s0] =	ssyncadd.s32 $0xFFFFE000  }
0x94: {  	[tilespmem:s22], [sflag:$0x2] =	stream.indirect.gather [spmem:s3], $0x40, s24, s21, $0xb8;
	[tilespmem:$0x1EB40] =	vst v63  }
.LBB2_7:
0x95: {  	_ =	sfence.sel $0x180000  }
0x96: {  	[bflag:$0x0] =	sbarrier.arrive $0xFFFF  }
0x97: {  	_ =	strace $0x9000004A  }
0x98: {  	s0 =	stileid.u32;
	[bflag:$0x2] =	sbarrier.arrive $0xFFFF  }
0x99: {  	p0 =	sne.s32 s0, $0x0;
	s0 =	rddreg [dreg:$0x4]  }
0x9a: {  	s0 =	sadd.s32 @!p0 $0x100000, s0  }
0x9b: {  	[sflag:s0] =	ssyncadd.tile.s32 @!p0 $0x1;
	_ =	shalt  }
.Lfunc_end2:
_tile_overlayer_lowered:
.L_overlay_start_2:
0x9c: {  	(tag) =	ssettag $0x2  }
0x9d: {  	s0 =	rddreg [dreg:$0x0];
	s2 =	stileid.u32  }
0x9e: {  	s1 =	rddreg [dreg:$0x1];
	p0 =	sne.s32 s2, $0x0  }
0x9f: {  	s3 =	rddreg [dreg:$0x2];
	[bflag:$0x3] =	sbarrier.arrive $0xFFFF;
	s2 =	simm.s32 @!p0 $0x1C07  }
0xa0: {  	[timem:s3], [sflag:s2] =	dma.local @!p0 [hbm:s0], s1  }
0xa1: {  	s0 =	simm.s32 @!p0 $0x7  }
0xa2: {  	_ =	swait.ge @!p0 [sflag:s0], s1  }
0xa3: {  	s1 =	ssub.s32 @!p0 $0x0, s1;
	[sflag:s0] =	ssyncset.done @!p0 $0x0  }
0xa4: {  	[sflag:s0] =	ssyncadd.s32 @!p0 s1  }
0xa5: {  	[bflag:$0x3] =	sbarrier.arrive $0xFFFF  }
0xa6: {  	_ =	shalt  }

// kernel: kernel.15.cloned.1.call-start
scs
__scs_entry_jumppad:
0x0: {  	(pc) =	sbr.rel $0x88, $3  }
0x1: {  	(tag) =	ssettag $0x0;
	lr =	simm.s32 $0x1  }
0x2: {  	[smem:$0x3F9B] =	sst lr;
	_ =	strace $0xD0000000  }
0x3: {  	_ = 	snop  }
0x4: {  	_ = 	snop  }
0x5: {  	_ = 	snop  }
0x6: {  	_ = 	snop  }
0x7: {  	_ = 	snop  }
__scs_overlays_trampoline_lowered:
0x8: {  	[smem:$0x3FAA] =	sst s0  }
0x9: {  	[smem:$0x3FAB] =	sst s1  }
0xa: {  	[smem:$0x3FAC] =	sst s2  }
0xb: {  	[smem:$0x3FAD] =	sst s3  }
0xc: {  	[smem:$0x3FAE] =	sst s4  }
0xd: {  	[smem:$0x3FAF] =	sst s5  }
0xe: {  	[smem:$0x3FB0] =	sst s6  }
0xf: {  	[smem:$0x3FB1] =	sst s7  }
0x10: {  	[smem:$0x3FB2] =	sst s8  }
0x11: {  	[smem:$0x3FB3] =	sst s9;
	s0 =	simm.s32 @!p0 $0x0  }
0x12: {  	s1 =	sld [smem:$0x3F99];
	s0 =	simm.s32 @p0 $0x1  }
0x13: {  	[smem:$0x3FB4] =	sst s0;
	s0 =	simm.s32 @!p1 $0x0  }
0x14: {  	s2 =	sld [smem:$0x3F98];
	s0 =	simm.s32 @p1 $0x1  }
0x15: {  	[smem:$0x3FB5] =	sst s0;
	s0 =	simm.s32 @!p2 $0x0  }
0x16: {  	s3 =	sld [smem:$0x3FDB];
	s0 =	simm.s32 @p2 $0x1  }
0x17: {  	s4 =	simm.s32 $0x1BF5;
	[smem:$0x3FB7] =	sst s0  }
0x18: {  	s0 =	sld [smem:$0x3F9A];
	_ =	swait.ge [sflag:s4], $0x0  }
0x19: {  	s7 =	sld [smem:$0x3F9B]  }
0x1a: {  	s8 =	sadd.s32 $0xFFFFE003, lr  }
0x1b: {  	s9 =	sadd.s32 $0xFFFFFEF7, lr;
	s5 =	simm.s32 $0xFFFFFFFF;
	p2 =	slt.u32 s8, $0xFFFFF086  }
0x1c: {  	p1 =	slt.u32 s9, $0xF7A;
	s5 =	simm.s32 @!p2 $0x0  }
0x1d: {  	s5 =	simm.s32 @p1 $0x1;
	p0 =	seq.s32 s7, s2  }
0x1e: {  	s7 =	smul.u32 @!p0 $0xF7A, s2;
	p2 =	seq.s32 @!p0 s5, $0x0  }
0x1f: {  	s9 =	smul.u32 $0xF7A, s1;
	s8 =	simm.s32 @!p0 $0x1BF5;
	p2 =	por !p2, p0  }
0x20: {  	[sflag:s8] =	ssyncset.s32 @!p0 $0xFFFFF086;
	s6 =	sadd.s32 @!p0 s3, s7;
	s7 =	simm.s32 @!p0 $0x108  }
0x21: {  	s3 =	sadd.s32 s3, s9;
	s6 =	sadd.s32 @!p0 $0x88, s6;
	s7 =	simm.s32 @p2 $0x1082  }
0x22: {  	[simem:s7], [sflag:s8] =	dma.local @!p0 [hbm:s6], $0xF7A  }
0x23: {  	s9 =	sor.u32 $0xD0000000, s2;
	s6 =	simm.s32 $0x108;
	_ =	swait.ge @!p0 [sflag:s8], $0x0  }
0x24: {  	s3 =	sadd.s32 $0x88, s3;
	s6 =	simm.s32 @!p1 $0x1082;
	[sflag:s4] =	ssyncset.s32 $0xFFFFF086  }
0x25: {  	[simem:s6], [sflag:s4] =	dma.local [hbm:s3], $0xF7A  }
0x26: {  	[smem:$0x3F9B] =	sst s1;
	(tag) =	ssettag s2;
	_ =	strace s9  }
0x27: {  	s1 =	sld [smem:$0x3FAB]  }
0x28: {  	s2 =	sld [smem:$0x3FAC]  }
0x29: {  	s4 =	sld [smem:$0x3FAE]  }
0x2a: {  	p0 =	seq.s32 s5, $0x0;
	s5 =	sld [smem:$0x3FAF]  }
0x2b: {  	s6 =	sld [smem:$0x3FB0]  }
0x2c: {  	s7 =	sld [smem:$0x3FB1]  }
0x2d: {  	s3 =	simm.s32 $0x108;
	s8 =	sld [smem:$0x3FB2]  }
0x2e: {  	s3 =	simm.s32 @!p0 $0x1082;
	s9 =	sld [smem:$0x3FB3]  }
0x2f: {  	lr =	sadd.s32 s0, s3;
	s0 =	sld [smem:$0x3FAA]  }
0x30: {  	s3 =	sld [smem:$0x3FAD]  }
0x31: {  	[smem:$0x3FB6] =	sst s10  }
0x32: {  	s10 =	sld [smem:$0x3FB4];
	_ =	sdelay $0x3  }
0x33: {  	p0 =	seq.s32 s10, $0x1;
	s10 =	sld [smem:$0x3FB6];
	_ =	sdelay $0x3  }
0x34: {  	[smem:$0x3FB6] =	sst s10  }
0x35: {  	s10 =	sld [smem:$0x3FB5];
	_ =	sdelay $0x3  }
0x36: {  	p1 =	seq.s32 s10, $0x1;
	s10 =	sld [smem:$0x3FB6];
	_ =	sdelay $0x3  }
0x37: {  	[smem:$0x3FB6] =	sst s10  }
0x38: {  	s10 =	sld [smem:$0x3FB7]  }
0x39: {  	_ = 	snop;
	(pc) =	sbr.ind lr, $3  }
0x3a: {  	_ = 	snop  }
0x3b: {  	_ = 	snop  }
0x3c: {  	p2 =	seq.s32 s10, $0x1;
	s10 =	sld [smem:$0x3FB6]  }
0x3d: {  	_ =	shalt  }
0x3e: {  	_ =	shalt  }
0x3f: {  	_ =	shalt  }
0x40: {  	_ =	shalt  }
0x41: {  	_ =	shalt  }
0x42: {  	_ =	shalt  }
0x43: {  	_ =	shalt  }
0x44: {  	_ =	shalt  }
0x45: {  	_ =	shalt  }
0x46: {  	_ =	shalt  }
0x47: {  	_ =	shalt  }
0x48: {  	_ =	shalt  }
0x49: {  	_ =	shalt  }
0x4a: {  	_ =	shalt  }
0x4b: {  	_ =	shalt  }
0x4c: {  	_ =	shalt  }
0x4d: {  	_ =	shalt  }
0x4e: {  	_ =	shalt  }
0x4f: {  	_ =	shalt  }
0x50: {  	_ =	shalt  }
0x51: {  	_ =	shalt  }
0x52: {  	_ =	shalt  }
0x53: {  	_ =	shalt  }
0x54: {  	_ =	shalt  }
0x55: {  	_ =	shalt  }
0x56: {  	_ =	shalt  }
0x57: {  	_ =	shalt  }
0x58: {  	_ =	shalt  }
0x59: {  	_ =	shalt  }
0x5a: {  	_ =	shalt  }
0x5b: {  	_ =	shalt  }
0x5c: {  	_ =	shalt  }
0x5d: {  	_ =	shalt  }
0x5e: {  	_ =	shalt  }
0x5f: {  	_ =	shalt  }
0x60: {  	_ =	shalt  }
0x61: {  	_ =	shalt  }
0x62: {  	_ =	shalt  }
0x63: {  	_ =	shalt  }
0x64: {  	_ =	shalt  }
0x65: {  	_ =	shalt  }
0x66: {  	_ =	shalt  }
0x67: {  	_ =	shalt  }
0x68: {  	_ =	shalt  }
0x69: {  	_ =	shalt  }
0x6a: {  	_ =	shalt  }
0x6b: {  	_ =	shalt  }
0x6c: {  	_ =	shalt  }
0x6d: {  	_ =	shalt  }
0x6e: {  	_ =	shalt  }
0x6f: {  	_ =	shalt  }
0x70: {  	_ =	shalt  }
0x71: {  	_ =	shalt  }
0x72: {  	_ =	shalt  }
0x73: {  	_ =	shalt  }
0x74: {  	_ =	shalt  }
0x75: {  	_ =	shalt  }
0x76: {  	_ =	shalt  }
0x77: {  	_ =	shalt  }
0x78: {  	_ =	shalt  }
0x79: {  	_ =	shalt  }
0x7a: {  	_ =	shalt  }
0x7b: {  	_ =	shalt  }
0x7c: {  	_ =	shalt  }
0x7d: {  	_ =	shalt  }
0x7e: {  	_ =	shalt  }
0x7f: {  	_ =	shalt  }
0x80: {  	_ =	shalt  }
0x81: {  	_ =	shalt  }
0x82: {  	_ =	shalt  }
0x83: {  	_ =	shalt  }
0x84: {  	_ =	shalt  }
0x85: {  	_ =	shalt  }
0x86: {  	_ =	shalt  }
0x87: {  	_ =	shalt  }
.Lfunc_end0:
.L_simem_size_0:
called_computation.2_lowered:
.L_overlay_start_0:
0x88: {  	s2 =	sld [smem:$0x3FD9]  }
0x89: {  	s3 =	sld [smem:$0x3FFE];
	_ =	sdelay $0x1  }
0x8a: {  	s1 =	srdreg.scid  }
0x8b: {  	s0 =	sand.u32 $0x1, s1  }
0x8c: {  	s17 =	sshll.u32 s0, $0xA;
	s2 =	sadd.s32 s3, s2  }
0x8d: {  	s2 =	sadd.s32 s2, s17  }
0x8e: {  	[smem:$0x3FC2] =	sst s2  }
0x8f: {  	_ = 	snop  }
0x90: {  	s2 =	sld [smem:$0x3FD0];
	(tm) =	ssettm $0x1  }
0x91: {  	s18 =	sld [smem:$0x3FFB];
	_ =	sdelay $0x3  }
0x92: {  	_ =	strace s18  }
0x93: {  	s3 =	sld [smem:$0x3FFC];
	_ =	sdelay $0x3  }
0x94: {  	_ =	strace s3  }
0x95: {  	s3 =	sld [smem:$0x3FFD];
	_ =	sdelay $0x3  }
0x96: {  	_ =	strace s3  }
0x97: {  	_ =	strace $0x8FFFFFFF  }
0x98: {  	s19 =	sld [smem:$0x3FDB];
	_ =	sdelay $0x1  }
0x99: {  	s4 =	simm.s32 $_scs_section_size  }
0x9a: {  	s5 =	simm.s32 $_size__tile_overlayer_lowered;
	s6 =	simm.s32 $_tile_overlayer_lowered  }
0x9b: {  	s22 =	simm.s32 $0x1BFF;
	s21 =	sshll.u32 s6, $0x1;
	s3 =	sadd.s32 s4, s19  }
0x9c: {  	s7 =	simm.s32 $0x0;
	s20 =	sshll.u32 s5, $0x1;
	s5 =	sadd.s32 s21, s3  }
0x9d: {  	[timem:s7], [sflag:s22] =	dma.local [hbm:s5], s20  }
0x9e: {  	_ =	swait.ge [sflag:s22], s20  }
0x9f: {  	s4 =	ssub.s32 $0x0, s20;
	[sflag:s22] =	ssyncset.done $0x0  }
0xa0: {  	[sflag:s22] =	ssyncadd.s32 s4;
	_ =	sdelay $0x1  }
0xa1: {  	s23 =	simm.s32 $0x1B8B  }
0xa2: {  	_ =	swait.ge [sflag:s23], $0x1  }
0xa3: {  	[sflag:s23] =	ssyncset.done $0x0  }
0xa4: {  	s25 =	simm.s32 $0x1B8E;
	s24 =	sld [smem:$0x3FFE];
	[sflag:s23] =	ssyncadd.s32 $0xFFFFFFFF  }
0xa5: {  	s26 =	simm.s32 $execute0_lowered;
	[smem:$0x3FD2] =	sst s25  }
0xa6: {  	s5 =	sshll.u32 s26, $0x1;
	_ =	strace $0x8000004C;
	[dreg:$0x1] =	wrdreg $0xFFFFFFFF  }
0xa7: {  	s28 =	simm.s32 $_size_execute0_lowered;
	s3 =	sadd.s32 s3, s5;
	[dreg:$0x0] =	wrdreg $0x0  }
0xa8: {  	s5 =	sshll.u32 s28, $0x1;
	[dreg:$0x2] =	wrdreg s3  }
0xa9: {  	[dreg:$0x3] =	wrdreg s5  }
0xaa: {  	[dreg:$0x4] =	wrdreg $0xC0  }
0xab: {  	_ =	task [dreg:s7], $0x5FFFF  }
0xac: {  	[dreg:$0x1] =	wrdreg $0xFFFFFFFF  }
0xad: {  	[dreg:$0x0] =	wrdreg $0x60  }
0xae: {  	[dreg:$0x2] =	wrdreg s2  }
0xaf: {  	[dreg:$0x3] =	wrdreg s24  }
0xb0: {  	[dreg:$0x4] =	wrdreg $0xAF000  }
0xb1: {  	[dreg:$0x5] =	wrdreg $0x14F000  }
0xb2: {  	[dreg:$0x6] =	wrdreg $0x9  }
0xb3: {  	_ =	task.clear_ibuf [dreg:s7], $0x7FFFF;
	_ =	strace $0x9000004C  }
0xb4: {  	s29 =	simm.s32 $0x9;
	_ =	strace $0x8000004E  }
0xb5: {  	_ =	swait.ge [sflag:s29], $0x1  }
0xb6: {  	[sflag:s29] =	ssyncadd.s32 $0xFFFFFFFF  }
0xb7: {  	_ =	strace $0x9000004E  }
0xb8: {  	_ =	sfence  }
0xb9: {  	s30 =	sld [smem:$0x0];
	_ =	sdelay $0x2  }
0xba: {  	s31 =	sshll.u32 s1, $0xD;
	s1 =	sshrl.u32 s1, $0x2  }
0xbb: {  	s3 =	sand.u32 $0x4000, s31;
	s1 =	sadd.s32 s1, s30  }
0xbc: {  	s0 =	sor.u32 s3, s0;
	s1 =	sshll.u32 s1, $0x11  }
0xbd: {  	s0 =	sor.u32 s1, s0  }
0xbe: {  	s0 =	sadd.s32 $0x8F2B, s0  }
0xbf: {  	[sflag:s0] =	ssyncadd.remote.s32 $0x1  }
0xc0: {  	_ =	sfence.sel $0xFFFF  }
0xc1: {  	[dreg:$0x0] =	wrdreg $0xFFFFFFFF;
	(pc) =	sbr.abs _section_cstart, $3  }
0xc2: {  	[dreg:$0x1] =	wrdreg $0xFFFFFFFF  }
0xc3: {  	_ =	task.clear_ibuf [dreg:s7], $0x2FFFF;
	_ =	strace $0x9FFFFFFF  }
0xc4: {  	(tm) =	ssettm $0x7FFFFFFF  }
0xc5: {  	_ =	shalt  }
tec
execute0_lowered:
.L_overlay_start_1:
0x0: {  	(tag) =	ssettag $0x1  }
0x1: {  	s0 =	rddreg [dreg:$0x0]  }
0x2: {  	s1 =	rddreg [dreg:$0x1]  }
0x3: {  	s2 =	rddreg [dreg:$0x2];
	s4 =	srdreg.scid  }
0x4: {  	s24 =	stileid.u32;
	s3 =	rddreg [dreg:$0x3];
	s29 =	simm.s32 $0x4  }
0x5: {  	s31 =	simm.s32 $0x3;
	s28 =	simm.s32 $0x6;
	s6 =	smul.u32 $0xA000, s24  }
0x6: {  	s5 =	sand.u32 $0x1, s4;
	s4 =	simm.s32 $0x0;
	s9 =	smul.u32 $0x28000, s24  }
0x7: {  	s12 =	sadd.s32 $0x2A00, s1;
	s8 =	sshll.u32 s24, $0x1;
	s14 =	smul.u32 $0x9C40, s24  }
0x8: {  	p0 =	sgt.u32 s24, $0x1;
	s7 =	smul.u32 $0xA0000, s5;
	[smem:$0x7FF] =	sst s4  }
0x9: {  	s17 =	ssub.s32 $0x2, s5;
	s13 =	sor.u32 s5, s8;
	_ =	strace $0x8000004D  }
0xa: {  	s18 =	sshrl.u32 s17, $0x1;
	s19 =	sshrl.u32 s9, $0x2;
	s20 =	smul.u32 $0x2700, s13  }
0xb: {  	s5 =	sadd.s32 s6, s2;
	s26 =	sshll.u32 s13, $0x4;
	s30 =	sshrl.u32 s14, $0x3  }
0xc: {  	s7 =	sadd.s32 s6, s7;
	s16 =	ssub.s32 s17, s18;
	s21 =	sadd.s32 s19, s2  }
0xd: {  	s6 =	sadd.s32 s26, s12;
	s17 =	simm.s32 $0x4F00;
	s18 =	simm.s32 $0x7  }
0xe: {  	s19 =	simm.s32 $0x2700;
	s26 =	simm.s32 $0x2;
	s7 =	sshrl.u32 s7, $0x3  }
0xf: {  	s22 =	sadd.s32 $0x2000, s21;
	s23 =	sadd.s32 $0x4000, s21;
	s9 =	sshrl.u32 s20, $0x3  }
0x10: {  	s25 =	sadd.s32 $0x6000, s21;
	s10 =	sadd.s32 $0x8000, s21;
	s20 =	sadd.s32 s14, s3  }
0x11: {  	s13 =	sadd.s32 $0x9C00, s6;
	s14 =	sadd.s32 $0x13840, s6;
	[dreg:$0x5] =	wrdreg s22  }
.Ltmp0:
0x12: {  	s16 =	smax.u32 s16, $0x1;
	[dreg:$0x6] =	wrdreg s23;
	(pc) =	sbr.rel .LBB2_1-.Ltmp0, $4  }
0x13: {  	s21 =	simm.s32 $0x80;
	s1 =	sadd.s32 s7, s1;
	[dreg:$0x7] =	wrdreg s25  }
0x14: {  	s9 =	sadd.s32 s12, s9;
	s12 =	sadd.s32 s0, s30;
	s20 =	sshrl.u32 s20, $0x3  }
0x15: {  	s22 =	simm.s32 $0x6F00;
	s23 =	simm.s32 $0x1;
	s25 =	simm.s32 $0x8F00  }
0x16: {  	v0 =	vimm.f32 $0.0e+00;
	s0 =	simm.s32 $0x5;
	s11 =	sadd.s32 $0x9C40, s9;
	s15 =	sadd.s32 $0x16400, s1  }
.LBB2_6:
0x17: {  	_ =	swait.ge [sflag:s31], $0x2000  }
0x18: {  	[sflag:s31] =	ssyncset.done $0x0  }
0x19: {  	[sflag:s31] =	ssyncadd.s32 $0xFFFFE000  }
0x1a: {  	[spmem:s2] =	stream.indirect.scatter.add.f32 [tilespmem:s25], [sflag:$0x6], $0x40, s6, s21, $0xb8;
	[tilespmem:$0x1EB40] =	vst v63  }
0x1b: {  	_ =	swait.ge [sflag:s0], $0x2000  }
0x1c: {  	[sflag:s0] =	ssyncset.done $0x0  }
0x1d: {  	[sflag:s0] =	ssyncadd.s32 $0xFFFFE000  }
0x1e: {  	_ =	swait.ge [sflag:s28], $0x2000  }
0x1f: {  	s1 =	simm.s32 @!p0 $0x0;
	[sflag:s28] =	ssyncset.done $0x0  }
0x20: {  	s7 =	simm.s32 @!p0 $0x7;
	s6 =	simm.s32 @!p0 $0x4E00;
	[sflag:s28] =	ssyncadd.s32 $0xFFFFE000  }
0x21: {  	[tilespmem:s6], [sflag:$0x7] =	stream.linear.gather @!p0 [hbm4b:s13+s1], $0x80, $0x38;
	[tilespmem:$0x1EB40] =	vst v63  }
0x22: {  	_ =	swait.ge @!p0 [sflag:s7], $0x80  }
0x23: {  	[sflag:s7] =	ssyncset.done @!p0 $0x0  }
0x24: {  	s24 =	simm.s32 @!p0 $0x4E80;
	[sflag:s7] =	ssyncadd.s32 @!p0 $0xFFFFFF80  }
0x25: {  	[tilespmem:s24], [sflag:$0x7] =	stream.linear.gather @!p0 [hbm4b:s14+s1], $0x80, $0x38;
	[tilespmem:$0x1EB40] =	vst v63  }
0x26: {  	_ =	swait.ge @!p0 [sflag:s7], $0x80  }
0x27: {  	[sflag:s7] =	ssyncset.done @!p0 $0x0  }
0x28: {  	s8 =	simm.s32 @!p0 $0x4F00;
	s1 =	simm.s32 @!p0 $0x80;
	[sflag:s7] =	ssyncadd.s32 @!p0 $0xFFFFFF80  }
0x29: {  	[tilespmem:s8], [sflag:$0x1] =	stream.indirect.gather @!p0 [spmem:s3], $0x40, s6, s1, $0xb8;
	[tilespmem:$0x1EB40] =	vst v63  }
0x2a: {  	s6 =	simm.s32 @!p0 $0x1  }
0x2b: {  	_ =	swait.ge @!p0 [sflag:s6], $0x2000  }
0x2c: {  	[sflag:s6] =	ssyncset.done @!p0 $0x0  }
0x2d: {  	[sflag:s6] =	ssyncadd.s32 @!p0 $0xFFFFE000  }
0x2e: {  	[spmem:s2] =	stream.indirect.scatter.add.f32 @!p0 [tilespmem:s8], [sflag:$0x7], $0x40, s24, s1, $0xb8;
	[tilespmem:$0x1EB40] =	vst v63  }
0x2f: {  	_ =	swait.ge @!p0 [sflag:s7], $0x2000  }
0x30: {  	s4 =	sadd.s32 $0x1, s4;
	[sflag:s7] =	ssyncset.done @!p0 $0x0  }
0x31: {  	p1 =	sne.s32 s4, s16;
	[sflag:s7] =	ssyncadd.s32 @!p0 $0xFFFFE000  }
.Ltmp1:
0x32: {  	s24 =	sshrl.u32 s5, $0x3;
	[bflag:$0x0] =	sbarrier.arrive $0xFFFF;
	(pc) =	sbr.rel @!p1 .LBB2_7-.Ltmp1, $4  }
0x33: {  	[hbm:s15], [sflag:s30] =	dma.local [spmem:s24], $0x1400  }
0x34: {  	_ =	swait.ge [sflag:s18], $0x1400  }
0x35: {  	[sflag:s18] =	ssyncset.done $0x0  }
0x36: {  	[sflag:s18] =	ssyncadd.s32 $0xFFFFEC00  }
.LBB2_1:
0x37: {  	s24 =	simm.s32 $0x100;
	s1 =	simm.s32 $0x0  }
.LBB2_2:
0x38: {  	p1 =	sne.s32 s24, $0x7F00;
	[tilespmem:s1+$0x4F30] =	vst v0;
	s6 =	smov.u32 s24;
	s24 =	sadd.s32 $0x100, s24  }
.Ltmp2:
0x39: {  	[tilespmem:s1+$0x4F20] =	vst v0;
	(pc) =	sbr.rel @p1 .LBB2_2-.Ltmp2, $3  }
0x3a: {  	[tilespmem:s1+$0x4F00] =	vst v0  }
0x3b: {  	[tilespmem:s1+$0x4F10] =	vst v0;
	_ =	sdelay $0x1  }
0x3c: {  	s1 =	sshra.s32 s6, $0x2  }
0x3d: {  	[tilespmem:s1+$0x4F30] =	vst v0  }
0x3e: {  	[tilespmem:s1+$0x4F20] =	vst v0  }
0x3f: {  	[tilespmem:s1+$0x4F00] =	vst v0  }
0x40: {  	[tilespmem:s1+$0x4F10] =	vst v0  }
0x41: {  	[spmem:s5] =	stream.linear.scatter [tilespmem:s17], [sflag:$0x7], $0x2000, $0x38;
	[tilespmem:$0x1EB40] =	vst v63  }
0x42: {  	_ =	swait.ge [sflag:s18], $0x2000  }
0x43: {  	[sflag:s18] =	ssyncset.done $0x0  }
0x44: {  	s24 =	rddreg [dreg:$0x5];
	[sflag:s18] =	ssyncadd.s32 $0xFFFFE000  }
0x45: {  	[spmem:s24] =	stream.linear.scatter [tilespmem:s17], [sflag:$0x7], $0x2000, $0x38;
	[tilespmem:$0x1EB40] =	vst v63  }
0x46: {  	_ =	swait.ge [sflag:s18], $0x2000  }
0x47: {  	[sflag:s18] =	ssyncset.done $0x0  }
0x48: {  	s6 =	rddreg [dreg:$0x6];
	[sflag:s18] =	ssyncadd.s32 $0xFFFFE000  }
0x49: {  	[spmem:s6] =	stream.linear.scatter [tilespmem:s17], [sflag:$0x7], $0x2000, $0x38;
	[tilespmem:$0x1EB40] =	vst v63  }
0x4a: {  	_ =	swait.ge [sflag:s18], $0x2000  }
0x4b: {  	[sflag:s18] =	ssyncset.done $0x0  }
0x4c: {  	s7 =	rddreg [dreg:$0x7];
	[sflag:s18] =	ssyncadd.s32 $0xFFFFE000  }
0x4d: {  	[spmem:s7] =	stream.linear.scatter [tilespmem:s17], [sflag:$0x7], $0x2000, $0x38;
	[tilespmem:$0x1EB40] =	vst v63  }
0x4e: {  	_ =	swait.ge [sflag:s18], $0x2000  }
0x4f: {  	[sflag:s18] =	ssyncset.done $0x0  }
0x50: {  	[sflag:s18] =	ssyncadd.s32 $0xFFFFE000  }
0x51: {  	[spmem:s10] =	stream.linear.scatter [tilespmem:s17], [sflag:$0x7], $0x2000, $0x38;
	[tilespmem:$0x1EB40] =	vst v63  }
0x52: {  	_ =	swait.ge [sflag:s18], $0x2000  }
0x53: {  	[sflag:s18] =	ssyncset.done $0x0  }
0x54: {  	s1 =	simm.s32 $0x0;
	[sflag:s18] =	ssyncadd.s32 $0xFFFFE000  }
0x55: {  	[tilespmem:s1], [sflag:$0x7] =	stream.linear.gather [hbm4b:s9+s1], $0x2700, $0x38;
	[tilespmem:$0x1EB40] =	vst v63  }
0x56: {  	_ =	swait.ge [sflag:s18], $0x2700  }
0x57: {  	[sflag:s18] =	ssyncset.done $0x0  }
0x58: {  	[sflag:s18] =	ssyncadd.s32 $0xFFFFD900  }
0x59: {  	[tilespmem:s19], [sflag:$0x7] =	stream.linear.gather [hbm4b:s11+s1], $0x2700, $0x38;
	[tilespmem:$0x1EB40] =	vst v63  }
0x5a: {  	s6 =	stileid.u32;
	_ =	swait.ge [sflag:s18], $0x2700  }
0x5b: {  	s6 =	sshll.u32 s6, $0x6;
	[sflag:s18] =	ssyncset.done $0x0  }
0x5c: {  	s30 =	sor.u32 $0x1C07, s6;
	[sflag:s18] =	ssyncadd.s32 $0xFFFFD900  }
0x5d: {  	[spmem:s20], [sflag:s30] =	dma.local [hbm:s12], $0x1388  }
0x5e: {  	_ =	swait.ge [sflag:s18], $0x1388  }
0x5f: {  	[sflag:s18] =	ssyncset.done $0x0  }
0x60: {  	[sflag:s18] =	ssyncadd.s32 $0xFFFFEC78  }
0x61: {  	[bflag:$0x0] =	sbarrier.arrive $0xFFFF  }
0x62: {  	[tilespmem:s17], [sflag:$0x1] =	stream.indirect.gather [spmem:s3], $0x40, s1, s21, $0xb8;
	[tilespmem:$0x1EB40] =	vst v63  }
0x63: {  	_ = 	snop  }
0x64: {  	[tilespmem:s22], [sflag:$0x2] =	stream.indirect.gather [spmem:s3], $0x40, s21, s21, $0xb8;
	[tilespmem:$0x1EB40] =	vst v63  }
0x65: {  	_ =	swait.ge [sflag:s23], $0x2000  }
0x66: {  	[sflag:s23] =	ssyncset.done $0x0  }
0x67: {  	[sflag:s23] =	ssyncadd.s32 $0xFFFFE000  }
0x68: {  	[spmem:s2] =	stream.indirect.scatter.add.f32 [tilespmem:s17], [sflag:$0x4], $0x40, s19, s21, $0xb8;
	[tilespmem:$0x1EB40] =	vst v63  }
0x69: {  	s8 =	simm.s32 $0x100  }
0x6a: {  	[tilespmem:s25], [sflag:$0x3] =	stream.indirect.gather [spmem:s3], $0x40, s8, s21, $0xb8;
	[tilespmem:$0x1EB40] =	vst v63  }
0x6b: {  	_ =	swait.ge [sflag:s26], $0x2000  }
0x6c: {  	[sflag:s26] =	ssyncset.done $0x0  }
0x6d: {  	s24 =	simm.s32 $0x2780;
	[sflag:s26] =	ssyncadd.s32 $0xFFFFE000  }
0x6e: {  	[spmem:s2] =	stream.indirect.scatter.add.f32 [tilespmem:s22], [sflag:$0x5], $0x40, s24, s21, $0xb8;
	[tilespmem:$0x1EB40] =	vst v63  }
0x6f: {  	_ =	swait.ge [sflag:s29], $0x2000  }
0x70: {  	[sflag:s29] =	ssyncset.done $0x0  }
0x71: {  	s7 =	simm.s32 $0x180;
	[sflag:s29] =	ssyncadd.s32 $0xFFFFE000  }
0x72: {  	[tilespmem:s17], [sflag:$0x1] =	stream.indirect.gather [spmem:s3], $0x40, s7, s21, $0xb8;
	[tilespmem:$0x1EB40] =	vst v63  }
0x73: {  	_ =	swait.ge [sflag:s31], $0x2000  }
0x74: {  	[sflag:s31] =	ssyncset.done $0x0  }
0x75: {  	s8 =	simm.s32 $0x2800;
	[sflag:s31] =	ssyncadd.s32 $0xFFFFE000  }
0x76: {  	[spmem:s2] =	stream.indirect.scatter.add.f32 [tilespmem:s25], [sflag:$0x6], $0x40, s8, s21, $0xb8;
	[tilespmem:$0x1EB40] =	vst v63  }
0x77: {  	_ =	swait.ge [sflag:s0], $0x2000  }
0x78: {  	[sflag:s0] =	ssyncset.done $0x0  }
0x79: {  	s24 =	simm.s32 $0x200;
	[sflag:s0] =	ssyncadd.s32 $0xFFFFE000  }
0x7a: {  	[tilespmem:s22], [sflag:$0x2] =	stream.indirect.gather [spmem:s3], $0x40, s24, s21, $0xb8;
	[tilespmem:$0x1EB40] =	vst v63  }
.LBB2_4:
0x7b: {  	_ =	swait.ge [sflag:s23], $0x2000  }
0x7c: {  	s24 =	sshra.s32 s1, $0x2;
	[sflag:s23] =	ssyncset.done $0x0  }
0x7d: {  	s6 =	sadd.s32 $0x2880, s24;
	[sflag:s23] =	ssyncadd.s32 $0xFFFFE000  }
0x7e: {  	[spmem:s2] =	stream.indirect.scatter.add.f32 [tilespmem:s17], [sflag:$0x4], $0x40, s6, s21, $0xb8;
	[tilespmem:$0x1EB40] =	vst v63  }
0x7f: {  	_ =	swait.ge [sflag:s28], $0x2000  }
0x80: {  	[sflag:s28] =	ssyncset.done $0x0  }
0x81: {  	s7 =	sadd.s32 $0x280, s24;
	[sflag:s28] =	ssyncadd.s32 $0xFFFFE000  }
0x82: {  	[tilespmem:s25], [sflag:$0x3] =	stream.indirect.gather [spmem:s3], $0x40, s7, s21, $0xb8;
	[tilespmem:$0x1EB40] =	vst v63  }
0x83: {  	_ =	swait.ge [sflag:s26], $0x2000  }
0x84: {  	p1 =	seq.s32 s1, $0x9000;
	[sflag:s26] =	ssyncset.done $0x0  }
.Ltmp3:
0x85: {  	s8 =	sadd.s32 $0x2900, s24;
	[sflag:s26] =	ssyncadd.s32 $0xFFFFE000;
	(pc) =	sbr.rel @p1 .LBB2_6-.Ltmp3, $4  }
0x86: {  	[spmem:s2] =	stream.indirect.scatter.add.f32 [tilespmem:s22], [sflag:$0x5], $0x40, s8, s21, $0xb8;
	[tilespmem:$0x1EB40] =	vst v63  }
0x87: {  	_ =	swait.ge [sflag:s29], $0x2000  }
0x88: {  	[sflag:s29] =	ssyncset.done $0x0  }
0x89: {  	s6 =	sadd.s32 $0x2980, s24;
	[sflag:s29] =	ssyncadd.s32 $0xFFFFE000  }
0x8a: {  	s7 =	sadd.s32 $0x300, s24  }
0x8b: {  	[tilespmem:s17], [sflag:$0x1] =	stream.indirect.gather [spmem:s3], $0x40, s7, s21, $0xb8;
	[tilespmem:$0x1EB40] =	vst v63  }
0x8c: {  	_ =	swait.ge [sflag:s31], $0x2000  }
0x8d: {  	[sflag:s31] =	ssyncset.done $0x0  }
0x8e: {  	[sflag:s31] =	ssyncadd.s32 $0xFFFFE000  }
0x8f: {  	[spmem:s2] =	stream.indirect.scatter.add.f32 [tilespmem:s25], [sflag:$0x6], $0x40, s6, s21, $0xb8;
	[tilespmem:$0x1EB40] =	vst v63  }
.Ltmp4:
0x90: {  	_ = 	snop;
	(pc) =	sbr.rel .LBB2_4-.Ltmp4, $4  }
0x91: {  	_ =	swait.ge [sflag:s0], $0x2000  }
0x92: {  	[sflag:s0] =	ssyncset.done $0x0  }
0x93: {  	s24 =	sadd.s32 $0x380, s24;
	s1 =	sadd.s32 $0x600, s1;
	[sflag:s0] =	ssyncadd.s32 $0xFFFFE000  }
0x94: {  	[tilespmem:s22], [sflag:$0x2] =	stream.indirect.gather [spmem:s3], $0x40, s24, s21, $0xb8;
	[tilespmem:$0x1EB40] =	vst v63  }
.LBB2_7:
0x95: {  	_ =	sfence.sel $0x180000  }
0x96: {  	[bflag:$0x0] =	sbarrier.arrive $0xFFFF  }
0x97: {  	_ =	strace $0x9000004D  }
0x98: {  	s0 =	stileid.u32;
	[bflag:$0x2] =	sbarrier.arrive $0xFFFF  }
0x99: {  	p0 =	sne.s32 s0, $0x0;
	s0 =	rddreg [dreg:$0x4]  }
0x9a: {  	s0 =	sadd.s32 @!p0 $0x100000, s0  }
0x9b: {  	[sflag:s0] =	ssyncadd.tile.s32 @!p0 $0x1;
	_ =	shalt  }
.Lfunc_end2:
_tile_overlayer_lowered:
.L_overlay_start_2:
0x9c: {  	(tag) =	ssettag $0x2  }
0x9d: {  	s0 =	rddreg [dreg:$0x0];
	s2 =	stileid.u32  }
0x9e: {  	s1 =	rddreg [dreg:$0x1];
	p0 =	sne.s32 s2, $0x0  }
0x9f: {  	s3 =	rddreg [dreg:$0x2];
	[bflag:$0x3] =	sbarrier.arrive $0xFFFF;
	s2 =	simm.s32 @!p0 $0x1C07  }
0xa0: {  	[timem:s3], [sflag:s2] =	dma.local @!p0 [hbm:s0], s1  }
0xa1: {  	s0 =	simm.s32 @!p0 $0x7  }
0xa2: {  	_ =	swait.ge @!p0 [sflag:s0], s1  }
0xa3: {  	s1 =	ssub.s32 @!p0 $0x0, s1;
	[sflag:s0] =	ssyncset.done @!p0 $0x0  }
0xa4: {  	[sflag:s0] =	ssyncadd.s32 @!p0 s1  }
0xa5: {  	[bflag:$0x3] =	sbarrier.arrive $0xFFFF  }
0xa6: {  	_ =	shalt  }

// kernel: kernel.9.cloned.1.call-start
scs
__scs_entry_jumppad:
0x0: {  	(pc) =	sbr.rel $0x88, $3  }
0x1: {  	(tag) =	ssettag $0x0;
	lr =	simm.s32 $0x1  }
0x2: {  	[smem:$0x3F9B] =	sst lr;
	_ =	strace $0xD0000000  }
0x3: {  	_ = 	snop  }
0x4: {  	_ = 	snop  }
0x5: {  	_ = 	snop  }
0x6: {  	_ = 	snop  }
0x7: {  	_ = 	snop  }
__scs_overlays_trampoline_lowered:
0x8: {  	[smem:$0x3FAA] =	sst s0  }
0x9: {  	[smem:$0x3FAB] =	sst s1  }
0xa: {  	[smem:$0x3FAC] =	sst s2  }
0xb: {  	[smem:$0x3FAD] =	sst s3  }
0xc: {  	[smem:$0x3FAE] =	sst s4  }
0xd: {  	[smem:$0x3FAF] =	sst s5  }
0xe: {  	[smem:$0x3FB0] =	sst s6  }
0xf: {  	[smem:$0x3FB1] =	sst s7  }
0x10: {  	[smem:$0x3FB2] =	sst s8  }
0x11: {  	[smem:$0x3FB3] =	sst s9;
	s0 =	simm.s32 @!p0 $0x0  }
0x12: {  	s1 =	sld [smem:$0x3F99];
	s0 =	simm.s32 @p0 $0x1  }
0x13: {  	[smem:$0x3FB4] =	sst s0;
	s0 =	simm.s32 @!p1 $0x0  }
0x14: {  	s2 =	sld [smem:$0x3F98];
	s0 =	simm.s32 @p1 $0x1  }
0x15: {  	[smem:$0x3FB5] =	sst s0;
	s0 =	simm.s32 @!p2 $0x0  }
0x16: {  	s3 =	sld [smem:$0x3FDB];
	s0 =	simm.s32 @p2 $0x1  }
0x17: {  	s4 =	simm.s32 $0x1BF5;
	[smem:$0x3FB7] =	sst s0  }
0x18: {  	s0 =	sld [smem:$0x3F9A];
	_ =	swait.ge [sflag:s4], $0x0  }
0x19: {  	s7 =	sld [smem:$0x3F9B]  }
0x1a: {  	s8 =	sadd.s32 $0xFFFFE003, lr  }
0x1b: {  	s9 =	sadd.s32 $0xFFFFFEF7, lr;
	s5 =	simm.s32 $0xFFFFFFFF;
	p2 =	slt.u32 s8, $0xFFFFF086  }
0x1c: {  	p1 =	slt.u32 s9, $0xF7A;
	s5 =	simm.s32 @!p2 $0x0  }
0x1d: {  	s5 =	simm.s32 @p1 $0x1;
	p0 =	seq.s32 s7, s2  }
0x1e: {  	s7 =	smul.u32 @!p0 $0xF7A, s2;
	p2 =	seq.s32 @!p0 s5, $0x0  }
0x1f: {  	s9 =	smul.u32 $0xF7A, s1;
	s8 =	simm.s32 @!p0 $0x1BF5;
	p2 =	por !p2, p0  }
0x20: {  	[sflag:s8] =	ssyncset.s32 @!p0 $0xFFFFF086;
	s6 =	sadd.s32 @!p0 s3, s7;
	s7 =	simm.s32 @!p0 $0x108  }
0x21: {  	s3 =	sadd.s32 s3, s9;
	s6 =	sadd.s32 @!p0 $0x88, s6;
	s7 =	simm.s32 @p2 $0x1082  }
0x22: {  	[simem:s7], [sflag:s8] =	dma.local @!p0 [hbm:s6], $0xF7A  }
0x23: {  	s9 =	sor.u32 $0xD0000000, s2;
	s6 =	simm.s32 $0x108;
	_ =	swait.ge @!p0 [sflag:s8], $0x0  }
0x24: {  	s3 =	sadd.s32 $0x88, s3;
	s6 =	simm.s32 @!p1 $0x1082;
	[sflag:s4] =	ssyncset.s32 $0xFFFFF086  }
0x25: {  	[simem:s6], [sflag:s4] =	dma.local [hbm:s3], $0xF7A  }
0x26: {  	[smem:$0x3F9B] =	sst s1;
	(tag) =	ssettag s2;
	_ =	strace s9  }
0x27: {  	s1 =	sld [smem:$0x3FAB]  }
0x28: {  	s2 =	sld [smem:$0x3FAC]  }
0x29: {  	s4 =	sld [smem:$0x3FAE]  }
0x2a: {  	p0 =	seq.s32 s5, $0x0;
	s5 =	sld [smem:$0x3FAF]  }
0x2b: {  	s6 =	sld [smem:$0x3FB0]  }
0x2c: {  	s7 =	sld [smem:$0x3FB1]  }
0x2d: {  	s3 =	simm.s32 $0x108;
	s8 =	sld [smem:$0x3FB2]  }
0x2e: {  	s3 =	simm.s32 @!p0 $0x1082;
	s9 =	sld [smem:$0x3FB3]  }
0x2f: {  	lr =	sadd.s32 s0, s3;
	s0 =	sld [smem:$0x3FAA]  }
0x30: {  	s3 =	sld [smem:$0x3FAD]  }
0x31: {  	[smem:$0x3FB6] =	sst s10  }
0x32: {  	s10 =	sld [smem:$0x3FB4];
	_ =	sdelay $0x3  }
0x33: {  	p0 =	seq.s32 s10, $0x1;
	s10 =	sld [smem:$0x3FB6];
	_ =	sdelay $0x3  }
0x34: {  	[smem:$0x3FB6] =	sst s10  }
0x35: {  	s10 =	sld [smem:$0x3FB5];
	_ =	sdelay $0x3  }
0x36: {  	p1 =	seq.s32 s10, $0x1;
	s10 =	sld [smem:$0x3FB6];
	_ =	sdelay $0x3  }
0x37: {  	[smem:$0x3FB6] =	sst s10  }
0x38: {  	s10 =	sld [smem:$0x3FB7]  }
0x39: {  	_ = 	snop;
	(pc) =	sbr.ind lr, $3  }
0x3a: {  	_ = 	snop  }
0x3b: {  	_ = 	snop  }
0x3c: {  	p2 =	seq.s32 s10, $0x1;
	s10 =	sld [smem:$0x3FB6]  }
0x3d: {  	_ =	shalt  }
0x3e: {  	_ =	shalt  }
0x3f: {  	_ =	shalt  }
0x40: {  	_ =	shalt  }
0x41: {  	_ =	shalt  }
0x42: {  	_ =	shalt  }
0x43: {  	_ =	shalt  }
0x44: {  	_ =	shalt  }
0x45: {  	_ =	shalt  }
0x46: {  	_ =	shalt  }
0x47: {  	_ =	shalt  }
0x48: {  	_ =	shalt  }
0x49: {  	_ =	shalt  }
0x4a: {  	_ =	shalt  }
0x4b: {  	_ =	shalt  }
0x4c: {  	_ =	shalt  }
0x4d: {  	_ =	shalt  }
0x4e: {  	_ =	shalt  }
0x4f: {  	_ =	shalt  }
0x50: {  	_ =	shalt  }
0x51: {  	_ =	shalt  }
0x52: {  	_ =	shalt  }
0x53: {  	_ =	shalt  }
0x54: {  	_ =	shalt  }
0x55: {  	_ =	shalt  }
0x56: {  	_ =	shalt  }
0x57: {  	_ =	shalt  }
0x58: {  	_ =	shalt  }
0x59: {  	_ =	shalt  }
0x5a: {  	_ =	shalt  }
0x5b: {  	_ =	shalt  }
0x5c: {  	_ =	shalt  }
0x5d: {  	_ =	shalt  }
0x5e: {  	_ =	shalt  }
0x5f: {  	_ =	shalt  }
0x60: {  	_ =	shalt  }
0x61: {  	_ =	shalt  }
0x62: {  	_ =	shalt  }
0x63: {  	_ =	shalt  }
0x64: {  	_ =	shalt  }
0x65: {  	_ =	shalt  }
0x66: {  	_ =	shalt  }
0x67: {  	_ =	shalt  }
0x68: {  	_ =	shalt  }
0x69: {  	_ =	shalt  }
0x6a: {  	_ =	shalt  }
0x6b: {  	_ =	shalt  }
0x6c: {  	_ =	shalt  }
0x6d: {  	_ =	shalt  }
0x6e: {  	_ =	shalt  }
0x6f: {  	_ =	shalt  }
0x70: {  	_ =	shalt  }
0x71: {  	_ =	shalt  }
0x72: {  	_ =	shalt  }
0x73: {  	_ =	shalt  }
0x74: {  	_ =	shalt  }
0x75: {  	_ =	shalt  }
0x76: {  	_ =	shalt  }
0x77: {  	_ =	shalt  }
0x78: {  	_ =	shalt  }
0x79: {  	_ =	shalt  }
0x7a: {  	_ =	shalt  }
0x7b: {  	_ =	shalt  }
0x7c: {  	_ =	shalt  }
0x7d: {  	_ =	shalt  }
0x7e: {  	_ =	shalt  }
0x7f: {  	_ =	shalt  }
0x80: {  	_ =	shalt  }
0x81: {  	_ =	shalt  }
0x82: {  	_ =	shalt  }
0x83: {  	_ =	shalt  }
0x84: {  	_ =	shalt  }
0x85: {  	_ =	shalt  }
0x86: {  	_ =	shalt  }
0x87: {  	_ =	shalt  }
.Lfunc_end0:
.L_simem_size_0:
called_computation_lowered:
.L_overlay_start_0:
0x88: {  	s2 =	sld [smem:$0x3FD9]  }
0x89: {  	s3 =	sld [smem:$0x3FFE];
	_ =	sdelay $0x1  }
0x8a: {  	s1 =	srdreg.scid  }
0x8b: {  	s0 =	sand.u32 $0x1, s1  }
0x8c: {  	s17 =	sshll.u32 s0, $0xA;
	s2 =	sadd.s32 s3, s2  }
0x8d: {  	s2 =	sadd.s32 s2, s17  }
0x8e: {  	[smem:$0x3FC2] =	sst s2  }
0x8f: {  	_ = 	snop  }
0x90: {  	s2 =	sld [smem:$0x3FD0];
	(tm) =	ssettm $0x1  }
0x91: {  	s18 =	sld [smem:$0x3FFB];
	_ =	sdelay $0x3  }
0x92: {  	_ =	strace s18  }
0x93: {  	s3 =	sld [smem:$0x3FFC];
	_ =	sdelay $0x3  }
0x94: {  	_ =	strace s3  }
0x95: {  	s3 =	sld [smem:$0x3FFD];
	_ =	sdelay $0x3  }
0x96: {  	_ =	strace s3  }
0x97: {  	_ =	strace $0x8FFFFFFF  }
0x98: {  	s19 =	sld [smem:$0x3FDB];
	_ =	sdelay $0x1  }
0x99: {  	s4 =	simm.s32 $_scs_section_size  }
0x9a: {  	s5 =	simm.s32 $_size__tile_overlayer_lowered;
	s6 =	simm.s32 $_tile_overlayer_lowered  }
0x9b: {  	s22 =	simm.s32 $0x1BFF;
	s21 =	sshll.u32 s6, $0x1;
	s3 =	sadd.s32 s4, s19  }
0x9c: {  	s7 =	simm.s32 $0x0;
	s20 =	sshll.u32 s5, $0x1;
	s5 =	sadd.s32 s21, s3  }
0x9d: {  	[timem:s7], [sflag:s22] =	dma.local [hbm:s5], s20  }
0x9e: {  	_ =	swait.ge [sflag:s22], s20  }
0x9f: {  	s4 =	ssub.s32 $0x0, s20;
	[sflag:s22] =	ssyncset.done $0x0  }
0xa0: {  	[sflag:s22] =	ssyncadd.s32 s4;
	_ =	sdelay $0x1  }
0xa1: {  	s23 =	simm.s32 $0x1B8B  }
0xa2: {  	_ =	swait.ge [sflag:s23], $0x1  }
0xa3: {  	[sflag:s23] =	ssyncset.done $0x0  }
0xa4: {  	s25 =	simm.s32 $0x1B8E;
	s24 =	sld [smem:$0x3FFE];
	[sflag:s23] =	ssyncadd.s32 $0xFFFFFFFF  }
0xa5: {  	s26 =	simm.s32 $execute0_lowered;
	[smem:$0x3FD2] =	sst s25  }
0xa6: {  	s5 =	sshll.u32 s26, $0x1;
	_ =	strace $0x80000046;
	[dreg:$0x1] =	wrdreg $0xFFFFFFFF  }
0xa7: {  	s28 =	simm.s32 $_size_execute0_lowered;
	s3 =	sadd.s32 s3, s5;
	[dreg:$0x0] =	wrdreg $0x0  }
0xa8: {  	s5 =	sshll.u32 s28, $0x1;
	[dreg:$0x2] =	wrdreg s3  }
0xa9: {  	[dreg:$0x3] =	wrdreg s5  }
0xaa: {  	[dreg:$0x4] =	wrdreg $0xC0  }
0xab: {  	_ =	task [dreg:s7], $0x5FFFF  }
0xac: {  	[dreg:$0x1] =	wrdreg $0xFFFFFFFF  }
0xad: {  	[dreg:$0x0] =	wrdreg $0x60  }
0xae: {  	[dreg:$0x2] =	wrdreg s24  }
0xaf: {  	[dreg:$0x3] =	wrdreg s2  }
0xb0: {  	[dreg:$0x4] =	wrdreg $0xA2C00  }
0xb1: {  	[dreg:$0x5] =	wrdreg $0x9  }
0xb2: {  	_ =	task.clear_ibuf [dreg:s7], $0x6FFFF;
	_ =	strace $0x90000046  }
0xb3: {  	s29 =	simm.s32 $0x9;
	_ =	strace $0x80000048  }
0xb4: {  	_ =	swait.ge [sflag:s29], $0x1  }
0xb5: {  	[sflag:s29] =	ssyncadd.s32 $0xFFFFFFFF  }
0xb6: {  	_ =	strace $0x90000048  }
0xb7: {  	_ =	sfence  }
0xb8: {  	s30 =	sld [smem:$0x0];
	_ =	sdelay $0x2  }
0xb9: {  	s31 =	sshll.u32 s1, $0xD;
	s1 =	sshrl.u32 s1, $0x2  }
0xba: {  	s3 =	sand.u32 $0x4000, s31;
	s1 =	sadd.s32 s1, s30  }
0xbb: {  	s0 =	sor.u32 s3, s0;
	s1 =	sshll.u32 s1, $0x11  }
0xbc: {  	s0 =	sor.u32 s1, s0  }
0xbd: {  	s0 =	sadd.s32 $0x8F2B, s0  }
0xbe: {  	[sflag:s0] =	ssyncadd.remote.s32 $0x1  }
0xbf: {  	_ =	sfence.sel $0xFFFF  }
0xc0: {  	[dreg:$0x0] =	wrdreg $0xFFFFFFFF;
	(pc) =	sbr.abs _section_cstart, $3  }
0xc1: {  	[dreg:$0x1] =	wrdreg $0xFFFFFFFF  }
0xc2: {  	_ =	task.clear_ibuf [dreg:s7], $0x2FFFF;
	_ =	strace $0x9FFFFFFF  }
0xc3: {  	(tm) =	ssettm $0x7FFFFFFF  }
tec
execute0_lowered:
.L_overlay_start_1:
0x0: {  	(tag) =	ssettag $0x1  }
0x1: {  	s4 =	rddreg [dreg:$0x0]  }
0x2: {  	s8 =	rddreg [dreg:$0x1]  }
0x3: {  	s2 =	rddreg [dreg:$0x2]  }
0x4: {  	s0 =	rddreg [dreg:$0x3]  }
0x5: {  	s3 =	simm.s32 $0x0;
	s5 =	srdreg.scid;
	s1 =	stileid.u32  }
0x6: {  	s12 =	simm.s32 $0x80;
	s13 =	simm.s32 $0x5100;
	s14 =	simm.s32 $0x1  }
0x7: {  	s15 =	simm.s32 $0x5180;
	s16 =	simm.s32 $0x52C0;
	s6 =	smul.u32 $0xA00, s1  }
0x8: {  	s17 =	simm.s32 $0x0;
	[smem:$0x7FF] =	sst s3;
	s9 =	smul.u32 $0x4E00, s1  }
0x9: {  	s5 =	sand.u32 $0x1, s5;
	s10 =	sadd.s32 $0x2A00, s4;
	s26 =	smul.u32 $0x140, s1  }
0xa: {  	s29 =	sshll.u32 s1, $0x4;
	p0 =	sgt.u32 s1, $0x3;
	s7 =	ssub.s32 $0x2, s5  }
0xb: {  	_ =	strace $0x80000047;
	s5 =	smul.u32 $0x1400, s5;
	s24 =	sshrl.u32 s7, $0x1  }
0xc: {  	s25 =	sshrl.u32 s6, $0x2;
	s28 =	sshrl.u32 s9, $0x3;
	s9 =	sadd.s32 s29, s10  }
0xd: {  	s11 =	ssub.s32 s7, s24;
	s4 =	sadd.s32 s25, s2;
	s7 =	sadd.s32 s10, s28  }
0xe: {  	s30 =	sadd.s32 s26, s5;
	s6 =	sadd.s32 $0x13840, s9;
	s10 =	simm.s32 $0x4E80  }
0xf: {  	s5 =	sadd.s32 $0x9C40, s7;
	s31 =	sshll.u32 s30, $0x3;
	s7 =	sadd.s32 s30, s2  }
0x10: {  	v0 =	vimm.f32 $0.0e+00;
	v1 =	vimm.f32 $1.000000000e+00;
	s9 =	smax.u32 s11, $0x1;
	s11 =	simm.s32 $0x2;
	s8 =	sadd.s32 s8, s31  }
.LBB2_1:
0x11: {  	[tilespmem:$0x4E80] =	vst v0  }
0x12: {  	[tilespmem:$0x4E90] =	vst v0  }
0x13: {  	[tilespmem:$0x4EA0] =	vst v0  }
0x14: {  	[tilespmem:$0x4EB0] =	vst v0  }
0x15: {  	[tilespmem:$0x4EC0] =	vst v0  }
0x16: {  	[tilespmem:$0x4ED0] =	vst v0  }
0x17: {  	[tilespmem:$0x4EE0] =	vst v0  }
0x18: {  	[tilespmem:$0x4EF0] =	vst v0  }
0x19: {  	[tilespmem:$0x4F00] =	vst v0  }
0x1a: {  	[tilespmem:$0x4F10] =	vst v0  }
0x1b: {  	[tilespmem:$0x4F20] =	vst v0  }
0x1c: {  	[tilespmem:$0x4F30] =	vst v0  }
0x1d: {  	[tilespmem:$0x4F40] =	vst v0  }
0x1e: {  	[tilespmem:$0x4F50] =	vst v0  }
0x1f: {  	[tilespmem:$0x4F60] =	vst v0  }
0x20: {  	[tilespmem:$0x4F70] =	vst v0  }
0x21: {  	[tilespmem:$0x4F80] =	vst v0  }
0x22: {  	[tilespmem:$0x4F90] =	vst v0  }
0x23: {  	[tilespmem:$0x4FA0] =	vst v0  }
0x24: {  	[tilespmem:$0x4FB0] =	vst v0  }
0x25: {  	[tilespmem:$0x4FC0] =	vst v0  }
0x26: {  	[tilespmem:$0x4FD0] =	vst v0  }
0x27: {  	[tilespmem:$0x4FE0] =	vst v0  }
0x28: {  	[tilespmem:$0x4FF0] =	vst v0  }
0x29: {  	[tilespmem:$0x5000] =	vst v0  }
0x2a: {  	[tilespmem:$0x5010] =	vst v0  }
0x2b: {  	[tilespmem:$0x5020] =	vst v0  }
0x2c: {  	[tilespmem:$0x5030] =	vst v0  }
0x2d: {  	[tilespmem:$0x5040] =	vst v0  }
0x2e: {  	[tilespmem:$0x5050] =	vst v0  }
0x2f: {  	[tilespmem:$0x5060] =	vst v0  }
0x30: {  	[tilespmem:$0x5070] =	vst v0  }
0x31: {  	[tilespmem:$0x5080] =	vst v0  }
0x32: {  	[tilespmem:$0x5090] =	vst v0  }
0x33: {  	[tilespmem:$0x50A0] =	vst v0  }
0x34: {  	[tilespmem:$0x50B0] =	vst v0  }
0x35: {  	[tilespmem:$0x50C0] =	vst v0  }
0x36: {  	[tilespmem:$0x50D0] =	vst v0  }
0x37: {  	[tilespmem:$0x50E0] =	vst v0  }
0x38: {  	[tilespmem:$0x50F0] =	vst v0  }
0x39: {  	[tilespmem:$0x5100] =	vst v1  }
0x3a: {  	[tilespmem:$0x5110] =	vst v1  }
0x3b: {  	[tilespmem:$0x5120] =	vst v1  }
0x3c: {  	[tilespmem:$0x5130] =	vst v1  }
0x3d: {  	[tilespmem:$0x5140] =	vst v1  }
0x3e: {  	[tilespmem:$0x5150] =	vst v1  }
0x3f: {  	[tilespmem:$0x5160] =	vst v1  }
0x40: {  	[tilespmem:$0x5170] =	vst v1  }
0x41: {  	[spmem:s4] =	stream.linear.scatter [tilespmem:s10], [sflag:$0x2], $0x280, $0x38;
	[tilespmem:$0xA540] =	vst v63  }
0x42: {  	_ =	swait.ge [sflag:s11], $0x280  }
0x43: {  	[sflag:s11] =	ssyncset.done $0x0  }
0x44: {  	[sflag:s11] =	ssyncadd.s32 $0xFFFFFD80  }
0x45: {  	[tilespmem:s3], [sflag:$0x2] =	stream.linear.gather [hbm4b:s5+s3], $0x4E00, $0x38;
	[tilespmem:$0xA540] =	vst v63  }
0x46: {  	_ =	swait.ge [sflag:s11], $0x4E00  }
0x47: {  	[sflag:s11] =	ssyncset.done $0x0  }
0x48: {  	[sflag:s11] =	ssyncadd.s32 $0xFFFFB200  }
0x49: {  	s18 =	simm.s32 $0x200;
	s19 =	simm.s32 $0x0;
	[bflag:$0x0] =	sbarrier.arrive $0xFFFF  }
.LBB2_2:
0x4a: {  	[spmem:s2] =	stream.indirect.scatter.add.f32 [tilespmem:s13], [sflag:$0x1], $0x1, s19, s12, $0xb8;
	[tilespmem:$0xA540] =	vst v63  }
0x4b: {  	s19 =	smov.u32 s18;
	p1 =	sne.s32 s18, $0x13600  }
.Ltmp0:
0x4c: {  	s18 =	sadd.s32 $0x200, s18;
	(pc) =	sbr.rel @p1 .LBB2_2-.Ltmp0, $2  }
0x4d: {  	_ =	sdelay $0x2  }
0x4e: {  	s19 =	sshra.s32 s19, $0x2  }
0x4f: {  	[spmem:s2] =	stream.indirect.scatter.add.f32 [tilespmem:s13], [sflag:$0x1], $0x1, s19, s12, $0xb8;
	[tilespmem:$0xA540] =	vst v63  }
0x50: {  	s18 =	simm.s32 @!p0 $0x0;
	s19 =	simm.s32 @!p0 $0x4E00  }
0x51: {  	[tilespmem:s19], [sflag:$0x2] =	stream.linear.gather @!p0 [hbm4b:s6+s18], $0x80, $0x38;
	[tilespmem:$0xA540] =	vst v63  }
0x52: {  	s18 =	simm.s32 @!p0 $0x2  }
0x53: {  	_ =	swait.ge @!p0 [sflag:s18], $0x80  }
0x54: {  	[sflag:s18] =	ssyncset.done @!p0 $0x0  }
0x55: {  	s20 =	simm.s32 @!p0 $0x80;
	s21 =	simm.s32 @!p0 $0x5100;
	[sflag:s18] =	ssyncadd.s32 @!p0 $0xFFFFFF80  }
0x56: {  	[spmem:s2] =	stream.indirect.scatter.add.f32 @!p0 [tilespmem:s21], [sflag:$0x2], $0x1, s19, s20, $0xb8;
	[tilespmem:$0xA540] =	vst v63  }
0x57: {  	_ =	swait.ge @!p0 [sflag:s18], $0x80  }
0x58: {  	[sflag:s18] =	ssyncset.done @!p0 $0x0  }
0x59: {  	[sflag:s18] =	ssyncadd.s32 @!p0 $0xFFFFFF80  }
0x5a: {  	_ =	swait.ge [sflag:s14], $0x80  }
0x5b: {  	s18 =	simm.s32 $0x9B;
	[sflag:s14] =	ssyncset.done $0x0  }
.LBB2_4:
0x5c: {  	p1 =	sne.s32 s18, $0x1;
	s18 =	sadd.s32 $0xFFFFFFFF, s18;
	[sflag:s14] =	ssyncadd.s32 $0xFFFFFF80  }
.Ltmp1:
0x5d: {  	(pc) =	sbr.rel @p1 .LBB2_4-.Ltmp1, $3  }
0x5e: {  	_ =	sdelay $0x1  }
0x5f: {  	_ =	swait.ge [sflag:s14], $0x80  }
0x60: {  	[sflag:s14] =	ssyncset.done $0x0  }
0x61: {  	[sflag:s14] =	ssyncadd.s32 $0xFFFFFF80  }
0x62: {  	[bflag:$0x0] =	sbarrier.arrive $0xFFFF  }
0x63: {  	[tilespmem:s15], [sflag:$0x2] =	stream.linear.gather [spmem:s7], $0x140, $0x38;
	[tilespmem:$0xA540] =	vst v63  }
0x64: {  	_ =	swait.ge [sflag:s11], $0x140  }
0x65: {  	s18 =	simm.s32 $0x0;
	[sflag:s11] =	ssyncset.done $0x0  }
0x66: {  	s19 =	simm.s32 $0x0;
	s20 =	simm.s32 $0x40;
	[sflag:s11] =	ssyncadd.s32 $0xFFFFFEC0  }
.LBB2_6:
0x67: {  	p1 =	sne.s32 s20, $0x4C0;
	v2 =	vld [tilespmem:s19+$0x5180];
	_ =	sdelay $0x4  }
0x68: {  	v2 =	vadd.f32 $1.000000000e+00, v2;
	_ =	sdelay $0x1  }
0x69: {  	v3 =	vshra.s32 v2, $0x1;
	v2 =	vmul.f32 $5.000000000e-01, v2  }
0x6a: {  	v3 =	vsub.s32 $0x5F3759DF, v3  }
0x6b: {  	v4 =	vmul.f32 v3, v2;
	_ =	sdelay $0x1  }
0x6c: {  	v4 =	vmul.f32 v3, v4;
	_ =	sdelay $0x1  }
0x6d: {  	v4 =	vsub.f32 $1.500000000e+00, v4;
	_ =	sdelay $0x1  }
0x6e: {  	v3 =	vmul.f32 v3, v4;
	_ =	sdelay $0x1  }
0x6f: {  	v4 =	vmul.f32 v3, v2;
	_ =	sdelay $0x1  }
0x70: {  	v4 =	vmul.f32 v4, v3;
	_ =	sdelay $0x1  }
0x71: {  	v4 =	vsub.f32 $1.500000000e+00, v4;
	_ =	sdelay $0x1  }
0x72: {  	v3 =	vmul.f32 v4, v3;
	_ =	sdelay $0x1  }
0x73: {  	v2 =	vmul.f32 v3, v2;
	_ =	sdelay $0x1  }
0x74: {  	v2 =	vmul.f32 v2, v3;
	_ =	sdelay $0x1  }
.Ltmp2:
0x75: {  	v2 =	vsub.f32 $1.500000000e+00, v2;
	(pc) =	sbr.rel @p1 .LBB2_6-.Ltmp2, $3  }
0x76: {  	_ = 	snop  }
0x77: {  	v2 =	vmul.f32 v2, v3;
	_ =	sdelay $0x1  }
0x78: {  	[tilespmem:s19+$0x5180] =	vst v2;
	s19 =	sshra.s32 s20, $0x2;
	s20 =	sadd.s32 $0x40, s20  }
0x79: {  	v2 =	vld [tilespmem:s19+$0x5180];
	_ =	sdelay $0x4  }
0x7a: {  	v2 =	vadd.f32 $1.000000000e+00, v2;
	_ =	sdelay $0x1  }
0x7b: {  	v3 =	vshra.s32 v2, $0x1;
	v2 =	vmul.f32 $5.000000000e-01, v2  }
0x7c: {  	v3 =	vsub.s32 $0x5F3759DF, v3  }
0x7d: {  	v4 =	vmul.f32 v3, v2;
	_ =	sdelay $0x1  }
0x7e: {  	v4 =	vmul.f32 v3, v4;
	_ =	sdelay $0x1  }
0x7f: {  	v4 =	vsub.f32 $1.500000000e+00, v4;
	_ =	sdelay $0x1  }
0x80: {  	v3 =	vmul.f32 v3, v4;
	_ =	sdelay $0x1  }
0x81: {  	v4 =	vmul.f32 v3, v2;
	_ =	sdelay $0x1  }
0x82: {  	v4 =	vmul.f32 v4, v3;
	_ =	sdelay $0x1  }
0x83: {  	v4 =	vsub.f32 $1.500000000e+00, v4;
	_ =	sdelay $0x1  }
0x84: {  	v3 =	vmul.f32 v4, v3;
	_ =	sdelay $0x1  }
0x85: {  	v2 =	vmul.f32 v3, v2;
	_ =	sdelay $0x1  }
0x86: {  	v2 =	vmul.f32 v2, v3;
	_ =	sdelay $0x1  }
0x87: {  	v4 =	vmov s18;
	v2 =	vsub.f32 $1.500000000e+00, v2;
	_ =	sdelay $0x1  }
0x88: {  	v2 =	vmul.f32 v2, v3;
	_ =	sdelay $0x1  }
0x89: {  	[tilespmem:s19+$0x5180] =	vst v2  }
0x8a: {  	v2 =	vld.idx.msk [tilespmem:v4+s15+$0x0], $0xffff;
	_ =	sdelay $0x2  }
0x8b: {  	s31 =	simm.s32 $0x1  }
0x8c: {  	s18 =	simm.s32 $0x52E0;
	v3 =	vmov s31;
	s19 =	simm.s32 $0x2  }
.LBB2_8:
0x8d: {  	p1 =	sne.s32 s19, $0x13F;
	[tilespmem:s18+$0xFFFFFFE0] =	vst v2  }
0x8e: {  	[tilespmem:s18+$0xFFFFFFF0] =	vst v2  }
0x8f: {  	[tilespmem:s18+$0x0] =	vst v2  }
0x90: {  	[tilespmem:s18+$0x10] =	vst v2  }
0x91: {  	v2 =	vld.idx.msk [tilespmem:v3+s15+$0x0], $0xffff  }
.Ltmp3:
0x92: {  	(pc) =	sbr.rel @p1 .LBB2_8-.Ltmp3, $2  }
0x93: {  	_ =	sdelay $0x2  }
0x94: {  	s18 =	sadd.s32 $0x40, s18;
	v3 =	vmov s19;
	s19 =	sadd.s32 $0x1, s19  }
0x95: {  	[tilespmem:s18+$0xFFFFFFE0] =	vst v2  }
0x96: {  	[tilespmem:s18+$0xFFFFFFF0] =	vst v2  }
0x97: {  	[tilespmem:s18+$0x0] =	vst v2  }
0x98: {  	[tilespmem:s18+$0x10] =	vst v2  }
0x99: {  	v2 =	vld.idx.msk [tilespmem:v3+s15+$0x0], $0xffff;
	_ =	sdelay $0x3  }
0x9a: {  	s31 =	sadd.s32 $0x40, s18  }
0x9b: {  	[tilespmem:s31+$0xFFFFFFE0] =	vst v2  }
0x9c: {  	s17 =	sadd.s32 $0x1, s17;
	[tilespmem:s31+$0xFFFFFFF0] =	vst v2  }
0x9d: {  	p1 =	sne.s32 s17, s9;
	[tilespmem:s31+$0x0] =	vst v2  }
.Ltmp4:
0x9e: {  	[tilespmem:s31+$0x10] =	vst v2;
	(pc) =	sbr.rel @p1 .LBB2_1-.Ltmp4, $4  }
0x9f: {  	[hbm4b:s8+s3] =	stream.linear.scatter [tilespmem:s16], [sflag:$0x2], $0x5000, $0x38;
	[tilespmem:$0xA540] =	vst v63  }
0xa0: {  	_ =	swait.ge [sflag:s11], $0x5000  }
0xa1: {  	[sflag:s11] =	ssyncset.done $0x0  }
0xa2: {  	[sflag:s11] =	ssyncadd.s32 $0xFFFFB000  }
0xa3: {  	_ =	sfence.sel $0x180000  }
0xa4: {  	[bflag:$0x0] =	sbarrier.arrive $0xFFFF  }
0xa5: {  	p0 =	sne.s32 s1, $0x0;
	_ =	strace $0x90000047  }
0xa6: {  	s0 =	sadd.s32 @!p0 $0x100000, s0;
	[bflag:$0x2] =	sbarrier.arrive $0xFFFF  }
0xa7: {  	[sflag:s0] =	ssyncadd.tile.s32 @!p0 $0x1;
	_ =	shalt  }
.Lfunc_end2:
_tile_overlayer_lowered:
.L_overlay_start_2:
0xa8: {  	(tag) =	ssettag $0x2  }
0xa9: {  	s0 =	rddreg [dreg:$0x0];
	s2 =	stileid.u32  }
0xaa: {  	s1 =	rddreg [dreg:$0x1];
	p0 =	sne.s32 s2, $0x0  }
0xab: {  	s3 =	rddreg [dreg:$0x2];
	[bflag:$0x3] =	sbarrier.arrive $0xFFFF;
	s2 =	simm.s32 @!p0 $0x1C02  }
0xac: {  	[timem:s3], [sflag:s2] =	dma.local @!p0 [hbm:s0], s1  }
0xad: {  	s0 =	simm.s32 @!p0 $0x2  }
0xae: {  	_ =	swait.ge @!p0 [sflag:s0], s1  }
0xaf: {  	s1 =	ssub.s32 @!p0 $0x0, s1;
	[sflag:s0] =	ssyncset.done @!p0 $0x0  }
0xb0: {  	[sflag:s0] =	ssyncadd.s32 @!p0 s1  }
0xb1: {  	[bflag:$0x3] =	sbarrier.arrive $0xFFFF  }
0xb2: {  	_ =	shalt  }

</sc_bundles>
